<compile_context>
chip_gen: v7x
topology: tpu7x:2x2x1
jax: 0.10.2.dev20260603
libtpu: 0.0.44.dev20260713+nightly
codegen_flags: <defaults>
</compile_context>

<pallas_src>
import dataclasses
import functools

import jax
import jax.numpy as jnp
from jax import lax
from jax.experimental import pallas as pl
from jax.experimental.pallas import tpu as pltpu
from jax.experimental.pallas import tpu_sc as plsc

HP = 128
L = 16
NC, NS = 2, 16
NW = NC * NS
C = 32
NBUF = 2


def _body(num_rels, emb_hbm, wrel_hbm, sidx_hbm, ridx_hbm, oidx_hbm, out_hbm,
          sidx_v, oidx_v, rm_v, sbuf,
          srows, orows, rrows, sems, semo, semr, semout,
          table_sh, rel_sh):
    wid = lax.axis_index("s") * NC + lax.axis_index("c")
    per_w = out_hbm.shape[0] // NW
    nchunks = per_w // C
    base_w = wid * per_w

    @pl.when(lax.axis_index("s") == 0)
    def _stage():
        pltpu.sync_copy(emb_hbm, table_sh)
        pltpu.sync_copy(wrel_hbm, rel_sh)

    pltpu.sync_copy(sidx_hbm.at[pl.ds(base_w, per_w)], sidx_v)
    pltpu.sync_copy(oidx_hbm.at[pl.ds(base_w, per_w)], oidx_v)
    pltpu.sync_copy(ridx_hbm.at[pl.ds(base_w, per_w)], rm_v)

    @pl.loop(0, per_w, step=L)
    def _rmod(i):
        rm_v[pl.ds(i, L)] = lax.rem(rm_v[pl.ds(i, L)], num_rels)

    plsc.subcore_barrier()

    def fire(j, b):
        off = j * C
        pltpu.async_copy(table_sh.at[sidx_v.at[pl.ds(off, C)]], srows[b], sems[b])
        pltpu.async_copy(table_sh.at[oidx_v.at[pl.ds(off, C)]], orows[b], semo[b])
        pltpu.async_copy(rel_sh.at[rm_v.at[pl.ds(off, C)]], rrows[b], semr[b])

    def drain(b):
        pltpu.make_async_copy(table_sh.at[sidx_v.at[pl.ds(0, C)]], srows[b], sems[b]).wait()
        pltpu.make_async_copy(table_sh.at[oidx_v.at[pl.ds(0, C)]], orows[b], semo[b]).wait()
        pltpu.make_async_copy(rel_sh.at[rm_v.at[pl.ds(0, C)]], rrows[b], semr[b]).wait()

    t_iota = lax.iota(jnp.int32, L)

    def compute(j, b):
        sr, orr, rr = srows[b], orows[b], rrows[b]
        sb = sbuf[b]

        @pl.when(j >= NBUF)
        def _():
            pltpu.make_async_copy(sb, out_hbm.at[pl.ds(0, C)], semout[b]).wait()

        for g in range(C // L):

            def tstep(i, scorevec, g=g):
                t = g * L + i
                sref, oref, rref = sr.at[t], orr.at[t], rr.at[t]
                acc0 = jnp.zeros((L,), jnp.float32)
                acc1 = jnp.zeros((L,), jnp.float32)
                for k in range(HP // L):
                    sv = sref[pl.ds(k * L, L)]
                    ov = oref[pl.ds(k * L, L)]
                    rv = rref[pl.ds(k * L, L)]
                    sa, sb_ = plsc.unpack(plsc.bitcast(sv, jnp.bfloat16),
                                          format=plsc.PackFormat.INTERLEAVED,
                                          preferred_element_type=jnp.float32)
                    oa, ob = plsc.unpack(plsc.bitcast(ov, jnp.bfloat16),
                                         format=plsc.PackFormat.INTERLEAVED,
                                         preferred_element_type=jnp.float32)
                    ra, rb = plsc.unpack(plsc.bitcast(rv, jnp.bfloat16),
                                         format=plsc.PackFormat.INTERLEAVED,
                                         preferred_element_type=jnp.float32)
                    acc0 = acc0 + (sa * oa) * ra
                    acc1 = acc1 + (sb_ * ob) * rb
                s = jnp.sum(acc0 + acc1)
                return jnp.where(t_iota == i, s, scorevec)

            scorevec = lax.fori_loop(0, L, tstep, jnp.zeros((L,), jnp.float32))
            sb[pl.ds(g * L, L)] = scorevec

    for k in range(NBUF - 1):
        fire(k, k)

    @pl.loop(0, nchunks, step=NBUF)
    def _chunk(j):
        for b in range(NBUF):
            nxt = j + b + NBUF - 1

            @pl.when(nxt < nchunks)
            def _(nxt=nxt, b=b):
                fire(nxt, (b + NBUF - 1) % NBUF)

            drain(b)
            compute(j + b, b)
            pltpu.async_copy(sbuf[b], out_hbm.at[pl.ds(base_w + (j + b) * C, C)],
                             semout[b])

    for b in range(NBUF):
        pltpu.make_async_copy(sbuf[b], out_hbm.at[pl.ds(0, C)], semout[b]).wait()


@functools.partial(jax.jit, static_argnames=("num_rels", "padded_b"))
def _score(emb_packed, wrel_packed, sidx, ridx, oidx, *, num_rels, padded_b):
    mesh = plsc.VectorSubcoreMesh(core_axis_name="c", subcore_axis_name="s")
    cp = pltpu.CompilerParams()
    fields = pltpu.CompilerParams.__dataclass_fields__
    for name, val in (("needs_layout_passes", False),
                      ("use_tc_tiling_on_sc", False),
                      ("disable_bounds_checks", True)):
        if name in fields:
            cp = dataclasses.replace(cp, **{name: val})
    per_w = padded_b // NW
    f = pl.kernel(
        functools.partial(_body, num_rels),
        out_type=jax.ShapeDtypeStruct((padded_b,), jnp.float32),
        mesh=mesh,
        scratch_types=[
            pltpu.VMEM((per_w,), jnp.int32),
            pltpu.VMEM((per_w,), jnp.int32),
            pltpu.VMEM((per_w,), jnp.int32),
            [pltpu.VMEM((C,), jnp.float32)] * NBUF,
            [pltpu.VMEM((C, HP), jnp.int32)] * NBUF,
            [pltpu.VMEM((C, HP), jnp.int32)] * NBUF,
            [pltpu.VMEM((C, HP), jnp.int32)] * NBUF,
            [pltpu.SemaphoreType.DMA] * NBUF,
            [pltpu.SemaphoreType.DMA] * NBUF,
            [pltpu.SemaphoreType.DMA] * NBUF,
            [pltpu.SemaphoreType.DMA] * NBUF,
            pltpu.VMEM_SHARED(emb_packed.shape, jnp.int32),
            pltpu.VMEM_SHARED(wrel_packed.shape, jnp.int32),
        ],
        compiler_params=cp,
    )
    return f(emb_packed, wrel_packed, sidx, ridx, oidx)


def kernel(embedding, w_relation, triplets):
    b = triplets.shape[0]
    tile = NW * C * NBUF
    padded_b = ((b + tile - 1) // tile) * tile
    sidx = triplets[:, 0]
    ridx = triplets[:, 1]
    oidx = triplets[:, 2]
    if padded_b != b:
        z = jnp.zeros((padded_b - b,), jnp.int32)
        sidx = jnp.concatenate([sidx, z])
        ridx = jnp.concatenate([ridx, z])
        oidx = jnp.concatenate([oidx, z])
    n, h = embedding.shape
    emb_packed = lax.bitcast_convert_type(
        embedding.astype(jnp.bfloat16).reshape(n, h // 2, 2), jnp.int32)
    wrel_packed = lax.bitcast_convert_type(
        w_relation.astype(jnp.bfloat16).reshape(w_relation.shape[0], h // 2, 2),
        jnp.int32)
    scores = _score(emb_packed, wrel_packed, sidx, ridx, oidx,
                    num_rels=w_relation.shape[0], padded_b=padded_b)
    return scores[:b]

# --- scband reference (transcript-rebuilt; emitter-appended) ---
"""Pipeline reference for scband-dist-mult-32160715113081 (READ-ONLY COPY).

The authoritative reference and input builder live on the scoring server;
editing this copy changes nothing except your own understanding.
"""

import jax, jax.numpy as jnp
import numpy as np

NUM_NODES = 10000
H_DIM = 256
NUM_RELS = 200
NUM_TRIPLETS = 160000


def setup_inputs(seed: int = 0) -> dict:
    key = jax.random.key(seed)
    k1, k2, k3 = jax.random.split(key, 3)
    embedding = jax.random.normal(k1, (NUM_NODES, H_DIM), dtype=jnp.float32)
    triplets = jax.random.randint(k2, (NUM_TRIPLETS, 3), 0, NUM_NODES, dtype=jnp.int32)
    # xavier_uniform_ with gain=calculate_gain('relu')=sqrt(2) for w_relation[num_rels, h_dim]
    gain = float(np.sqrt(2.0))
    fan_in, fan_out = H_DIM, NUM_RELS  # torch: fan_in=size(1), fan_out=size(0)
    bound = gain * float(np.sqrt(6.0 / (fan_in + fan_out)))
    w_relation = jax.random.uniform(k3, (NUM_RELS, H_DIM), minval=-bound, maxval=bound, dtype=jnp.float32)
    return {"embedding": embedding, "w_relation": w_relation, "triplets": triplets}


def reference(embedding, w_relation, triplets):
    # DistMult.calc_score: score = sum(s * r * o, dim=1)
    num_rels = w_relation.shape[0]
    s = jnp.take(embedding, triplets[:, 0], axis=0)
    r = jnp.take(w_relation, jnp.mod(triplets[:, 1], num_rels), axis=0)
    o = jnp.take(embedding, triplets[:, 2], axis=0)
    score = jnp.sum(s * r * o, axis=1)
    # isSigmoid=False -> raw logits returned
    return score

if __name__ == "__main__":
    import jax
    _d = setup_inputs()
    print(jax.jit(kernel)(*tuple(_d.values())))

</pallas_src>

<mosaic_0001>
#map = affine_map<(d0, d1) -> (0, 0)>
#map1 = affine_map<(d0, d1) -> (0)>
module attributes {stable_mosaic.version = 14 : i64} {
  func.func @_body(%arg0: i32, %arg1: i32, %arg2: memref<10000x128xi32, #tpu.memory_space<hbm>>, %arg3: memref<200x128xi32, #tpu.memory_space<hbm>>, %arg4: memref<161792xi32, #tpu.memory_space<hbm>>, %arg5: memref<161792xi32, #tpu.memory_space<hbm>>, %arg6: memref<161792xi32, #tpu.memory_space<hbm>>, %arg7: memref<161792xf32, #tpu.memory_space<hbm>>, %arg8: memref<5056xi32, #tpu.memory_space<vmem>>, %arg9: memref<5056xi32, #tpu.memory_space<vmem>>, %arg10: memref<5056xi32, #tpu.memory_space<vmem>>, %arg11: memref<32xf32, #tpu.memory_space<vmem>>, %arg12: memref<32xf32, #tpu.memory_space<vmem>>, %arg13: memref<32x128xi32, #tpu.memory_space<vmem>>, %arg14: memref<32x128xi32, #tpu.memory_space<vmem>>, %arg15: memref<32x128xi32, #tpu.memory_space<vmem>>, %arg16: memref<32x128xi32, #tpu.memory_space<vmem>>, %arg17: memref<32x128xi32, #tpu.memory_space<vmem>>, %arg18: memref<32x128xi32, #tpu.memory_space<vmem>>, %arg19: memref<!tpu.dma_semaphore, #tpu.memory_space<semaphore_mem>>, %arg20: memref<!tpu.dma_semaphore, #tpu.memory_space<semaphore_mem>>, %arg21: memref<!tpu.dma_semaphore, #tpu.memory_space<semaphore_mem>>, %arg22: memref<!tpu.dma_semaphore, #tpu.memory_space<semaphore_mem>>, %arg23: memref<!tpu.dma_semaphore, #tpu.memory_space<semaphore_mem>>, %arg24: memref<!tpu.dma_semaphore, #tpu.memory_space<semaphore_mem>>, %arg25: memref<!tpu.dma_semaphore, #tpu.memory_space<semaphore_mem>>, %arg26: memref<!tpu.dma_semaphore, #tpu.memory_space<semaphore_mem>>, %arg27: memref<10000x128xi32, #tpu.memory_space<vmem_shared>>, %arg28: memref<200x128xi32, #tpu.memory_space<vmem_shared>>) attributes {dimension_semantics = [#tpu.dimension_semantics<core_parallel>, #tpu.dimension_semantics<subcore_parallel>], iteration_bounds = array<i64: 2, 16>, scalar_prefetch = 0 : i64, scratch_operands = 21 : i64, tpu.core_type = #tpu.core_type<sc_vector_subcore>, window_params = [{transform_indices = #map}, {transform_indices = #map}, {transform_indices = #map1}, {transform_indices = #map1}, {transform_indices = #map1}, {transform_indices = #map1}]} {
    %mul3A = arith.constant 2 : i32
    %mul3A_0 = arith.muli %arg1, %mul3A : i32
    %add3A = arith.addi %mul3A_0, %arg0 : i32
    %mul3A_1 = arith.constant 5056 : i32
    %mul3A_2 = arith.muli %add3A, %mul3A_1 : i32
    %eq3A = arith.constant 0 : i32
    %eq3A_3 = arith.cmpi eq, %arg1, %eq3A : i32
    %convert_element_type3A = arith.extui %eq3A_3 : i1 to i32
    %cond3A = arith.constant 0 : i32
    %cond3A_4 = arith.cmpi ne, %convert_element_type3A, %cond3A : i32
    scf.if %cond3A_4 {
      "tpu.region"() ({
        %run_scoped3A = tpu.sem_alloc : memref<!tpu.dma_semaphore, #tpu.memory_space<semaphore_mem>>
        tpu.enqueue_dma source(%arg2 : memref<10000x128xi32, #tpu.memory_space<hbm>>) target(%arg27 : memref<10000x128xi32, #tpu.memory_space<vmem_shared>>) target_semaphore(%run_scoped3A : memref<!tpu.dma_semaphore, #tpu.memory_space<semaphore_mem>>)
        tpu.wait_dma2 semaphore(%run_scoped3A : memref<!tpu.dma_semaphore, #tpu.memory_space<semaphore_mem>>) src(%arg2 : memref<10000x128xi32, #tpu.memory_space<hbm>>) dst(%arg27 : memref<10000x128xi32, #tpu.memory_space<vmem_shared>>)
        tpu.yield
      }) : () -> ()
      "tpu.region"() ({
        %run_scoped3A = tpu.sem_alloc : memref<!tpu.dma_semaphore, #tpu.memory_space<semaphore_mem>>
        tpu.enqueue_dma source(%arg3 : memref<200x128xi32, #tpu.memory_space<hbm>>) target(%arg28 : memref<200x128xi32, #tpu.memory_space<vmem_shared>>) target_semaphore(%run_scoped3A : memref<!tpu.dma_semaphore, #tpu.memory_space<semaphore_mem>>)
        tpu.wait_dma2 semaphore(%run_scoped3A : memref<!tpu.dma_semaphore, #tpu.memory_space<semaphore_mem>>) src(%arg3 : memref<200x128xi32, #tpu.memory_space<hbm>>) dst(%arg28 : memref<200x128xi32, #tpu.memory_space<vmem_shared>>)
        tpu.yield
      }) : () -> ()
    } else {
    }
    "tpu.region"() ({
      %run_scoped3A = tpu.sem_alloc : memref<!tpu.dma_semaphore, #tpu.memory_space<semaphore_mem>>
      %dma_start3A_35 = tpu.memref_slice %arg4[%mul3A_2] : memref<161792xi32, #tpu.memory_space<hbm>> -> memref<5056xi32, #tpu.memory_space<hbm>>
      %dma_start3A_36 = tpu.memref_slice %arg4[%mul3A_2] : memref<161792xi32, #tpu.memory_space<hbm>> -> memref<5056xi32, #tpu.memory_space<hbm>>
      tpu.enqueue_dma source(%dma_start3A_36 : memref<5056xi32, #tpu.memory_space<hbm>>) target(%arg8 : memref<5056xi32, #tpu.memory_space<vmem>>) target_semaphore(%run_scoped3A : memref<!tpu.dma_semaphore, #tpu.memory_space<semaphore_mem>>)
      %dma_wait3A_37 = tpu.memref_slice %arg4[%mul3A_2] : memref<161792xi32, #tpu.memory_space<hbm>> -> memref<5056xi32, #tpu.memory_space<hbm>>
      %dma_wait3A_38 = tpu.memref_slice %arg4[%mul3A_2] : memref<161792xi32, #tpu.memory_space<hbm>> -> memref<5056xi32, #tpu.memory_space<hbm>>
      tpu.wait_dma2 semaphore(%run_scoped3A : memref<!tpu.dma_semaphore, #tpu.memory_space<semaphore_mem>>) src(%dma_wait3A_38 : memref<5056xi32, #tpu.memory_space<hbm>>) dst(%arg8 : memref<5056xi32, #tpu.memory_space<vmem>>)
      tpu.yield
    }) : () -> ()
    "tpu.region"() ({
      %run_scoped3A = tpu.sem_alloc : memref<!tpu.dma_semaphore, #tpu.memory_space<semaphore_mem>>
      %dma_start3A_35 = tpu.memref_slice %arg6[%mul3A_2] : memref<161792xi32, #tpu.memory_space<hbm>> -> memref<5056xi32, #tpu.memory_space<hbm>>
      %dma_start3A_36 = tpu.memref_slice %arg6[%mul3A_2] : memref<161792xi32, #tpu.memory_space<hbm>> -> memref<5056xi32, #tpu.memory_space<hbm>>
      tpu.enqueue_dma source(%dma_start3A_36 : memref<5056xi32, #tpu.memory_space<hbm>>) target(%arg9 : memref<5056xi32, #tpu.memory_space<vmem>>) target_semaphore(%run_scoped3A : memref<!tpu.dma_semaphore, #tpu.memory_space<semaphore_mem>>)
      %dma_wait3A_37 = tpu.memref_slice %arg6[%mul3A_2] : memref<161792xi32, #tpu.memory_space<hbm>> -> memref<5056xi32, #tpu.memory_space<hbm>>
      %dma_wait3A_38 = tpu.memref_slice %arg6[%mul3A_2] : memref<161792xi32, #tpu.memory_space<hbm>> -> memref<5056xi32, #tpu.memory_space<hbm>>
      tpu.wait_dma2 semaphore(%run_scoped3A : memref<!tpu.dma_semaphore, #tpu.memory_space<semaphore_mem>>) src(%dma_wait3A_38 : memref<5056xi32, #tpu.memory_space<hbm>>) dst(%arg9 : memref<5056xi32, #tpu.memory_space<vmem>>)
      tpu.yield
    }) : () -> ()
    "tpu.region"() ({
      %run_scoped3A = tpu.sem_alloc : memref<!tpu.dma_semaphore, #tpu.memory_space<semaphore_mem>>
      %dma_start3A_35 = tpu.memref_slice %arg5[%mul3A_2] : memref<161792xi32, #tpu.memory_space<hbm>> -> memref<5056xi32, #tpu.memory_space<hbm>>
      %dma_start3A_36 = tpu.memref_slice %arg5[%mul3A_2] : memref<161792xi32, #tpu.memory_space<hbm>> -> memref<5056xi32, #tpu.memory_space<hbm>>
      tpu.enqueue_dma source(%dma_start3A_36 : memref<5056xi32, #tpu.memory_space<hbm>>) target(%arg10 : memref<5056xi32, #tpu.memory_space<vmem>>) target_semaphore(%run_scoped3A : memref<!tpu.dma_semaphore, #tpu.memory_space<semaphore_mem>>)
      %dma_wait3A_37 = tpu.memref_slice %arg5[%mul3A_2] : memref<161792xi32, #tpu.memory_space<hbm>> -> memref<5056xi32, #tpu.memory_space<hbm>>
      %dma_wait3A_38 = tpu.memref_slice %arg5[%mul3A_2] : memref<161792xi32, #tpu.memory_space<hbm>> -> memref<5056xi32, #tpu.memory_space<hbm>>
      tpu.wait_dma2 semaphore(%run_scoped3A : memref<!tpu.dma_semaphore, #tpu.memory_space<semaphore_mem>>) src(%dma_wait3A_38 : memref<5056xi32, #tpu.memory_space<hbm>>) dst(%arg10 : memref<5056xi32, #tpu.memory_space<vmem>>)
      tpu.yield
    }) : () -> ()
    %scan3A = arith.constant 0 : i32
    %scan3A_5 = arith.constant 316 : i32
    %scan3A_6 = arith.addi %scan3A, %scan3A_5 : i32
    %scan3A_7 = arith.constant 1 : i32
    scf.for %scan3A_35 = %scan3A to %scan3A_6 step %scan3A_7  : i32 {
      %mul3A_36 = arith.constant 16 : i32
      %mul3A_37 = arith.muli %scan3A_35, %mul3A_36 : i32
      %add3A_38 = arith.constant 0 : i32
      %add3A_39 = arith.addi %add3A_38, %mul3A_37 : i32
      %get3A = arith.index_cast %add3A_39 : i32 to index
      %get3A_40 = tpu.vector_load %arg10[%get3A] {strides = array<i32>} : memref<5056xi32, #tpu.memory_space<vmem>>, vector<16xi32>,
      %rem3A = arith.constant 200 : i32
      %rem3A_41 = vector.broadcast %rem3A : i32 to vector<16xi32>
      %rem3A_42 = arith.remsi %get3A_40, %rem3A_41 : vector<16xi32>
      %swap3A = arith.index_cast %add3A_39 : i32 to index
      %swap3A_43 = tpu.vector_load %arg10[%swap3A] {strides = array<i32>} : memref<5056xi32, #tpu.memory_space<vmem>>, vector<16xi32>,
      tpu.vector_store %arg10[%swap3A], %rem3A_42 {strides = array<i32>} : memref<5056xi32, #tpu.memory_space<vmem>>, vector<16xi32>,
    }
    %scan3A_8 = arith.constant 316 : i32
    %barrier3A = arith.constant 0 : index
    tpu.barrier barrier_id(%barrier3A)
    %iota3A = tpu.iota {dimensions = array<i32: 0>} : vector<16xi32>
    %dma_start3A = arith.constant 0 : i32
    %dma_start3A_9 = tpu.memref_slice %arg8[%dma_start3A] : memref<5056xi32, #tpu.memory_space<vmem>> -> memref<32xi32, #tpu.memory_space<vmem>>
    %dma_start3A_10 = arith.constant 0 : i32
    %dma_start3A_11 = arith.constant 0 : i32
    %dma_start3A_12 = tpu.memref_slice %arg27[%dma_start3A_10, %dma_start3A_11] : memref<10000x128xi32, #tpu.memory_space<vmem_shared>> -> memref<10000x128xi32, #tpu.memory_space<vmem_shared>>
    tpu.enqueue_indirect_dma source(%dma_start3A_12 : memref<10000x128xi32, #tpu.memory_space<vmem_shared>>) target(%arg13 : memref<32x128xi32, #tpu.memory_space<vmem>>) offsets(%dma_start3A_9 : memref<32xi32, #tpu.memory_space<vmem>>) semaphore(%arg19 : memref<!tpu.dma_semaphore, #tpu.memory_space<semaphore_mem>>)
    %dma_start3A_13 = arith.constant 0 : i32
    %dma_start3A_14 = tpu.memref_slice %arg9[%dma_start3A_13] : memref<5056xi32, #tpu.memory_space<vmem>> -> memref<32xi32, #tpu.memory_space<vmem>>
    %dma_start3A_15 = arith.constant 0 : i32
    %dma_start3A_16 = arith.constant 0 : i32
    %dma_start3A_17 = tpu.memref_slice %arg27[%dma_start3A_15, %dma_start3A_16] : memref<10000x128xi32, #tpu.memory_space<vmem_shared>> -> memref<10000x128xi32, #tpu.memory_space<vmem_shared>>
    tpu.enqueue_indirect_dma source(%dma_start3A_17 : memref<10000x128xi32, #tpu.memory_space<vmem_shared>>) target(%arg15 : memref<32x128xi32, #tpu.memory_space<vmem>>) offsets(%dma_start3A_14 : memref<32xi32, #tpu.memory_space<vmem>>) semaphore(%arg21 : memref<!tpu.dma_semaphore, #tpu.memory_space<semaphore_mem>>)
    %dma_start3A_18 = arith.constant 0 : i32
    %dma_start3A_19 = tpu.memref_slice %arg10[%dma_start3A_18] : memref<5056xi32, #tpu.memory_space<vmem>> -> memref<32xi32, #tpu.memory_space<vmem>>
    %dma_start3A_20 = arith.constant 0 : i32
    %dma_start3A_21 = arith.constant 0 : i32
    %dma_start3A_22 = tpu.memref_slice %arg28[%dma_start3A_20, %dma_start3A_21] : memref<200x128xi32, #tpu.memory_space<vmem_shared>> -> memref<200x128xi32, #tpu.memory_space<vmem_shared>>
    tpu.enqueue_indirect_dma source(%dma_start3A_22 : memref<200x128xi32, #tpu.memory_space<vmem_shared>>) target(%arg17 : memref<32x128xi32, #tpu.memory_space<vmem>>) offsets(%dma_start3A_19 : memref<32xi32, #tpu.memory_space<vmem>>) semaphore(%arg23 : memref<!tpu.dma_semaphore, #tpu.memory_space<semaphore_mem>>)
    %scan3A_23 = arith.constant 0 : i32
    %scan3A_24 = arith.constant 79 : i32
    %scan3A_25 = arith.addi %scan3A_23, %scan3A_24 : i32
    %scan3A_26 = arith.constant 1 : i32
    scf.for %scan3A_35 = %scan3A_23 to %scan3A_25 step %scan3A_26  : i32 {
      %mul3A_36 = arith.constant 2 : i32
      %mul3A_37 = arith.muli %scan3A_35, %mul3A_36 : i32
      %add3A_38 = arith.constant 0 : i32
      %add3A_39 = arith.addi %add3A_38, %mul3A_37 : i32
      %add3A_40 = arith.constant 0 : i32
      %add3A_41 = arith.addi %add3A_39, %add3A_40 : i32
      %add3A_42 = arith.constant 2 : i32
      %add3A_43 = arith.addi %add3A_41, %add3A_42 : i32
      %sub3A = arith.constant 1 : i32
      %sub3A_44 = arith.subi %add3A_43, %sub3A : i32
      %lt3A = arith.constant 158 : i32
      %lt3A_45 = arith.cmpi slt, %sub3A_44, %lt3A : i32
      %convert_element_type3A_46 = arith.extui %lt3A_45 : i1 to i32
      %cond3A_47 = arith.constant 0 : i32
      %cond3A_48 = arith.cmpi ne, %convert_element_type3A_46, %cond3A_47 : i32
      scf.if %cond3A_48 {
        %mul3A_155 = arith.constant 32 : i32
        %mul3A_156 = arith.muli %sub3A_44, %mul3A_155 : i32
        %dma_start3A_157 = tpu.memref_slice %arg8[%mul3A_156] : memref<5056xi32, #tpu.memory_space<vmem>> -> memref<32xi32, #tpu.memory_space<vmem>>
        %dma_start3A_158 = arith.constant 0 : i32
        %dma_start3A_159 = arith.constant 0 : i32
        %dma_start3A_160 = tpu.memref_slice %arg27[%dma_start3A_158, %dma_start3A_159] : memref<10000x128xi32, #tpu.memory_space<vmem_shared>> -> memref<10000x128xi32, #tpu.memory_space<vmem_shared>>
        tpu.enqueue_indirect_dma source(%dma_start3A_160 : memref<10000x128xi32, #tpu.memory_space<vmem_shared>>) target(%arg14 : memref<32x128xi32, #tpu.memory_space<vmem>>) offsets(%dma_start3A_157 : memref<32xi32, #tpu.memory_space<vmem>>) semaphore(%arg20 : memref<!tpu.dma_semaphore, #tpu.memory_space<semaphore_mem>>)
        %dma_start3A_161 = tpu.memref_slice %arg9[%mul3A_156] : memref<5056xi32, #tpu.memory_space<vmem>> -> memref<32xi32, #tpu.memory_space<vmem>>
        %dma_start3A_162 = arith.constant 0 : i32
        %dma_start3A_163 = arith.constant 0 : i32
        %dma_start3A_164 = tpu.memref_slice %arg27[%dma_start3A_162, %dma_start3A_163] : memref<10000x128xi32, #tpu.memory_space<vmem_shared>> -> memref<10000x128xi32, #tpu.memory_space<vmem_shared>>
        tpu.enqueue_indirect_dma source(%dma_start3A_164 : memref<10000x128xi32, #tpu.memory_space<vmem_shared>>) target(%arg16 : memref<32x128xi32, #tpu.memory_space<vmem>>) offsets(%dma_start3A_161 : memref<32xi32, #tpu.memory_space<vmem>>) semaphore(%arg22 : memref<!tpu.dma_semaphore, #tpu.memory_space<semaphore_mem>>)
        %dma_start3A_165 = tpu.memref_slice %arg10[%mul3A_156] : memref<5056xi32, #tpu.memory_space<vmem>> -> memref<32xi32, #tpu.memory_space<vmem>>
        %dma_start3A_166 = arith.constant 0 : i32
        %dma_start3A_167 = arith.constant 0 : i32
        %dma_start3A_168 = tpu.memref_slice %arg28[%dma_start3A_166, %dma_start3A_167] : memref<200x128xi32, #tpu.memory_space<vmem_shared>> -> memref<200x128xi32, #tpu.memory_space<vmem_shared>>
        tpu.enqueue_indirect_dma source(%dma_start3A_168 : memref<200x128xi32, #tpu.memory_space<vmem_shared>>) target(%arg18 : memref<32x128xi32, #tpu.memory_space<vmem>>) offsets(%dma_start3A_165 : memref<32xi32, #tpu.memory_space<vmem>>) semaphore(%arg24 : memref<!tpu.dma_semaphore, #tpu.memory_space<semaphore_mem>>)
      } else {
      }
      %dma_wait3A_49 = arith.constant 0 : i32
      %dma_wait3A_50 = tpu.memref_slice %arg8[%dma_wait3A_49] : memref<5056xi32, #tpu.memory_space<vmem>> -> memref<32xi32, #tpu.memory_space<vmem>>
      %dma_wait3A_51 = arith.constant 0 : i32
      %dma_wait3A_52 = arith.constant 0 : i32
      %dma_wait3A_53 = tpu.memref_slice %arg27[%dma_wait3A_51, %dma_wait3A_52] : memref<10000x128xi32, #tpu.memory_space<vmem_shared>> -> memref<10000x128xi32, #tpu.memory_space<vmem_shared>>
      tpu.wait_indirect_dma semaphore(%arg19 : memref<!tpu.dma_semaphore, #tpu.memory_space<semaphore_mem>>) src(%dma_wait3A_53 : memref<10000x128xi32, #tpu.memory_space<vmem_shared>>) dst(%arg13 : memref<32x128xi32, #tpu.memory_space<vmem>>)
      %dma_wait3A_54 = arith.constant 0 : i32
      %dma_wait3A_55 = tpu.memref_slice %arg9[%dma_wait3A_54] : memref<5056xi32, #tpu.memory_space<vmem>> -> memref<32xi32, #tpu.memory_space<vmem>>
      %dma_wait3A_56 = arith.constant 0 : i32
      %dma_wait3A_57 = arith.constant 0 : i32
      %dma_wait3A_58 = tpu.memref_slice %arg27[%dma_wait3A_56, %dma_wait3A_57] : memref<10000x128xi32, #tpu.memory_space<vmem_shared>> -> memref<10000x128xi32, #tpu.memory_space<vmem_shared>>
      tpu.wait_indirect_dma semaphore(%arg21 : memref<!tpu.dma_semaphore, #tpu.memory_space<semaphore_mem>>) src(%dma_wait3A_58 : memref<10000x128xi32, #tpu.memory_space<vmem_shared>>) dst(%arg15 : memref<32x128xi32, #tpu.memory_space<vmem>>)
      %dma_wait3A_59 = arith.constant 0 : i32
      %dma_wait3A_60 = tpu.memref_slice %arg10[%dma_wait3A_59] : memref<5056xi32, #tpu.memory_space<vmem>> -> memref<32xi32, #tpu.memory_space<vmem>>
      %dma_wait3A_61 = arith.constant 0 : i32
      %dma_wait3A_62 = arith.constant 0 : i32
      %dma_wait3A_63 = tpu.memref_slice %arg28[%dma_wait3A_61, %dma_wait3A_62] : memref<200x128xi32, #tpu.memory_space<vmem_shared>> -> memref<200x128xi32, #tpu.memory_space<vmem_shared>>
      tpu.wait_indirect_dma semaphore(%arg23 : memref<!tpu.dma_semaphore, #tpu.memory_space<semaphore_mem>>) src(%dma_wait3A_63 : memref<200x128xi32, #tpu.memory_space<vmem_shared>>) dst(%arg17 : memref<32x128xi32, #tpu.memory_space<vmem>>)
      %add3A_64 = arith.constant 0 : i32
      %add3A_65 = arith.addi %add3A_39, %add3A_64 : i32
      %ge3A = arith.constant 2 : i32
      %ge3A_66 = arith.cmpi sge, %add3A_65, %ge3A : i32
      %convert_element_type3A_67 = arith.extui %ge3A_66 : i1 to i32
      %cond3A_68 = arith.constant 0 : i32
      %cond3A_69 = arith.cmpi ne, %convert_element_type3A_67, %cond3A_68 : i32
      scf.if %cond3A_69 {
        %dma_wait3A_155 = arith.constant 0 : i32
        %dma_wait3A_156 = tpu.memref_slice %arg7[%dma_wait3A_155] : memref<161792xf32, #tpu.memory_space<hbm>> -> memref<32xf32, #tpu.memory_space<hbm>>
        %dma_wait3A_157 = arith.constant 0 : i32
        %dma_wait3A_158 = tpu.memref_slice %arg7[%dma_wait3A_157] : memref<161792xf32, #tpu.memory_space<hbm>> -> memref<32xf32, #tpu.memory_space<hbm>>
        tpu.wait_dma2 semaphore(%arg25 : memref<!tpu.dma_semaphore, #tpu.memory_space<semaphore_mem>>) src(%arg11 : memref<32xf32, #tpu.memory_space<vmem>>) dst(%dma_wait3A_158 : memref<32xf32, #tpu.memory_space<hbm>>)
      } else {
      }
      %broadcast_in_dim3A = arith.constant 0.000000e+00 : f32
      %broadcast_in_dim3A_70 = vector.broadcast %broadcast_in_dim3A : f32 to vector<16xf32>
      %scan3A_71 = arith.constant 0 : i32
      %scan3A_72 = arith.constant 16 : i32
      %scan3A_73 = arith.addi %scan3A_71, %scan3A_72 : i32
      %scan3A_74 = arith.constant 1 : i32
      %scan3A_75 = scf.for %scan3A_155 = %scan3A_71 to %scan3A_73 step %scan3A_74 iter_args(%scan3A_156 = %broadcast_in_dim3A_70) -> (vector<16xf32>)  : i32 {
        %add3A_157 = arith.constant 0 : i32
        %add3A_158 = arith.addi %add3A_157, %scan3A_155 : i32
        %broadcast_in_dim3A_159 = arith.constant 0.000000e+00 : f32
        %broadcast_in_dim3A_160 = vector.broadcast %broadcast_in_dim3A_159 : f32 to vector<16xf32>
        %broadcast_in_dim3A_161 = arith.constant 0.000000e+00 : f32
        %broadcast_in_dim3A_162 = vector.broadcast %broadcast_in_dim3A_161 : f32 to vector<16xf32>
        %get3A = arith.constant 0 : i32
        %get3A_163 = tpu.memref_slice %arg13[%add3A_158, %get3A] : memref<32x128xi32, #tpu.memory_space<vmem>> -> memref<1x128xi32, #tpu.memory_space<vmem>>
        %get3A_164 = tpu.memref_squeeze %get3A_163 : memref<1x128xi32, #tpu.memory_space<vmem>> -> memref<128xi32, #tpu.memory_space<vmem>>
        %get3A_165 = arith.constant 0 : index
        %get3A_166 = tpu.vector_load %get3A_164[%get3A_165] {strides = array<i32>} : memref<128xi32, #tpu.memory_space<vmem>>, vector<16xi32>,
        %get3A_167 = arith.constant 0 : i32
        %get3A_168 = tpu.memref_slice %arg15[%add3A_158, %get3A_167] : memref<32x128xi32, #tpu.memory_space<vmem>> -> memref<1x128xi32, #tpu.memory_space<vmem>>
        %get3A_169 = tpu.memref_squeeze %get3A_168 : memref<1x128xi32, #tpu.memory_space<vmem>> -> memref<128xi32, #tpu.memory_space<vmem>>
        %get3A_170 = arith.constant 0 : index
        %get3A_171 = tpu.vector_load %get3A_169[%get3A_170] {strides = array<i32>} : memref<128xi32, #tpu.memory_space<vmem>>, vector<16xi32>,
        %get3A_172 = arith.constant 0 : i32
        %get3A_173 = tpu.memref_slice %arg17[%add3A_158, %get3A_172] : memref<32x128xi32, #tpu.memory_space<vmem>> -> memref<1x128xi32, #tpu.memory_space<vmem>>
        %get3A_174 = tpu.memref_squeeze %get3A_173 : memref<1x128xi32, #tpu.memory_space<vmem>> -> memref<128xi32, #tpu.memory_space<vmem>>
        %get3A_175 = arith.constant 0 : index
        %get3A_176 = tpu.vector_load %get3A_174[%get3A_175] {strides = array<i32>} : memref<128xi32, #tpu.memory_space<vmem>>, vector<16xi32>,
        %bitcast3A = vector.bitcast %get3A_166 : vector<16xi32> to vector<32xbf16>
        %unpack3A = tpu.unpack_subelements %bitcast3A, 0 {pack_format = #tpu.pack_format<interleaved>} : vector<32xbf16> -> vector<16xf32>
        %unpack3A_177 = tpu.unpack_subelements %bitcast3A, 1 {pack_format = #tpu.pack_format<interleaved>} : vector<32xbf16> -> vector<16xf32>
        %bitcast3A_178 = vector.bitcast %get3A_171 : vector<16xi32> to vector<32xbf16>
        %unpack3A_179 = tpu.unpack_subelements %bitcast3A_178, 0 {pack_format = #tpu.pack_format<interleaved>} : vector<32xbf16> -> vector<16xf32>
        %unpack3A_180 = tpu.unpack_subelements %bitcast3A_178, 1 {pack_format = #tpu.pack_format<interleaved>} : vector<32xbf16> -> vector<16xf32>
        %bitcast3A_181 = vector.bitcast %get3A_176 : vector<16xi32> to vector<32xbf16>
        %unpack3A_182 = tpu.unpack_subelements %bitcast3A_181, 0 {pack_format = #tpu.pack_format<interleaved>} : vector<32xbf16> -> vector<16xf32>
        %unpack3A_183 = tpu.unpack_subelements %bitcast3A_181, 1 {pack_format = #tpu.pack_format<interleaved>} : vector<32xbf16> -> vector<16xf32>
        %mul3A_184 = arith.mulf %unpack3A, %unpack3A_179 : vector<16xf32>
        %mul3A_185 = arith.mulf %mul3A_184, %unpack3A_182 : vector<16xf32>
        %add3A_186 = arith.addf %broadcast_in_dim3A_160, %mul3A_185 : vector<16xf32>
        %mul3A_187 = arith.mulf %unpack3A_177, %unpack3A_180 : vector<16xf32>
        %mul3A_188 = arith.mulf %mul3A_187, %unpack3A_183 : vector<16xf32>
        %add3A_189 = arith.addf %broadcast_in_dim3A_162, %mul3A_188 : vector<16xf32>
        %get3A_190 = arith.constant 0 : i32
        %get3A_191 = tpu.memref_slice %arg13[%add3A_158, %get3A_190] : memref<32x128xi32, #tpu.memory_space<vmem>> -> memref<1x128xi32, #tpu.memory_space<vmem>>
        %get3A_192 = tpu.memref_squeeze %get3A_191 : memref<1x128xi32, #tpu.memory_space<vmem>> -> memref<128xi32, #tpu.memory_space<vmem>>
        %get3A_193 = arith.constant 16 : index
        %get3A_194 = tpu.vector_load %get3A_192[%get3A_193] {strides = array<i32>} : memref<128xi32, #tpu.memory_space<vmem>>, vector<16xi32>,
        %get3A_195 = arith.constant 0 : i32
        %get3A_196 = tpu.memref_slice %arg15[%add3A_158, %get3A_195] : memref<32x128xi32, #tpu.memory_space<vmem>> -> memref<1x128xi32, #tpu.memory_space<vmem>>
        %get3A_197 = tpu.memref_squeeze %get3A_196 : memref<1x128xi32, #tpu.memory_space<vmem>> -> memref<128xi32, #tpu.memory_space<vmem>>
        %get3A_198 = arith.constant 16 : index
        %get3A_199 = tpu.vector_load %get3A_197[%get3A_198] {strides = array<i32>} : memref<128xi32, #tpu.memory_space<vmem>>, vector<16xi32>,
        %get3A_200 = arith.constant 0 : i32
        %get3A_201 = tpu.memref_slice %arg17[%add3A_158, %get3A_200] : memref<32x128xi32, #tpu.memory_space<vmem>> -> memref<1x128xi32, #tpu.memory_space<vmem>>
        %get3A_202 = tpu.memref_squeeze %get3A_201 : memref<1x128xi32, #tpu.memory_space<vmem>> -> memref<128xi32, #tpu.memory_space<vmem>>
        %get3A_203 = arith.constant 16 : index
        %get3A_204 = tpu.vector_load %get3A_202[%get3A_203] {strides = array<i32>} : memref<128xi32, #tpu.memory_space<vmem>>, vector<16xi32>,
        %bitcast3A_205 = vector.bitcast %get3A_194 : vector<16xi32> to vector<32xbf16>
        %unpack3A_206 = tpu.unpack_subelements %bitcast3A_205, 0 {pack_format = #tpu.pack_format<interleaved>} : vector<32xbf16> -> vector<16xf32>
        %unpack3A_207 = tpu.unpack_subelements %bitcast3A_205, 1 {pack_format = #tpu.pack_format<interleaved>} : vector<32xbf16> -> vector<16xf32>
        %bitcast3A_208 = vector.bitcast %get3A_199 : vector<16xi32> to vector<32xbf16>
        %unpack3A_209 = tpu.unpack_subelements %bitcast3A_208, 0 {pack_format = #tpu.pack_format<interleaved>} : vector<32xbf16> -> vector<16xf32>
        %unpack3A_210 = tpu.unpack_subelements %bitcast3A_208, 1 {pack_format = #tpu.pack_format<interleaved>} : vector<32xbf16> -> vector<16xf32>
        %bitcast3A_211 = vector.bitcast %get3A_204 : vector<16xi32> to vector<32xbf16>
        %unpack3A_212 = tpu.unpack_subelements %bitcast3A_211, 0 {pack_format = #tpu.pack_format<interleaved>} : vector<32xbf16> -> vector<16xf32>
        %unpack3A_213 = tpu.unpack_subelements %bitcast3A_211, 1 {pack_format = #tpu.pack_format<interleaved>} : vector<32xbf16> -> vector<16xf32>
        %mul3A_214 = arith.mulf %unpack3A_206, %unpack3A_209 : vector<16xf32>
        %mul3A_215 = arith.mulf %mul3A_214, %unpack3A_212 : vector<16xf32>
        %add3A_216 = arith.addf %add3A_186, %mul3A_215 : vector<16xf32>
        %mul3A_217 = arith.mulf %unpack3A_207, %unpack3A_210 : vector<16xf32>
        %mul3A_218 = arith.mulf %mul3A_217, %unpack3A_213 : vector<16xf32>
        %add3A_219 = arith.addf %add3A_189, %mul3A_218 : vector<16xf32>
        %get3A_220 = arith.constant 0 : i32
        %get3A_221 = tpu.memref_slice %arg13[%add3A_158, %get3A_220] : memref<32x128xi32, #tpu.memory_space<vmem>> -> memref<1x128xi32, #tpu.memory_space<vmem>>
        %get3A_222 = tpu.memref_squeeze %get3A_221 : memref<1x128xi32, #tpu.memory_space<vmem>> -> memref<128xi32, #tpu.memory_space<vmem>>
        %get3A_223 = arith.constant 32 : index
        %get3A_224 = tpu.vector_load %get3A_222[%get3A_223] {strides = array<i32>} : memref<128xi32, #tpu.memory_space<vmem>>, vector<16xi32>,
        %get3A_225 = arith.constant 0 : i32
        %get3A_226 = tpu.memref_slice %arg15[%add3A_158, %get3A_225] : memref<32x128xi32, #tpu.memory_space<vmem>> -> memref<1x128xi32, #tpu.memory_space<vmem>>
        %get3A_227 = tpu.memref_squeeze %get3A_226 : memref<1x128xi32, #tpu.memory_space<vmem>> -> memref<128xi32, #tpu.memory_space<vmem>>
        %get3A_228 = arith.constant 32 : index
        %get3A_229 = tpu.vector_load %get3A_227[%get3A_228] {strides = array<i32>} : memref<128xi32, #tpu.memory_space<vmem>>, vector<16xi32>,
        %get3A_230 = arith.constant 0 : i32
        %get3A_231 = tpu.memref_slice %arg17[%add3A_158, %get3A_230] : memref<32x128xi32, #tpu.memory_space<vmem>> -> memref<1x128xi32, #tpu.memory_space<vmem>>
        %get3A_232 = tpu.memref_squeeze %get3A_231 : memref<1x128xi32, #tpu.memory_space<vmem>> -> memref<128xi32, #tpu.memory_space<vmem>>
        %get3A_233 = arith.constant 32 : index
        %get3A_234 = tpu.vector_load %get3A_232[%get3A_233] {strides = array<i32>} : memref<128xi32, #tpu.memory_space<vmem>>, vector<16xi32>,
        %bitcast3A_235 = vector.bitcast %get3A_224 : vector<16xi32> to vector<32xbf16>
        %unpack3A_236 = tpu.unpack_subelements %bitcast3A_235, 0 {pack_format = #tpu.pack_format<interleaved>} : vector<32xbf16> -> vector<16xf32>
        %unpack3A_237 = tpu.unpack_subelements %bitcast3A_235, 1 {pack_format = #tpu.pack_format<interleaved>} : vector<32xbf16> -> vector<16xf32>
        %bitcast3A_238 = vector.bitcast %get3A_229 : vector<16xi32> to vector<32xbf16>
        %unpack3A_239 = tpu.unpack_subelements %bitcast3A_238, 0 {pack_format = #tpu.pack_format<interleaved>} : vector<32xbf16> -> vector<16xf32>
        %unpack3A_240 = tpu.unpack_subelements %bitcast3A_238, 1 {pack_format = #tpu.pack_format<interleaved>} : vector<32xbf16> -> vector<16xf32>
        %bitcast3A_241 = vector.bitcast %get3A_234 : vector<16xi32> to vector<32xbf16>
        %unpack3A_242 = tpu.unpack_subelements %bitcast3A_241, 0 {pack_format = #tpu.pack_format<interleaved>} : vector<32xbf16> -> vector<16xf32>
        %unpack3A_243 = tpu.unpack_subelements %bitcast3A_241, 1 {pack_format = #tpu.pack_format<interleaved>} : vector<32xbf16> -> vector<16xf32>
        %mul3A_244 = arith.mulf %unpack3A_236, %unpack3A_239 : vector<16xf32>
        %mul3A_245 = arith.mulf %mul3A_244, %unpack3A_242 : vector<16xf32>
        %add3A_246 = arith.addf %add3A_216, %mul3A_245 : vector<16xf32>
        %mul3A_247 = arith.mulf %unpack3A_237, %unpack3A_240 : vector<16xf32>
        %mul3A_248 = arith.mulf %mul3A_247, %unpack3A_243 : vector<16xf32>
        %add3A_249 = arith.addf %add3A_219, %mul3A_248 : vector<16xf32>
        %get3A_250 = arith.constant 0 : i32
        %get3A_251 = tpu.memref_slice %arg13[%add3A_158, %get3A_250] : memref<32x128xi32, #tpu.memory_space<vmem>> -> memref<1x128xi32, #tpu.memory_space<vmem>>
        %get3A_252 = tpu.memref_squeeze %get3A_251 : memref<1x128xi32, #tpu.memory_space<vmem>> -> memref<128xi32, #tpu.memory_space<vmem>>
        %get3A_253 = arith.constant 48 : index
        %get3A_254 = tpu.vector_load %get3A_252[%get3A_253] {strides = array<i32>} : memref<128xi32, #tpu.memory_space<vmem>>, vector<16xi32>,
        %get3A_255 = arith.constant 0 : i32
        %get3A_256 = tpu.memref_slice %arg15[%add3A_158, %get3A_255] : memref<32x128xi32, #tpu.memory_space<vmem>> -> memref<1x128xi32, #tpu.memory_space<vmem>>
        %get3A_257 = tpu.memref_squeeze %get3A_256 : memref<1x128xi32, #tpu.memory_space<vmem>> -> memref<128xi32, #tpu.memory_space<vmem>>
        %get3A_258 = arith.constant 48 : index
        %get3A_259 = tpu.vector_load %get3A_257[%get3A_258] {strides = array<i32>} : memref<128xi32, #tpu.memory_space<vmem>>, vector<16xi32>,
        %get3A_260 = arith.constant 0 : i32
        %get3A_261 = tpu.memref_slice %arg17[%add3A_158, %get3A_260] : memref<32x128xi32, #tpu.memory_space<vmem>> -> memref<1x128xi32, #tpu.memory_space<vmem>>
        %get3A_262 = tpu.memref_squeeze %get3A_261 : memref<1x128xi32, #tpu.memory_space<vmem>> -> memref<128xi32, #tpu.memory_space<vmem>>
        %get3A_263 = arith.constant 48 : index
        %get3A_264 = tpu.vector_load %get3A_262[%get3A_263] {strides = array<i32>} : memref<128xi32, #tpu.memory_space<vmem>>, vector<16xi32>,
        %bitcast3A_265 = vector.bitcast %get3A_254 : vector<16xi32> to vector<32xbf16>
        %unpack3A_266 = tpu.unpack_subelements %bitcast3A_265, 0 {pack_format = #tpu.pack_format<interleaved>} : vector<32xbf16> -> vector<16xf32>
        %unpack3A_267 = tpu.unpack_subelements %bitcast3A_265, 1 {pack_format = #tpu.pack_format<interleaved>} : vector<32xbf16> -> vector<16xf32>
        %bitcast3A_268 = vector.bitcast %get3A_259 : vector<16xi32> to vector<32xbf16>
        %unpack3A_269 = tpu.unpack_subelements %bitcast3A_268, 0 {pack_format = #tpu.pack_format<interleaved>} : vector<32xbf16> -> vector<16xf32>
        %unpack3A_270 = tpu.unpack_subelements %bitcast3A_268, 1 {pack_format = #tpu.pack_format<interleaved>} : vector<32xbf16> -> vector<16xf32>
        %bitcast3A_271 = vector.bitcast %get3A_264 : vector<16xi32> to vector<32xbf16>
        %unpack3A_272 = tpu.unpack_subelements %bitcast3A_271, 0 {pack_format = #tpu.pack_format<interleaved>} : vector<32xbf16> -> vector<16xf32>
        %unpack3A_273 = tpu.unpack_subelements %bitcast3A_271, 1 {pack_format = #tpu.pack_format<interleaved>} : vector<32xbf16> -> vector<16xf32>
        %mul3A_274 = arith.mulf %unpack3A_266, %unpack3A_269 : vector<16xf32>
        %mul3A_275 = arith.mulf %mul3A_274, %unpack3A_272 : vector<16xf32>
        %add3A_276 = arith.addf %add3A_246, %mul3A_275 : vector<16xf32>
        %mul3A_277 = arith.mulf %unpack3A_267, %unpack3A_270 : vector<16xf32>
        %mul3A_278 = arith.mulf %mul3A_277, %unpack3A_273 : vector<16xf32>
        %add3A_279 = arith.addf %add3A_249, %mul3A_278 : vector<16xf32>
        %get3A_280 = arith.constant 0 : i32
        %get3A_281 = tpu.memref_slice %arg13[%add3A_158, %get3A_280] : memref<32x128xi32, #tpu.memory_space<vmem>> -> memref<1x128xi32, #tpu.memory_space<vmem>>
        %get3A_282 = tpu.memref_squeeze %get3A_281 : memref<1x128xi32, #tpu.memory_space<vmem>> -> memref<128xi32, #tpu.memory_space<vmem>>
        %get3A_283 = arith.constant 64 : index
        %get3A_284 = tpu.vector_load %get3A_282[%get3A_283] {strides = array<i32>} : memref<128xi32, #tpu.memory_space<vmem>>, vector<16xi32>,
        %get3A_285 = arith.constant 0 : i32
        %get3A_286 = tpu.memref_slice %arg15[%add3A_158, %get3A_285] : memref<32x128xi32, #tpu.memory_space<vmem>> -> memref<1x128xi32, #tpu.memory_space<vmem>>
        %get3A_287 = tpu.memref_squeeze %get3A_286 : memref<1x128xi32, #tpu.memory_space<vmem>> -> memref<128xi32, #tpu.memory_space<vmem>>
        %get3A_288 = arith.constant 64 : index
        %get3A_289 = tpu.vector_load %get3A_287[%get3A_288] {strides = array<i32>} : memref<128xi32, #tpu.memory_space<vmem>>, vector<16xi32>,
        %get3A_290 = arith.constant 0 : i32
        %get3A_291 = tpu.memref_slice %arg17[%add3A_158, %get3A_290] : memref<32x128xi32, #tpu.memory_space<vmem>> -> memref<1x128xi32, #tpu.memory_space<vmem>>
        %get3A_292 = tpu.memref_squeeze %get3A_291 : memref<1x128xi32, #tpu.memory_space<vmem>> -> memref<128xi32, #tpu.memory_space<vmem>>
        %get3A_293 = arith.constant 64 : index
        %get3A_294 = tpu.vector_load %get3A_292[%get3A_293] {strides = array<i32>} : memref<128xi32, #tpu.memory_space<vmem>>, vector<16xi32>,
        %bitcast3A_295 = vector.bitcast %get3A_284 : vector<16xi32> to vector<32xbf16>
        %unpack3A_296 = tpu.unpack_subelements %bitcast3A_295, 0 {pack_format = #tpu.pack_format<interleaved>} : vector<32xbf16> -> vector<16xf32>
        %unpack3A_297 = tpu.unpack_subelements %bitcast3A_295, 1 {pack_format = #tpu.pack_format<interleaved>} : vector<32xbf16> -> vector<16xf32>
        %bitcast3A_298 = vector.bitcast %get3A_289 : vector<16xi32> to vector<32xbf16>
        %unpack3A_299 = tpu.unpack_subelements %bitcast3A_298, 0 {pack_format = #tpu.pack_format<interleaved>} : vector<32xbf16> -> vector<16xf32>
        %unpack3A_300 = tpu.unpack_subelements %bitcast3A_298, 1 {pack_format = #tpu.pack_format<interleaved>} : vector<32xbf16> -> vector<16xf32>
        %bitcast3A_301 = vector.bitcast %get3A_294 : vector<16xi32> to vector<32xbf16>
        %unpack3A_302 = tpu.unpack_subelements %bitcast3A_301, 0 {pack_format = #tpu.pack_format<interleaved>} : vector<32xbf16> -> vector<16xf32>
        %unpack3A_303 = tpu.unpack_subelements %bitcast3A_301, 1 {pack_format = #tpu.pack_format<interleaved>} : vector<32xbf16> -> vector<16xf32>
        %mul3A_304 = arith.mulf %unpack3A_296, %unpack3A_299 : vector<16xf32>
        %mul3A_305 = arith.mulf %mul3A_304, %unpack3A_302 : vector<16xf32>
        %add3A_306 = arith.addf %add3A_276, %mul3A_305 : vector<16xf32>
        %mul3A_307 = arith.mulf %unpack3A_297, %unpack3A_300 : vector<16xf32>
        %mul3A_308 = arith.mulf %mul3A_307, %unpack3A_303 : vector<16xf32>
        %add3A_309 = arith.addf %add3A_279, %mul3A_308 : vector<16xf32>
        %get3A_310 = arith.constant 0 : i32
        %get3A_311 = tpu.memref_slice %arg13[%add3A_158, %get3A_310] : memref<32x128xi32, #tpu.memory_space<vmem>> -> memref<1x128xi32, #tpu.memory_space<vmem>>
        %get3A_312 = tpu.memref_squeeze %get3A_311 : memref<1x128xi32, #tpu.memory_space<vmem>> -> memref<128xi32, #tpu.memory_space<vmem>>
        %get3A_313 = arith.constant 80 : index
        %get3A_314 = tpu.vector_load %get3A_312[%get3A_313] {strides = array<i32>} : memref<128xi32, #tpu.memory_space<vmem>>, vector<16xi32>,
        %get3A_315 = arith.constant 0 : i32
        %get3A_316 = tpu.memref_slice %arg15[%add3A_158, %get3A_315] : memref<32x128xi32, #tpu.memory_space<vmem>> -> memref<1x128xi32, #tpu.memory_space<vmem>>
        %get3A_317 = tpu.memref_squeeze %get3A_316 : memref<1x128xi32, #tpu.memory_space<vmem>> -> memref<128xi32, #tpu.memory_space<vmem>>
        %get3A_318 = arith.constant 80 : index
        %get3A_319 = tpu.vector_load %get3A_317[%get3A_318] {strides = array<i32>} : memref<128xi32, #tpu.memory_space<vmem>>, vector<16xi32>,
        %get3A_320 = arith.constant 0 : i32
        %get3A_321 = tpu.memref_slice %arg17[%add3A_158, %get3A_320] : memref<32x128xi32, #tpu.memory_space<vmem>> -> memref<1x128xi32, #tpu.memory_space<vmem>>
        %get3A_322 = tpu.memref_squeeze %get3A_321 : memref<1x128xi32, #tpu.memory_space<vmem>> -> memref<128xi32, #tpu.memory_space<vmem>>
        %get3A_323 = arith.constant 80 : index
        %get3A_324 = tpu.vector_load %get3A_322[%get3A_323] {strides = array<i32>} : memref<128xi32, #tpu.memory_space<vmem>>, vector<16xi32>,
        %bitcast3A_325 = vector.bitcast %get3A_314 : vector<16xi32> to vector<32xbf16>
        %unpack3A_326 = tpu.unpack_subelements %bitcast3A_325, 0 {pack_format = #tpu.pack_format<interleaved>} : vector<32xbf16> -> vector<16xf32>
        %unpack3A_327 = tpu.unpack_subelements %bitcast3A_325, 1 {pack_format = #tpu.pack_format<interleaved>} : vector<32xbf16> -> vector<16xf32>
        %bitcast3A_328 = vector.bitcast %get3A_319 : vector<16xi32> to vector<32xbf16>
        %unpack3A_329 = tpu.unpack_subelements %bitcast3A_328, 0 {pack_format = #tpu.pack_format<interleaved>} : vector<32xbf16> -> vector<16xf32>
        %unpack3A_330 = tpu.unpack_subelements %bitcast3A_328, 1 {pack_format = #tpu.pack_format<interleaved>} : vector<32xbf16> -> vector<16xf32>
        %bitcast3A_331 = vector.bitcast %get3A_324 : vector<16xi32> to vector<32xbf16>
        %unpack3A_332 = tpu.unpack_subelements %bitcast3A_331, 0 {pack_format = #tpu.pack_format<interleaved>} : vector<32xbf16> -> vector<16xf32>
        %unpack3A_333 = tpu.unpack_subelements %bitcast3A_331, 1 {pack_format = #tpu.pack_format<interleaved>} : vector<32xbf16> -> vector<16xf32>
        %mul3A_334 = arith.mulf %unpack3A_326, %unpack3A_329 : vector<16xf32>
        %mul3A_335 = arith.mulf %mul3A_334, %unpack3A_332 : vector<16xf32>
        %add3A_336 = arith.addf %add3A_306, %mul3A_335 : vector<16xf32>
        %mul3A_337 = arith.mulf %unpack3A_327, %unpack3A_330 : vector<16xf32>
        %mul3A_338 = arith.mulf %mul3A_337, %unpack3A_333 : vector<16xf32>
        %add3A_339 = arith.addf %add3A_309, %mul3A_338 : vector<16xf32>
        %get3A_340 = arith.constant 0 : i32
        %get3A_341 = tpu.memref_slice %arg13[%add3A_158, %get3A_340] : memref<32x128xi32, #tpu.memory_space<vmem>> -> memref<1x128xi32, #tpu.memory_space<vmem>>
        %get3A_342 = tpu.memref_squeeze %get3A_341 : memref<1x128xi32, #tpu.memory_space<vmem>> -> memref<128xi32, #tpu.memory_space<vmem>>
        %get3A_343 = arith.constant 96 : index
        %get3A_344 = tpu.vector_load %get3A_342[%get3A_343] {strides = array<i32>} : memref<128xi32, #tpu.memory_space<vmem>>, vector<16xi32>,
        %get3A_345 = arith.constant 0 : i32
        %get3A_346 = tpu.memref_slice %arg15[%add3A_158, %get3A_345] : memref<32x128xi32, #tpu.memory_space<vmem>> -> memref<1x128xi32, #tpu.memory_space<vmem>>
        %get3A_347 = tpu.memref_squeeze %get3A_346 : memref<1x128xi32, #tpu.memory_space<vmem>> -> memref<128xi32, #tpu.memory_space<vmem>>
        %get3A_348 = arith.constant 96 : index
        %get3A_349 = tpu.vector_load %get3A_347[%get3A_348] {strides = array<i32>} : memref<128xi32, #tpu.memory_space<vmem>>, vector<16xi32>,
        %get3A_350 = arith.constant 0 : i32
        %get3A_351 = tpu.memref_slice %arg17[%add3A_158, %get3A_350] : memref<32x128xi32, #tpu.memory_space<vmem>> -> memref<1x128xi32, #tpu.memory_space<vmem>>
        %get3A_352 = tpu.memref_squeeze %get3A_351 : memref<1x128xi32, #tpu.memory_space<vmem>> -> memref<128xi32, #tpu.memory_space<vmem>>
        %get3A_353 = arith.constant 96 : index
        %get3A_354 = tpu.vector_load %get3A_352[%get3A_353] {strides = array<i32>} : memref<128xi32, #tpu.memory_space<vmem>>, vector<16xi32>,
        %bitcast3A_355 = vector.bitcast %get3A_344 : vector<16xi32> to vector<32xbf16>
        %unpack3A_356 = tpu.unpack_subelements %bitcast3A_355, 0 {pack_format = #tpu.pack_format<interleaved>} : vector<32xbf16> -> vector<16xf32>
        %unpack3A_357 = tpu.unpack_subelements %bitcast3A_355, 1 {pack_format = #tpu.pack_format<interleaved>} : vector<32xbf16> -> vector<16xf32>
        %bitcast3A_358 = vector.bitcast %get3A_349 : vector<16xi32> to vector<32xbf16>
        %unpack3A_359 = tpu.unpack_subelements %bitcast3A_358, 0 {pack_format = #tpu.pack_format<interleaved>} : vector<32xbf16> -> vector<16xf32>
        %unpack3A_360 = tpu.unpack_subelements %bitcast3A_358, 1 {pack_format = #tpu.pack_format<interleaved>} : vector<32xbf16> -> vector<16xf32>
        %bitcast3A_361 = vector.bitcast %get3A_354 : vector<16xi32> to vector<32xbf16>
        %unpack3A_362 = tpu.unpack_subelements %bitcast3A_361, 0 {pack_format = #tpu.pack_format<interleaved>} : vector<32xbf16> -> vector<16xf32>
        %unpack3A_363 = tpu.unpack_subelements %bitcast3A_361, 1 {pack_format = #tpu.pack_format<interleaved>} : vector<32xbf16> -> vector<16xf32>
        %mul3A_364 = arith.mulf %unpack3A_356, %unpack3A_359 : vector<16xf32>
        %mul3A_365 = arith.mulf %mul3A_364, %unpack3A_362 : vector<16xf32>
        %add3A_366 = arith.addf %add3A_336, %mul3A_365 : vector<16xf32>
        %mul3A_367 = arith.mulf %unpack3A_357, %unpack3A_360 : vector<16xf32>
        %mul3A_368 = arith.mulf %mul3A_367, %unpack3A_363 : vector<16xf32>
        %add3A_369 = arith.addf %add3A_339, %mul3A_368 : vector<16xf32>
        %get3A_370 = arith.constant 0 : i32
        %get3A_371 = tpu.memref_slice %arg13[%add3A_158, %get3A_370] : memref<32x128xi32, #tpu.memory_space<vmem>> -> memref<1x128xi32, #tpu.memory_space<vmem>>
        %get3A_372 = tpu.memref_squeeze %get3A_371 : memref<1x128xi32, #tpu.memory_space<vmem>> -> memref<128xi32, #tpu.memory_space<vmem>>
        %get3A_373 = arith.constant 112 : index
        %get3A_374 = tpu.vector_load %get3A_372[%get3A_373] {strides = array<i32>} : memref<128xi32, #tpu.memory_space<vmem>>, vector<16xi32>,
        %get3A_375 = arith.constant 0 : i32
        %get3A_376 = tpu.memref_slice %arg15[%add3A_158, %get3A_375] : memref<32x128xi32, #tpu.memory_space<vmem>> -> memref<1x128xi32, #tpu.memory_space<vmem>>
        %get3A_377 = tpu.memref_squeeze %get3A_376 : memref<1x128xi32, #tpu.memory_space<vmem>> -> memref<128xi32, #tpu.memory_space<vmem>>
        %get3A_378 = arith.constant 112 : index
        %get3A_379 = tpu.vector_load %get3A_377[%get3A_378] {strides = array<i32>} : memref<128xi32, #tpu.memory_space<vmem>>, vector<16xi32>,
        %get3A_380 = arith.constant 0 : i32
        %get3A_381 = tpu.memref_slice %arg17[%add3A_158, %get3A_380] : memref<32x128xi32, #tpu.memory_space<vmem>> -> memref<1x128xi32, #tpu.memory_space<vmem>>
        %get3A_382 = tpu.memref_squeeze %get3A_381 : memref<1x128xi32, #tpu.memory_space<vmem>> -> memref<128xi32, #tpu.memory_space<vmem>>
        %get3A_383 = arith.constant 112 : index
        %get3A_384 = tpu.vector_load %get3A_382[%get3A_383] {strides = array<i32>} : memref<128xi32, #tpu.memory_space<vmem>>, vector<16xi32>,
        %bitcast3A_385 = vector.bitcast %get3A_374 : vector<16xi32> to vector<32xbf16>
        %unpack3A_386 = tpu.unpack_subelements %bitcast3A_385, 0 {pack_format = #tpu.pack_format<interleaved>} : vector<32xbf16> -> vector<16xf32>
        %unpack3A_387 = tpu.unpack_subelements %bitcast3A_385, 1 {pack_format = #tpu.pack_format<interleaved>} : vector<32xbf16> -> vector<16xf32>
        %bitcast3A_388 = vector.bitcast %get3A_379 : vector<16xi32> to vector<32xbf16>
        %unpack3A_389 = tpu.unpack_subelements %bitcast3A_388, 0 {pack_format = #tpu.pack_format<interleaved>} : vector<32xbf16> -> vector<16xf32>
        %unpack3A_390 = tpu.unpack_subelements %bitcast3A_388, 1 {pack_format = #tpu.pack_format<interleaved>} : vector<32xbf16> -> vector<16xf32>
        %bitcast3A_391 = vector.bitcast %get3A_384 : vector<16xi32> to vector<32xbf16>
        %unpack3A_392 = tpu.unpack_subelements %bitcast3A_391, 0 {pack_format = #tpu.pack_format<interleaved>} : vector<32xbf16> -> vector<16xf32>
        %unpack3A_393 = tpu.unpack_subelements %bitcast3A_391, 1 {pack_format = #tpu.pack_format<interleaved>} : vector<32xbf16> -> vector<16xf32>
        %mul3A_394 = arith.mulf %unpack3A_386, %unpack3A_389 : vector<16xf32>
        %mul3A_395 = arith.mulf %mul3A_394, %unpack3A_392 : vector<16xf32>
        %add3A_396 = arith.addf %add3A_366, %mul3A_395 : vector<16xf32>
        %mul3A_397 = arith.mulf %unpack3A_387, %unpack3A_390 : vector<16xf32>
        %mul3A_398 = arith.mulf %mul3A_397, %unpack3A_393 : vector<16xf32>
        %add3A_399 = arith.addf %add3A_369, %mul3A_398 : vector<16xf32>
        %add3A_400 = arith.addf %add3A_396, %add3A_399 : vector<16xf32>
        %reduce_sum3A = arith.constant true
        %reduce_sum3A_401 = vector.broadcast %reduce_sum3A : i1 to vector<16xi1>
        %reduce_sum3A_402 = tpu.scan <sum>, %add3A_400 masked %reduce_sum3A_401 : vector<16xf32>, vector<16xi1> -> vector<16xf32>
        %reduce_sum3A_403 = vector.extract %reduce_sum3A_402[15] : f32 from vector<16xf32>
        %eq3A_404 = vector.broadcast %scan3A_155 : i32 to vector<16xi32>
        %eq3A_405 = arith.cmpi eq, %iota3A, %eq3A_404 : vector<16xi32>
        %broadcast_in_dim3A_406 = vector.broadcast %reduce_sum3A_403 : f32 to vector<16xf32>
        %select_n3A = arith.select %eq3A_405, %broadcast_in_dim3A_406, %scan3A_156 : vector<16xi1>, vector<16xf32>
        scf.yield %select_n3A : vector<16xf32>
      }
      %scan3A_76 = arith.constant 16 : i32
      %swap3A = arith.constant 0 : index
      %swap3A_77 = tpu.vector_load %arg11[%swap3A] {strides = array<i32>} : memref<32xf32, #tpu.memory_space<vmem>>, vector<16xf32>,
      tpu.vector_store %arg11[%swap3A], %scan3A_75 {strides = array<i32>} : memref<32xf32, #tpu.memory_space<vmem>>, vector<16xf32>,
      %broadcast_in_dim3A_78 = arith.constant 0.000000e+00 : f32
      %broadcast_in_dim3A_79 = vector.broadcast %broadcast_in_dim3A_78 : f32 to vector<16xf32>
      %scan3A_80 = arith.constant 0 : i32
      %scan3A_81 = arith.constant 16 : i32
      %scan3A_82 = arith.addi %scan3A_80, %scan3A_81 : i32
      %scan3A_83 = arith.constant 1 : i32
      %scan3A_84 = scf.for %scan3A_155 = %scan3A_80 to %scan3A_82 step %scan3A_83 iter_args(%scan3A_156 = %broadcast_in_dim3A_79) -> (vector<16xf32>)  : i32 {
        %add3A_157 = arith.constant 16 : i32
        %add3A_158 = arith.addi %add3A_157, %scan3A_155 : i32
        %broadcast_in_dim3A_159 = arith.constant 0.000000e+00 : f32
        %broadcast_in_dim3A_160 = vector.broadcast %broadcast_in_dim3A_159 : f32 to vector<16xf32>
        %broadcast_in_dim3A_161 = arith.constant 0.000000e+00 : f32
        %broadcast_in_dim3A_162 = vector.broadcast %broadcast_in_dim3A_161 : f32 to vector<16xf32>
        %get3A = arith.constant 0 : i32
        %get3A_163 = tpu.memref_slice %arg13[%add3A_158, %get3A] : memref<32x128xi32, #tpu.memory_space<vmem>> -> memref<1x128xi32, #tpu.memory_space<vmem>>
        %get3A_164 = tpu.memref_squeeze %get3A_163 : memref<1x128xi32, #tpu.memory_space<vmem>> -> memref<128xi32, #tpu.memory_space<vmem>>
        %get3A_165 = arith.constant 0 : index
        %get3A_166 = tpu.vector_load %get3A_164[%get3A_165] {strides = array<i32>} : memref<128xi32, #tpu.memory_space<vmem>>, vector<16xi32>,
        %get3A_167 = arith.constant 0 : i32
        %get3A_168 = tpu.memref_slice %arg15[%add3A_158, %get3A_167] : memref<32x128xi32, #tpu.memory_space<vmem>> -> memref<1x128xi32, #tpu.memory_space<vmem>>
        %get3A_169 = tpu.memref_squeeze %get3A_168 : memref<1x128xi32, #tpu.memory_space<vmem>> -> memref<128xi32, #tpu.memory_space<vmem>>
        %get3A_170 = arith.constant 0 : index
        %get3A_171 = tpu.vector_load %get3A_169[%get3A_170] {strides = array<i32>} : memref<128xi32, #tpu.memory_space<vmem>>, vector<16xi32>,
        %get3A_172 = arith.constant 0 : i32
        %get3A_173 = tpu.memref_slice %arg17[%add3A_158, %get3A_172] : memref<32x128xi32, #tpu.memory_space<vmem>> -> memref<1x128xi32, #tpu.memory_space<vmem>>
        %get3A_174 = tpu.memref_squeeze %get3A_173 : memref<1x128xi32, #tpu.memory_space<vmem>> -> memref<128xi32, #tpu.memory_space<vmem>>
        %get3A_175 = arith.constant 0 : index
        %get3A_176 = tpu.vector_load %get3A_174[%get3A_175] {strides = array<i32>} : memref<128xi32, #tpu.memory_space<vmem>>, vector<16xi32>,
        %bitcast3A = vector.bitcast %get3A_166 : vector<16xi32> to vector<32xbf16>
        %unpack3A = tpu.unpack_subelements %bitcast3A, 0 {pack_format = #tpu.pack_format<interleaved>} : vector<32xbf16> -> vector<16xf32>
        %unpack3A_177 = tpu.unpack_subelements %bitcast3A, 1 {pack_format = #tpu.pack_format<interleaved>} : vector<32xbf16> -> vector<16xf32>
        %bitcast3A_178 = vector.bitcast %get3A_171 : vector<16xi32> to vector<32xbf16>
        %unpack3A_179 = tpu.unpack_subelements %bitcast3A_178, 0 {pack_format = #tpu.pack_format<interleaved>} : vector<32xbf16> -> vector<16xf32>
        %unpack3A_180 = tpu.unpack_subelements %bitcast3A_178, 1 {pack_format = #tpu.pack_format<interleaved>} : vector<32xbf16> -> vector<16xf32>
        %bitcast3A_181 = vector.bitcast %get3A_176 : vector<16xi32> to vector<32xbf16>
        %unpack3A_182 = tpu.unpack_subelements %bitcast3A_181, 0 {pack_format = #tpu.pack_format<interleaved>} : vector<32xbf16> -> vector<16xf32>
        %unpack3A_183 = tpu.unpack_subelements %bitcast3A_181, 1 {pack_format = #tpu.pack_format<interleaved>} : vector<32xbf16> -> vector<16xf32>
        %mul3A_184 = arith.mulf %unpack3A, %unpack3A_179 : vector<16xf32>
        %mul3A_185 = arith.mulf %mul3A_184, %unpack3A_182 : vector<16xf32>
        %add3A_186 = arith.addf %broadcast_in_dim3A_160, %mul3A_185 : vector<16xf32>
        %mul3A_187 = arith.mulf %unpack3A_177, %unpack3A_180 : vector<16xf32>
        %mul3A_188 = arith.mulf %mul3A_187, %unpack3A_183 : vector<16xf32>
        %add3A_189 = arith.addf %broadcast_in_dim3A_162, %mul3A_188 : vector<16xf32>
        %get3A_190 = arith.constant 0 : i32
        %get3A_191 = tpu.memref_slice %arg13[%add3A_158, %get3A_190] : memref<32x128xi32, #tpu.memory_space<vmem>> -> memref<1x128xi32, #tpu.memory_space<vmem>>
        %get3A_192 = tpu.memref_squeeze %get3A_191 : memref<1x128xi32, #tpu.memory_space<vmem>> -> memref<128xi32, #tpu.memory_space<vmem>>
        %get3A_193 = arith.constant 16 : index
        %get3A_194 = tpu.vector_load %get3A_192[%get3A_193] {strides = array<i32>} : memref<128xi32, #tpu.memory_space<vmem>>, vector<16xi32>,
        %get3A_195 = arith.constant 0 : i32
        %get3A_196 = tpu.memref_slice %arg15[%add3A_158, %get3A_195] : memref<32x128xi32, #tpu.memory_space<vmem>> -> memref<1x128xi32, #tpu.memory_space<vmem>>
        %get3A_197 = tpu.memref_squeeze %get3A_196 : memref<1x128xi32, #tpu.memory_space<vmem>> -> memref<128xi32, #tpu.memory_space<vmem>>
        %get3A_198 = arith.constant 16 : index
        %get3A_199 = tpu.vector_load %get3A_197[%get3A_198] {strides = array<i32>} : memref<128xi32, #tpu.memory_space<vmem>>, vector<16xi32>,
        %get3A_200 = arith.constant 0 : i32
        %get3A_201 = tpu.memref_slice %arg17[%add3A_158, %get3A_200] : memref<32x128xi32, #tpu.memory_space<vmem>> -> memref<1x128xi32, #tpu.memory_space<vmem>>
        %get3A_202 = tpu.memref_squeeze %get3A_201 : memref<1x128xi32, #tpu.memory_space<vmem>> -> memref<128xi32, #tpu.memory_space<vmem>>
        %get3A_203 = arith.constant 16 : index
        %get3A_204 = tpu.vector_load %get3A_202[%get3A_203] {strides = array<i32>} : memref<128xi32, #tpu.memory_space<vmem>>, vector<16xi32>,
        %bitcast3A_205 = vector.bitcast %get3A_194 : vector<16xi32> to vector<32xbf16>
        %unpack3A_206 = tpu.unpack_subelements %bitcast3A_205, 0 {pack_format = #tpu.pack_format<interleaved>} : vector<32xbf16> -> vector<16xf32>
        %unpack3A_207 = tpu.unpack_subelements %bitcast3A_205, 1 {pack_format = #tpu.pack_format<interleaved>} : vector<32xbf16> -> vector<16xf32>
        %bitcast3A_208 = vector.bitcast %get3A_199 : vector<16xi32> to vector<32xbf16>
        %unpack3A_209 = tpu.unpack_subelements %bitcast3A_208, 0 {pack_format = #tpu.pack_format<interleaved>} : vector<32xbf16> -> vector<16xf32>
        %unpack3A_210 = tpu.unpack_subelements %bitcast3A_208, 1 {pack_format = #tpu.pack_format<interleaved>} : vector<32xbf16> -> vector<16xf32>
        %bitcast3A_211 = vector.bitcast %get3A_204 : vector<16xi32> to vector<32xbf16>
        %unpack3A_212 = tpu.unpack_subelements %bitcast3A_211, 0 {pack_format = #tpu.pack_format<interleaved>} : vector<32xbf16> -> vector<16xf32>
        %unpack3A_213 = tpu.unpack_subelements %bitcast3A_211, 1 {pack_format = #tpu.pack_format<interleaved>} : vector<32xbf16> -> vector<16xf32>
        %mul3A_214 = arith.mulf %unpack3A_206, %unpack3A_209 : vector<16xf32>
        %mul3A_215 = arith.mulf %mul3A_214, %unpack3A_212 : vector<16xf32>
        %add3A_216 = arith.addf %add3A_186, %mul3A_215 : vector<16xf32>
        %mul3A_217 = arith.mulf %unpack3A_207, %unpack3A_210 : vector<16xf32>
        %mul3A_218 = arith.mulf %mul3A_217, %unpack3A_213 : vector<16xf32>
        %add3A_219 = arith.addf %add3A_189, %mul3A_218 : vector<16xf32>
        %get3A_220 = arith.constant 0 : i32
        %get3A_221 = tpu.memref_slice %arg13[%add3A_158, %get3A_220] : memref<32x128xi32, #tpu.memory_space<vmem>> -> memref<1x128xi32, #tpu.memory_space<vmem>>
        %get3A_222 = tpu.memref_squeeze %get3A_221 : memref<1x128xi32, #tpu.memory_space<vmem>> -> memref<128xi32, #tpu.memory_space<vmem>>
        %get3A_223 = arith.constant 32 : index
        %get3A_224 = tpu.vector_load %get3A_222[%get3A_223] {strides = array<i32>} : memref<128xi32, #tpu.memory_space<vmem>>, vector<16xi32>,
        %get3A_225 = arith.constant 0 : i32
        %get3A_226 = tpu.memref_slice %arg15[%add3A_158, %get3A_225] : memref<32x128xi32, #tpu.memory_space<vmem>> -> memref<1x128xi32, #tpu.memory_space<vmem>>
        %get3A_227 = tpu.memref_squeeze %get3A_226 : memref<1x128xi32, #tpu.memory_space<vmem>> -> memref<128xi32, #tpu.memory_space<vmem>>
        %get3A_228 = arith.constant 32 : index
        %get3A_229 = tpu.vector_load %get3A_227[%get3A_228] {strides = array<i32>} : memref<128xi32, #tpu.memory_space<vmem>>, vector<16xi32>,
        %get3A_230 = arith.constant 0 : i32
        %get3A_231 = tpu.memref_slice %arg17[%add3A_158, %get3A_230] : memref<32x128xi32, #tpu.memory_space<vmem>> -> memref<1x128xi32, #tpu.memory_space<vmem>>
        %get3A_232 = tpu.memref_squeeze %get3A_231 : memref<1x128xi32, #tpu.memory_space<vmem>> -> memref<128xi32, #tpu.memory_space<vmem>>
        %get3A_233 = arith.constant 32 : index
        %get3A_234 = tpu.vector_load %get3A_232[%get3A_233] {strides = array<i32>} : memref<128xi32, #tpu.memory_space<vmem>>, vector<16xi32>,
        %bitcast3A_235 = vector.bitcast %get3A_224 : vector<16xi32> to vector<32xbf16>
        %unpack3A_236 = tpu.unpack_subelements %bitcast3A_235, 0 {pack_format = #tpu.pack_format<interleaved>} : vector<32xbf16> -> vector<16xf32>
        %unpack3A_237 = tpu.unpack_subelements %bitcast3A_235, 1 {pack_format = #tpu.pack_format<interleaved>} : vector<32xbf16> -> vector<16xf32>
        %bitcast3A_238 = vector.bitcast %get3A_229 : vector<16xi32> to vector<32xbf16>
        %unpack3A_239 = tpu.unpack_subelements %bitcast3A_238, 0 {pack_format = #tpu.pack_format<interleaved>} : vector<32xbf16> -> vector<16xf32>
        %unpack3A_240 = tpu.unpack_subelements %bitcast3A_238, 1 {pack_format = #tpu.pack_format<interleaved>} : vector<32xbf16> -> vector<16xf32>
        %bitcast3A_241 = vector.bitcast %get3A_234 : vector<16xi32> to vector<32xbf16>
        %unpack3A_242 = tpu.unpack_subelements %bitcast3A_241, 0 {pack_format = #tpu.pack_format<interleaved>} : vector<32xbf16> -> vector<16xf32>
        %unpack3A_243 = tpu.unpack_subelements %bitcast3A_241, 1 {pack_format = #tpu.pack_format<interleaved>} : vector<32xbf16> -> vector<16xf32>
        %mul3A_244 = arith.mulf %unpack3A_236, %unpack3A_239 : vector<16xf32>
        %mul3A_245 = arith.mulf %mul3A_244, %unpack3A_242 : vector<16xf32>
        %add3A_246 = arith.addf %add3A_216, %mul3A_245 : vector<16xf32>
        %mul3A_247 = arith.mulf %unpack3A_237, %unpack3A_240 : vector<16xf32>
        %mul3A_248 = arith.mulf %mul3A_247, %unpack3A_243 : vector<16xf32>
        %add3A_249 = arith.addf %add3A_219, %mul3A_248 : vector<16xf32>
        %get3A_250 = arith.constant 0 : i32
        %get3A_251 = tpu.memref_slice %arg13[%add3A_158, %get3A_250] : memref<32x128xi32, #tpu.memory_space<vmem>> -> memref<1x128xi32, #tpu.memory_space<vmem>>
        %get3A_252 = tpu.memref_squeeze %get3A_251 : memref<1x128xi32, #tpu.memory_space<vmem>> -> memref<128xi32, #tpu.memory_space<vmem>>
        %get3A_253 = arith.constant 48 : index
        %get3A_254 = tpu.vector_load %get3A_252[%get3A_253] {strides = array<i32>} : memref<128xi32, #tpu.memory_space<vmem>>, vector<16xi32>,
        %get3A_255 = arith.constant 0 : i32
        %get3A_256 = tpu.memref_slice %arg15[%add3A_158, %get3A_255] : memref<32x128xi32, #tpu.memory_space<vmem>> -> memref<1x128xi32, #tpu.memory_space<vmem>>
        %get3A_257 = tpu.memref_squeeze %get3A_256 : memref<1x128xi32, #tpu.memory_space<vmem>> -> memref<128xi32, #tpu.memory_space<vmem>>
        %get3A_258 = arith.constant 48 : index
        %get3A_259 = tpu.vector_load %get3A_257[%get3A_258] {strides = array<i32>} : memref<128xi32, #tpu.memory_space<vmem>>, vector<16xi32>,
        %get3A_260 = arith.constant 0 : i32
        %get3A_261 = tpu.memref_slice %arg17[%add3A_158, %get3A_260] : memref<32x128xi32, #tpu.memory_space<vmem>> -> memref<1x128xi32, #tpu.memory_space<vmem>>
        %get3A_262 = tpu.memref_squeeze %get3A_261 : memref<1x128xi32, #tpu.memory_space<vmem>> -> memref<128xi32, #tpu.memory_space<vmem>>
        %get3A_263 = arith.constant 48 : index
        %get3A_264 = tpu.vector_load %get3A_262[%get3A_263] {strides = array<i32>} : memref<128xi32, #tpu.memory_space<vmem>>, vector<16xi32>,
        %bitcast3A_265 = vector.bitcast %get3A_254 : vector<16xi32> to vector<32xbf16>
        %unpack3A_266 = tpu.unpack_subelements %bitcast3A_265, 0 {pack_format = #tpu.pack_format<interleaved>} : vector<32xbf16> -> vector<16xf32>
        %unpack3A_267 = tpu.unpack_subelements %bitcast3A_265, 1 {pack_format = #tpu.pack_format<interleaved>} : vector<32xbf16> -> vector<16xf32>
        %bitcast3A_268 = vector.bitcast %get3A_259 : vector<16xi32> to vector<32xbf16>
        %unpack3A_269 = tpu.unpack_subelements %bitcast3A_268, 0 {pack_format = #tpu.pack_format<interleaved>} : vector<32xbf16> -> vector<16xf32>
        %unpack3A_270 = tpu.unpack_subelements %bitcast3A_268, 1 {pack_format = #tpu.pack_format<interleaved>} : vector<32xbf16> -> vector<16xf32>
        %bitcast3A_271 = vector.bitcast %get3A_264 : vector<16xi32> to vector<32xbf16>
        %unpack3A_272 = tpu.unpack_subelements %bitcast3A_271, 0 {pack_format = #tpu.pack_format<interleaved>} : vector<32xbf16> -> vector<16xf32>
        %unpack3A_273 = tpu.unpack_subelements %bitcast3A_271, 1 {pack_format = #tpu.pack_format<interleaved>} : vector<32xbf16> -> vector<16xf32>
        %mul3A_274 = arith.mulf %unpack3A_266, %unpack3A_269 : vector<16xf32>
        %mul3A_275 = arith.mulf %mul3A_274, %unpack3A_272 : vector<16xf32>
        %add3A_276 = arith.addf %add3A_246, %mul3A_275 : vector<16xf32>
        %mul3A_277 = arith.mulf %unpack3A_267, %unpack3A_270 : vector<16xf32>
        %mul3A_278 = arith.mulf %mul3A_277, %unpack3A_273 : vector<16xf32>
        %add3A_279 = arith.addf %add3A_249, %mul3A_278 : vector<16xf32>
        %get3A_280 = arith.constant 0 : i32
        %get3A_281 = tpu.memref_slice %arg13[%add3A_158, %get3A_280] : memref<32x128xi32, #tpu.memory_space<vmem>> -> memref<1x128xi32, #tpu.memory_space<vmem>>
        %get3A_282 = tpu.memref_squeeze %get3A_281 : memref<1x128xi32, #tpu.memory_space<vmem>> -> memref<128xi32, #tpu.memory_space<vmem>>
        %get3A_283 = arith.constant 64 : index
        %get3A_284 = tpu.vector_load %get3A_282[%get3A_283] {strides = array<i32>} : memref<128xi32, #tpu.memory_space<vmem>>, vector<16xi32>,
        %get3A_285 = arith.constant 0 : i32
        %get3A_286 = tpu.memref_slice %arg15[%add3A_158, %get3A_285] : memref<32x128xi32, #tpu.memory_space<vmem>> -> memref<1x128xi32, #tpu.memory_space<vmem>>
        %get3A_287 = tpu.memref_squeeze %get3A_286 : memref<1x128xi32, #tpu.memory_space<vmem>> -> memref<128xi32, #tpu.memory_space<vmem>>
        %get3A_288 = arith.constant 64 : index
        %get3A_289 = tpu.vector_load %get3A_287[%get3A_288] {strides = array<i32>} : memref<128xi32, #tpu.memory_space<vmem>>, vector<16xi32>,
        %get3A_290 = arith.constant 0 : i32
        %get3A_291 = tpu.memref_slice %arg17[%add3A_158, %get3A_290] : memref<32x128xi32, #tpu.memory_space<vmem>> -> memref<1x128xi32, #tpu.memory_space<vmem>>
        %get3A_292 = tpu.memref_squeeze %get3A_291 : memref<1x128xi32, #tpu.memory_space<vmem>> -> memref<128xi32, #tpu.memory_space<vmem>>
        %get3A_293 = arith.constant 64 : index
        %get3A_294 = tpu.vector_load %get3A_292[%get3A_293] {strides = array<i32>} : memref<128xi32, #tpu.memory_space<vmem>>, vector<16xi32>,
        %bitcast3A_295 = vector.bitcast %get3A_284 : vector<16xi32> to vector<32xbf16>
        %unpack3A_296 = tpu.unpack_subelements %bitcast3A_295, 0 {pack_format = #tpu.pack_format<interleaved>} : vector<32xbf16> -> vector<16xf32>
        %unpack3A_297 = tpu.unpack_subelements %bitcast3A_295, 1 {pack_format = #tpu.pack_format<interleaved>} : vector<32xbf16> -> vector<16xf32>
        %bitcast3A_298 = vector.bitcast %get3A_289 : vector<16xi32> to vector<32xbf16>
        %unpack3A_299 = tpu.unpack_subelements %bitcast3A_298, 0 {pack_format = #tpu.pack_format<interleaved>} : vector<32xbf16> -> vector<16xf32>
        %unpack3A_300 = tpu.unpack_subelements %bitcast3A_298, 1 {pack_format = #tpu.pack_format<interleaved>} : vector<32xbf16> -> vector<16xf32>
        %bitcast3A_301 = vector.bitcast %get3A_294 : vector<16xi32> to vector<32xbf16>
        %unpack3A_302 = tpu.unpack_subelements %bitcast3A_301, 0 {pack_format = #tpu.pack_format<interleaved>} : vector<32xbf16> -> vector<16xf32>
        %unpack3A_303 = tpu.unpack_subelements %bitcast3A_301, 1 {pack_format = #tpu.pack_format<interleaved>} : vector<32xbf16> -> vector<16xf32>
        %mul3A_304 = arith.mulf %unpack3A_296, %unpack3A_299 : vector<16xf32>
        %mul3A_305 = arith.mulf %mul3A_304, %unpack3A_302 : vector<16xf32>
        %add3A_306 = arith.addf %add3A_276, %mul3A_305 : vector<16xf32>
        %mul3A_307 = arith.mulf %unpack3A_297, %unpack3A_300 : vector<16xf32>
        %mul3A_308 = arith.mulf %mul3A_307, %unpack3A_303 : vector<16xf32>
        %add3A_309 = arith.addf %add3A_279, %mul3A_308 : vector<16xf32>
        %get3A_310 = arith.constant 0 : i32
        %get3A_311 = tpu.memref_slice %arg13[%add3A_158, %get3A_310] : memref<32x128xi32, #tpu.memory_space<vmem>> -> memref<1x128xi32, #tpu.memory_space<vmem>>
        %get3A_312 = tpu.memref_squeeze %get3A_311 : memref<1x128xi32, #tpu.memory_space<vmem>> -> memref<128xi32, #tpu.memory_space<vmem>>
        %get3A_313 = arith.constant 80 : index
        %get3A_314 = tpu.vector_load %get3A_312[%get3A_313] {strides = array<i32>} : memref<128xi32, #tpu.memory_space<vmem>>, vector<16xi32>,
        %get3A_315 = arith.constant 0 : i32
        %get3A_316 = tpu.memref_slice %arg15[%add3A_158, %get3A_315] : memref<32x128xi32, #tpu.memory_space<vmem>> -> memref<1x128xi32, #tpu.memory_space<vmem>>
        %get3A_317 = tpu.memref_squeeze %get3A_316 : memref<1x128xi32, #tpu.memory_space<vmem>> -> memref<128xi32, #tpu.memory_space<vmem>>
        %get3A_318 = arith.constant 80 : index
        %get3A_319 = tpu.vector_load %get3A_317[%get3A_318] {strides = array<i32>} : memref<128xi32, #tpu.memory_space<vmem>>, vector<16xi32>,
        %get3A_320 = arith.constant 0 : i32
        %get3A_321 = tpu.memref_slice %arg17[%add3A_158, %get3A_320] : memref<32x128xi32, #tpu.memory_space<vmem>> -> memref<1x128xi32, #tpu.memory_space<vmem>>
        %get3A_322 = tpu.memref_squeeze %get3A_321 : memref<1x128xi32, #tpu.memory_space<vmem>> -> memref<128xi32, #tpu.memory_space<vmem>>
        %get3A_323 = arith.constant 80 : index
        %get3A_324 = tpu.vector_load %get3A_322[%get3A_323] {strides = array<i32>} : memref<128xi32, #tpu.memory_space<vmem>>, vector<16xi32>,
        %bitcast3A_325 = vector.bitcast %get3A_314 : vector<16xi32> to vector<32xbf16>
        %unpack3A_326 = tpu.unpack_subelements %bitcast3A_325, 0 {pack_format = #tpu.pack_format<interleaved>} : vector<32xbf16> -> vector<16xf32>
        %unpack3A_327 = tpu.unpack_subelements %bitcast3A_325, 1 {pack_format = #tpu.pack_format<interleaved>} : vector<32xbf16> -> vector<16xf32>
        %bitcast3A_328 = vector.bitcast %get3A_319 : vector<16xi32> to vector<32xbf16>
        %unpack3A_329 = tpu.unpack_subelements %bitcast3A_328, 0 {pack_format = #tpu.pack_format<interleaved>} : vector<32xbf16> -> vector<16xf32>
        %unpack3A_330 = tpu.unpack_subelements %bitcast3A_328, 1 {pack_format = #tpu.pack_format<interleaved>} : vector<32xbf16> -> vector<16xf32>
        %bitcast3A_331 = vector.bitcast %get3A_324 : vector<16xi32> to vector<32xbf16>
        %unpack3A_332 = tpu.unpack_subelements %bitcast3A_331, 0 {pack_format = #tpu.pack_format<interleaved>} : vector<32xbf16> -> vector<16xf32>
        %unpack3A_333 = tpu.unpack_subelements %bitcast3A_331, 1 {pack_format = #tpu.pack_format<interleaved>} : vector<32xbf16> -> vector<16xf32>
        %mul3A_334 = arith.mulf %unpack3A_326, %unpack3A_329 : vector<16xf32>
        %mul3A_335 = arith.mulf %mul3A_334, %unpack3A_332 : vector<16xf32>
        %add3A_336 = arith.addf %add3A_306, %mul3A_335 : vector<16xf32>
        %mul3A_337 = arith.mulf %unpack3A_327, %unpack3A_330 : vector<16xf32>
        %mul3A_338 = arith.mulf %mul3A_337, %unpack3A_333 : vector<16xf32>
        %add3A_339 = arith.addf %add3A_309, %mul3A_338 : vector<16xf32>
        %get3A_340 = arith.constant 0 : i32
        %get3A_341 = tpu.memref_slice %arg13[%add3A_158, %get3A_340] : memref<32x128xi32, #tpu.memory_space<vmem>> -> memref<1x128xi32, #tpu.memory_space<vmem>>
        %get3A_342 = tpu.memref_squeeze %get3A_341 : memref<1x128xi32, #tpu.memory_space<vmem>> -> memref<128xi32, #tpu.memory_space<vmem>>
        %get3A_343 = arith.constant 96 : index
        %get3A_344 = tpu.vector_load %get3A_342[%get3A_343] {strides = array<i32>} : memref<128xi32, #tpu.memory_space<vmem>>, vector<16xi32>,
        %get3A_345 = arith.constant 0 : i32
        %get3A_346 = tpu.memref_slice %arg15[%add3A_158, %get3A_345] : memref<32x128xi32, #tpu.memory_space<vmem>> -> memref<1x128xi32, #tpu.memory_space<vmem>>
        %get3A_347 = tpu.memref_squeeze %get3A_346 : memref<1x128xi32, #tpu.memory_space<vmem>> -> memref<128xi32, #tpu.memory_space<vmem>>
        %get3A_348 = arith.constant 96 : index
        %get3A_349 = tpu.vector_load %get3A_347[%get3A_348] {strides = array<i32>} : memref<128xi32, #tpu.memory_space<vmem>>, vector<16xi32>,
        %get3A_350 = arith.constant 0 : i32
        %get3A_351 = tpu.memref_slice %arg17[%add3A_158, %get3A_350] : memref<32x128xi32, #tpu.memory_space<vmem>> -> memref<1x128xi32, #tpu.memory_space<vmem>>
        %get3A_352 = tpu.memref_squeeze %get3A_351 : memref<1x128xi32, #tpu.memory_space<vmem>> -> memref<128xi32, #tpu.memory_space<vmem>>
        %get3A_353 = arith.constant 96 : index
        %get3A_354 = tpu.vector_load %get3A_352[%get3A_353] {strides = array<i32>} : memref<128xi32, #tpu.memory_space<vmem>>, vector<16xi32>,
        %bitcast3A_355 = vector.bitcast %get3A_344 : vector<16xi32> to vector<32xbf16>
        %unpack3A_356 = tpu.unpack_subelements %bitcast3A_355, 0 {pack_format = #tpu.pack_format<interleaved>} : vector<32xbf16> -> vector<16xf32>
        %unpack3A_357 = tpu.unpack_subelements %bitcast3A_355, 1 {pack_format = #tpu.pack_format<interleaved>} : vector<32xbf16> -> vector<16xf32>
        %bitcast3A_358 = vector.bitcast %get3A_349 : vector<16xi32> to vector<32xbf16>
        %unpack3A_359 = tpu.unpack_subelements %bitcast3A_358, 0 {pack_format = #tpu.pack_format<interleaved>} : vector<32xbf16> -> vector<16xf32>
        %unpack3A_360 = tpu.unpack_subelements %bitcast3A_358, 1 {pack_format = #tpu.pack_format<interleaved>} : vector<32xbf16> -> vector<16xf32>
        %bitcast3A_361 = vector.bitcast %get3A_354 : vector<16xi32> to vector<32xbf16>
        %unpack3A_362 = tpu.unpack_subelements %bitcast3A_361, 0 {pack_format = #tpu.pack_format<interleaved>} : vector<32xbf16> -> vector<16xf32>
        %unpack3A_363 = tpu.unpack_subelements %bitcast3A_361, 1 {pack_format = #tpu.pack_format<interleaved>} : vector<32xbf16> -> vector<16xf32>
        %mul3A_364 = arith.mulf %unpack3A_356, %unpack3A_359 : vector<16xf32>
        %mul3A_365 = arith.mulf %mul3A_364, %unpack3A_362 : vector<16xf32>
        %add3A_366 = arith.addf %add3A_336, %mul3A_365 : vector<16xf32>
        %mul3A_367 = arith.mulf %unpack3A_357, %unpack3A_360 : vector<16xf32>
        %mul3A_368 = arith.mulf %mul3A_367, %unpack3A_363 : vector<16xf32>
        %add3A_369 = arith.addf %add3A_339, %mul3A_368 : vector<16xf32>
        %get3A_370 = arith.constant 0 : i32
        %get3A_371 = tpu.memref_slice %arg13[%add3A_158, %get3A_370] : memref<32x128xi32, #tpu.memory_space<vmem>> -> memref<1x128xi32, #tpu.memory_space<vmem>>
        %get3A_372 = tpu.memref_squeeze %get3A_371 : memref<1x128xi32, #tpu.memory_space<vmem>> -> memref<128xi32, #tpu.memory_space<vmem>>
        %get3A_373 = arith.constant 112 : index
        %get3A_374 = tpu.vector_load %get3A_372[%get3A_373] {strides = array<i32>} : memref<128xi32, #tpu.memory_space<vmem>>, vector<16xi32>,
        %get3A_375 = arith.constant 0 : i32
        %get3A_376 = tpu.memref_slice %arg15[%add3A_158, %get3A_375] : memref<32x128xi32, #tpu.memory_space<vmem>> -> memref<1x128xi32, #tpu.memory_space<vmem>>
        %get3A_377 = tpu.memref_squeeze %get3A_376 : memref<1x128xi32, #tpu.memory_space<vmem>> -> memref<128xi32, #tpu.memory_space<vmem>>
        %get3A_378 = arith.constant 112 : index
        %get3A_379 = tpu.vector_load %get3A_377[%get3A_378] {strides = array<i32>} : memref<128xi32, #tpu.memory_space<vmem>>, vector<16xi32>,
        %get3A_380 = arith.constant 0 : i32
        %get3A_381 = tpu.memref_slice %arg17[%add3A_158, %get3A_380] : memref<32x128xi32, #tpu.memory_space<vmem>> -> memref<1x128xi32, #tpu.memory_space<vmem>>
        %get3A_382 = tpu.memref_squeeze %get3A_381 : memref<1x128xi32, #tpu.memory_space<vmem>> -> memref<128xi32, #tpu.memory_space<vmem>>
        %get3A_383 = arith.constant 112 : index
        %get3A_384 = tpu.vector_load %get3A_382[%get3A_383] {strides = array<i32>} : memref<128xi32, #tpu.memory_space<vmem>>, vector<16xi32>,
        %bitcast3A_385 = vector.bitcast %get3A_374 : vector<16xi32> to vector<32xbf16>
        %unpack3A_386 = tpu.unpack_subelements %bitcast3A_385, 0 {pack_format = #tpu.pack_format<interleaved>} : vector<32xbf16> -> vector<16xf32>
        %unpack3A_387 = tpu.unpack_subelements %bitcast3A_385, 1 {pack_format = #tpu.pack_format<interleaved>} : vector<32xbf16> -> vector<16xf32>
        %bitcast3A_388 = vector.bitcast %get3A_379 : vector<16xi32> to vector<32xbf16>
        %unpack3A_389 = tpu.unpack_subelements %bitcast3A_388, 0 {pack_format = #tpu.pack_format<interleaved>} : vector<32xbf16> -> vector<16xf32>
        %unpack3A_390 = tpu.unpack_subelements %bitcast3A_388, 1 {pack_format = #tpu.pack_format<interleaved>} : vector<32xbf16> -> vector<16xf32>
        %bitcast3A_391 = vector.bitcast %get3A_384 : vector<16xi32> to vector<32xbf16>
        %unpack3A_392 = tpu.unpack_subelements %bitcast3A_391, 0 {pack_format = #tpu.pack_format<interleaved>} : vector<32xbf16> -> vector<16xf32>
        %unpack3A_393 = tpu.unpack_subelements %bitcast3A_391, 1 {pack_format = #tpu.pack_format<interleaved>} : vector<32xbf16> -> vector<16xf32>
        %mul3A_394 = arith.mulf %unpack3A_386, %unpack3A_389 : vector<16xf32>
        %mul3A_395 = arith.mulf %mul3A_394, %unpack3A_392 : vector<16xf32>
        %add3A_396 = arith.addf %add3A_366, %mul3A_395 : vector<16xf32>
        %mul3A_397 = arith.mulf %unpack3A_387, %unpack3A_390 : vector<16xf32>
        %mul3A_398 = arith.mulf %mul3A_397, %unpack3A_393 : vector<16xf32>
        %add3A_399 = arith.addf %add3A_369, %mul3A_398 : vector<16xf32>
        %add3A_400 = arith.addf %add3A_396, %add3A_399 : vector<16xf32>
        %reduce_sum3A = arith.constant true
        %reduce_sum3A_401 = vector.broadcast %reduce_sum3A : i1 to vector<16xi1>
        %reduce_sum3A_402 = tpu.scan <sum>, %add3A_400 masked %reduce_sum3A_401 : vector<16xf32>, vector<16xi1> -> vector<16xf32>
        %reduce_sum3A_403 = vector.extract %reduce_sum3A_402[15] : f32 from vector<16xf32>
        %eq3A_404 = vector.broadcast %scan3A_155 : i32 to vector<16xi32>
        %eq3A_405 = arith.cmpi eq, %iota3A, %eq3A_404 : vector<16xi32>
        %broadcast_in_dim3A_406 = vector.broadcast %reduce_sum3A_403 : f32 to vector<16xf32>
        %select_n3A = arith.select %eq3A_405, %broadcast_in_dim3A_406, %scan3A_156 : vector<16xi1>, vector<16xf32>
        scf.yield %select_n3A : vector<16xf32>
      }
      %scan3A_85 = arith.constant 16 : i32
      %swap3A_86 = arith.constant 16 : index
      %swap3A_87 = tpu.vector_load %arg11[%swap3A_86] {strides = array<i32>} : memref<32xf32, #tpu.memory_space<vmem>>, vector<16xf32>,
      tpu.vector_store %arg11[%swap3A_86], %scan3A_84 {strides = array<i32>} : memref<32xf32, #tpu.memory_space<vmem>>, vector<16xf32>,
      %add3A_88 = arith.constant 0 : i32
      %add3A_89 = arith.addi %add3A_39, %add3A_88 : i32
      %mul3A_90 = arith.constant 32 : i32
      %mul3A_91 = arith.muli %add3A_89, %mul3A_90 : i32
      %add3A_92 = arith.addi %mul3A_2, %mul3A_91 : i32
      %dma_start3A_93 = tpu.memref_slice %arg7[%add3A_92] : memref<161792xf32, #tpu.memory_space<hbm>> -> memref<32xf32, #tpu.memory_space<hbm>>
      %dma_start3A_94 = tpu.memref_slice %arg7[%add3A_92] : memref<161792xf32, #tpu.memory_space<hbm>> -> memref<32xf32, #tpu.memory_space<hbm>>
      tpu.enqueue_dma source(%arg11 : memref<32xf32, #tpu.memory_space<vmem>>) target(%dma_start3A_94 : memref<32xf32, #tpu.memory_space<hbm>>) target_semaphore(%arg25 : memref<!tpu.dma_semaphore, #tpu.memory_space<semaphore_mem>>)
      %add3A_95 = arith.constant 1 : i32
      %add3A_96 = arith.addi %add3A_39, %add3A_95 : i32
      %add3A_97 = arith.constant 2 : i32
      %add3A_98 = arith.addi %add3A_96, %add3A_97 : i32
      %sub3A_99 = arith.constant 1 : i32
      %sub3A_100 = arith.subi %add3A_98, %sub3A_99 : i32
      %lt3A_101 = arith.constant 158 : i32
      %lt3A_102 = arith.cmpi slt, %sub3A_100, %lt3A_101 : i32
      %convert_element_type3A_103 = arith.extui %lt3A_102 : i1 to i32
      %cond3A_104 = arith.constant 0 : i32
      %cond3A_105 = arith.cmpi ne, %convert_element_type3A_103, %cond3A_104 : i32
      scf.if %cond3A_105 {
        %mul3A_155 = arith.constant 32 : i32
        %mul3A_156 = arith.muli %sub3A_100, %mul3A_155 : i32
        %dma_start3A_157 = tpu.memref_slice %arg8[%mul3A_156] : memref<5056xi32, #tpu.memory_space<vmem>> -> memref<32xi32, #tpu.memory_space<vmem>>
        %dma_start3A_158 = arith.constant 0 : i32
        %dma_start3A_159 = arith.constant 0 : i32
        %dma_start3A_160 = tpu.memref_slice %arg27[%dma_start3A_158, %dma_start3A_159] : memref<10000x128xi32, #tpu.memory_space<vmem_shared>> -> memref<10000x128xi32, #tpu.memory_space<vmem_shared>>
        tpu.enqueue_indirect_dma source(%dma_start3A_160 : memref<10000x128xi32, #tpu.memory_space<vmem_shared>>) target(%arg13 : memref<32x128xi32, #tpu.memory_space<vmem>>) offsets(%dma_start3A_157 : memref<32xi32, #tpu.memory_space<vmem>>) semaphore(%arg19 : memref<!tpu.dma_semaphore, #tpu.memory_space<semaphore_mem>>)
        %dma_start3A_161 = tpu.memref_slice %arg9[%mul3A_156] : memref<5056xi32, #tpu.memory_space<vmem>> -> memref<32xi32, #tpu.memory_space<vmem>>
        %dma_start3A_162 = arith.constant 0 : i32
        %dma_start3A_163 = arith.constant 0 : i32
        %dma_start3A_164 = tpu.memref_slice %arg27[%dma_start3A_162, %dma_start3A_163] : memref<10000x128xi32, #tpu.memory_space<vmem_shared>> -> memref<10000x128xi32, #tpu.memory_space<vmem_shared>>
        tpu.enqueue_indirect_dma source(%dma_start3A_164 : memref<10000x128xi32, #tpu.memory_space<vmem_shared>>) target(%arg15 : memref<32x128xi32, #tpu.memory_space<vmem>>) offsets(%dma_start3A_161 : memref<32xi32, #tpu.memory_space<vmem>>) semaphore(%arg21 : memref<!tpu.dma_semaphore, #tpu.memory_space<semaphore_mem>>)
        %dma_start3A_165 = tpu.memref_slice %arg10[%mul3A_156] : memref<5056xi32, #tpu.memory_space<vmem>> -> memref<32xi32, #tpu.memory_space<vmem>>
        %dma_start3A_166 = arith.constant 0 : i32
        %dma_start3A_167 = arith.constant 0 : i32
        %dma_start3A_168 = tpu.memref_slice %arg28[%dma_start3A_166, %dma_start3A_167] : memref<200x128xi32, #tpu.memory_space<vmem_shared>> -> memref<200x128xi32, #tpu.memory_space<vmem_shared>>
        tpu.enqueue_indirect_dma source(%dma_start3A_168 : memref<200x128xi32, #tpu.memory_space<vmem_shared>>) target(%arg17 : memref<32x128xi32, #tpu.memory_space<vmem>>) offsets(%dma_start3A_165 : memref<32xi32, #tpu.memory_space<vmem>>) semaphore(%arg23 : memref<!tpu.dma_semaphore, #tpu.memory_space<semaphore_mem>>)
      } else {
      }
      %dma_wait3A_106 = arith.constant 0 : i32
      %dma_wait3A_107 = tpu.memref_slice %arg8[%dma_wait3A_106] : memref<5056xi32, #tpu.memory_space<vmem>> -> memref<32xi32, #tpu.memory_space<vmem>>
      %dma_wait3A_108 = arith.constant 0 : i32
      %dma_wait3A_109 = arith.constant 0 : i32
      %dma_wait3A_110 = tpu.memref_slice %arg27[%dma_wait3A_108, %dma_wait3A_109] : memref<10000x128xi32, #tpu.memory_space<vmem_shared>> -> memref<10000x128xi32, #tpu.memory_space<vmem_shared>>
      tpu.wait_indirect_dma semaphore(%arg20 : memref<!tpu.dma_semaphore, #tpu.memory_space<semaphore_mem>>) src(%dma_wait3A_110 : memref<10000x128xi32, #tpu.memory_space<vmem_shared>>) dst(%arg14 : memref<32x128xi32, #tpu.memory_space<vmem>>)
      %dma_wait3A_111 = arith.constant 0 : i32
      %dma_wait3A_112 = tpu.memref_slice %arg9[%dma_wait3A_111] : memref<5056xi32, #tpu.memory_space<vmem>> -> memref<32xi32, #tpu.memory_space<vmem>>
      %dma_wait3A_113 = arith.constant 0 : i32
      %dma_wait3A_114 = arith.constant 0 : i32
      %dma_wait3A_115 = tpu.memref_slice %arg27[%dma_wait3A_113, %dma_wait3A_114] : memref<10000x128xi32, #tpu.memory_space<vmem_shared>> -> memref<10000x128xi32, #tpu.memory_space<vmem_shared>>
      tpu.wait_indirect_dma semaphore(%arg22 : memref<!tpu.dma_semaphore, #tpu.memory_space<semaphore_mem>>) src(%dma_wait3A_115 : memref<10000x128xi32, #tpu.memory_space<vmem_shared>>) dst(%arg16 : memref<32x128xi32, #tpu.memory_space<vmem>>)
      %dma_wait3A_116 = arith.constant 0 : i32
      %dma_wait3A_117 = tpu.memref_slice %arg10[%dma_wait3A_116] : memref<5056xi32, #tpu.memory_space<vmem>> -> memref<32xi32, #tpu.memory_space<vmem>>
      %dma_wait3A_118 = arith.constant 0 : i32
      %dma_wait3A_119 = arith.constant 0 : i32
      %dma_wait3A_120 = tpu.memref_slice %arg28[%dma_wait3A_118, %dma_wait3A_119] : memref<200x128xi32, #tpu.memory_space<vmem_shared>> -> memref<200x128xi32, #tpu.memory_space<vmem_shared>>
      tpu.wait_indirect_dma semaphore(%arg24 : memref<!tpu.dma_semaphore, #tpu.memory_space<semaphore_mem>>) src(%dma_wait3A_120 : memref<200x128xi32, #tpu.memory_space<vmem_shared>>) dst(%arg18 : memref<32x128xi32, #tpu.memory_space<vmem>>)
      %add3A_121 = arith.constant 1 : i32
      %add3A_122 = arith.addi %add3A_39, %add3A_121 : i32
      %ge3A_123 = arith.constant 2 : i32
      %ge3A_124 = arith.cmpi sge, %add3A_122, %ge3A_123 : i32
      %convert_element_type3A_125 = arith.extui %ge3A_124 : i1 to i32
      %cond3A_126 = arith.constant 0 : i32
      %cond3A_127 = arith.cmpi ne, %convert_element_type3A_125, %cond3A_126 : i32
      scf.if %cond3A_127 {
        %dma_wait3A_155 = arith.constant 0 : i32
        %dma_wait3A_156 = tpu.memref_slice %arg7[%dma_wait3A_155] : memref<161792xf32, #tpu.memory_space<hbm>> -> memref<32xf32, #tpu.memory_space<hbm>>
        %dma_wait3A_157 = arith.constant 0 : i32
        %dma_wait3A_158 = tpu.memref_slice %arg7[%dma_wait3A_157] : memref<161792xf32, #tpu.memory_space<hbm>> -> memref<32xf32, #tpu.memory_space<hbm>>
        tpu.wait_dma2 semaphore(%arg26 : memref<!tpu.dma_semaphore, #tpu.memory_space<semaphore_mem>>) src(%arg12 : memref<32xf32, #tpu.memory_space<vmem>>) dst(%dma_wait3A_158 : memref<32xf32, #tpu.memory_space<hbm>>)
      } else {
      }
      %broadcast_in_dim3A_128 = arith.constant 0.000000e+00 : f32
      %broadcast_in_dim3A_129 = vector.broadcast %broadcast_in_dim3A_128 : f32 to vector<16xf32>
      %scan3A_130 = arith.constant 0 : i32
      %scan3A_131 = arith.constant 16 : i32
      %scan3A_132 = arith.addi %scan3A_130, %scan3A_131 : i32
      %scan3A_133 = arith.constant 1 : i32
      %scan3A_134 = scf.for %scan3A_155 = %scan3A_130 to %scan3A_132 step %scan3A_133 iter_args(%scan3A_156 = %broadcast_in_dim3A_129) -> (vector<16xf32>)  : i32 {
        %add3A_157 = arith.constant 0 : i32
        %add3A_158 = arith.addi %add3A_157, %scan3A_155 : i32
        %broadcast_in_dim3A_159 = arith.constant 0.000000e+00 : f32
        %broadcast_in_dim3A_160 = vector.broadcast %broadcast_in_dim3A_159 : f32 to vector<16xf32>
        %broadcast_in_dim3A_161 = arith.constant 0.000000e+00 : f32
        %broadcast_in_dim3A_162 = vector.broadcast %broadcast_in_dim3A_161 : f32 to vector<16xf32>
        %get3A = arith.constant 0 : i32
        %get3A_163 = tpu.memref_slice %arg14[%add3A_158, %get3A] : memref<32x128xi32, #tpu.memory_space<vmem>> -> memref<1x128xi32, #tpu.memory_space<vmem>>
        %get3A_164 = tpu.memref_squeeze %get3A_163 : memref<1x128xi32, #tpu.memory_space<vmem>> -> memref<128xi32, #tpu.memory_space<vmem>>
        %get3A_165 = arith.constant 0 : index
        %get3A_166 = tpu.vector_load %get3A_164[%get3A_165] {strides = array<i32>} : memref<128xi32, #tpu.memory_space<vmem>>, vector<16xi32>,
        %get3A_167 = arith.constant 0 : i32
        %get3A_168 = tpu.memref_slice %arg16[%add3A_158, %get3A_167] : memref<32x128xi32, #tpu.memory_space<vmem>> -> memref<1x128xi32, #tpu.memory_space<vmem>>
        %get3A_169 = tpu.memref_squeeze %get3A_168 : memref<1x128xi32, #tpu.memory_space<vmem>> -> memref<128xi32, #tpu.memory_space<vmem>>
        %get3A_170 = arith.constant 0 : index
        %get3A_171 = tpu.vector_load %get3A_169[%get3A_170] {strides = array<i32>} : memref<128xi32, #tpu.memory_space<vmem>>, vector<16xi32>,
        %get3A_172 = arith.constant 0 : i32
        %get3A_173 = tpu.memref_slice %arg18[%add3A_158, %get3A_172] : memref<32x128xi32, #tpu.memory_space<vmem>> -> memref<1x128xi32, #tpu.memory_space<vmem>>
        %get3A_174 = tpu.memref_squeeze %get3A_173 : memref<1x128xi32, #tpu.memory_space<vmem>> -> memref<128xi32, #tpu.memory_space<vmem>>
        %get3A_175 = arith.constant 0 : index
        %get3A_176 = tpu.vector_load %get3A_174[%get3A_175] {strides = array<i32>} : memref<128xi32, #tpu.memory_space<vmem>>, vector<16xi32>,
        %bitcast3A = vector.bitcast %get3A_166 : vector<16xi32> to vector<32xbf16>
        %unpack3A = tpu.unpack_subelements %bitcast3A, 0 {pack_format = #tpu.pack_format<interleaved>} : vector<32xbf16> -> vector<16xf32>
        %unpack3A_177 = tpu.unpack_subelements %bitcast3A, 1 {pack_format = #tpu.pack_format<interleaved>} : vector<32xbf16> -> vector<16xf32>
        %bitcast3A_178 = vector.bitcast %get3A_171 : vector<16xi32> to vector<32xbf16>
        %unpack3A_179 = tpu.unpack_subelements %bitcast3A_178, 0 {pack_format = #tpu.pack_format<interleaved>} : vector<32xbf16> -> vector<16xf32>
        %unpack3A_180 = tpu.unpack_subelements %bitcast3A_178, 1 {pack_format = #tpu.pack_format<interleaved>} : vector<32xbf16> -> vector<16xf32>
        %bitcast3A_181 = vector.bitcast %get3A_176 : vector<16xi32> to vector<32xbf16>
        %unpack3A_182 = tpu.unpack_subelements %bitcast3A_181, 0 {pack_format = #tpu.pack_format<interleaved>} : vector<32xbf16> -> vector<16xf32>
        %unpack3A_183 = tpu.unpack_subelements %bitcast3A_181, 1 {pack_format = #tpu.pack_format<interleaved>} : vector<32xbf16> -> vector<16xf32>
        %mul3A_184 = arith.mulf %unpack3A, %unpack3A_179 : vector<16xf32>
        %mul3A_185 = arith.mulf %mul3A_184, %unpack3A_182 : vector<16xf32>
        %add3A_186 = arith.addf %broadcast_in_dim3A_160, %mul3A_185 : vector<16xf32>
        %mul3A_187 = arith.mulf %unpack3A_177, %unpack3A_180 : vector<16xf32>
        %mul3A_188 = arith.mulf %mul3A_187, %unpack3A_183 : vector<16xf32>
        %add3A_189 = arith.addf %broadcast_in_dim3A_162, %mul3A_188 : vector<16xf32>
        %get3A_190 = arith.constant 0 : i32
        %get3A_191 = tpu.memref_slice %arg14[%add3A_158, %get3A_190] : memref<32x128xi32, #tpu.memory_space<vmem>> -> memref<1x128xi32, #tpu.memory_space<vmem>>
        %get3A_192 = tpu.memref_squeeze %get3A_191 : memref<1x128xi32, #tpu.memory_space<vmem>> -> memref<128xi32, #tpu.memory_space<vmem>>
        %get3A_193 = arith.constant 16 : index
        %get3A_194 = tpu.vector_load %get3A_192[%get3A_193] {strides = array<i32>} : memref<128xi32, #tpu.memory_space<vmem>>, vector<16xi32>,
        %get3A_195 = arith.constant 0 : i32
        %get3A_196 = tpu.memref_slice %arg16[%add3A_158, %get3A_195] : memref<32x128xi32, #tpu.memory_space<vmem>> -> memref<1x128xi32, #tpu.memory_space<vmem>>
        %get3A_197 = tpu.memref_squeeze %get3A_196 : memref<1x128xi32, #tpu.memory_space<vmem>> -> memref<128xi32, #tpu.memory_space<vmem>>
        %get3A_198 = arith.constant 16 : index
        %get3A_199 = tpu.vector_load %get3A_197[%get3A_198] {strides = array<i32>} : memref<128xi32, #tpu.memory_space<vmem>>, vector<16xi32>,
        %get3A_200 = arith.constant 0 : i32
        %get3A_201 = tpu.memref_slice %arg18[%add3A_158, %get3A_200] : memref<32x128xi32, #tpu.memory_space<vmem>> -> memref<1x128xi32, #tpu.memory_space<vmem>>
        %get3A_202 = tpu.memref_squeeze %get3A_201 : memref<1x128xi32, #tpu.memory_space<vmem>> -> memref<128xi32, #tpu.memory_space<vmem>>
        %get3A_203 = arith.constant 16 : index
        %get3A_204 = tpu.vector_load %get3A_202[%get3A_203] {strides = array<i32>} : memref<128xi32, #tpu.memory_space<vmem>>, vector<16xi32>,
        %bitcast3A_205 = vector.bitcast %get3A_194 : vector<16xi32> to vector<32xbf16>
        %unpack3A_206 = tpu.unpack_subelements %bitcast3A_205, 0 {pack_format = #tpu.pack_format<interleaved>} : vector<32xbf16> -> vector<16xf32>
        %unpack3A_207 = tpu.unpack_subelements %bitcast3A_205, 1 {pack_format = #tpu.pack_format<interleaved>} : vector<32xbf16> -> vector<16xf32>
        %bitcast3A_208 = vector.bitcast %get3A_199 : vector<16xi32> to vector<32xbf16>
        %unpack3A_209 = tpu.unpack_subelements %bitcast3A_208, 0 {pack_format = #tpu.pack_format<interleaved>} : vector<32xbf16> -> vector<16xf32>
        %unpack3A_210 = tpu.unpack_subelements %bitcast3A_208, 1 {pack_format = #tpu.pack_format<interleaved>} : vector<32xbf16> -> vector<16xf32>
        %bitcast3A_211 = vector.bitcast %get3A_204 : vector<16xi32> to vector<32xbf16>
        %unpack3A_212 = tpu.unpack_subelements %bitcast3A_211, 0 {pack_format = #tpu.pack_format<interleaved>} : vector<32xbf16> -> vector<16xf32>
        %unpack3A_213 = tpu.unpack_subelements %bitcast3A_211, 1 {pack_format = #tpu.pack_format<interleaved>} : vector<32xbf16> -> vector<16xf32>
        %mul3A_214 = arith.mulf %unpack3A_206, %unpack3A_209 : vector<16xf32>
        %mul3A_215 = arith.mulf %mul3A_214, %unpack3A_212 : vector<16xf32>
        %add3A_216 = arith.addf %add3A_186, %mul3A_215 : vector<16xf32>
        %mul3A_217 = arith.mulf %unpack3A_207, %unpack3A_210 : vector<16xf32>
        %mul3A_218 = arith.mulf %mul3A_217, %unpack3A_213 : vector<16xf32>
        %add3A_219 = arith.addf %add3A_189, %mul3A_218 : vector<16xf32>
        %get3A_220 = arith.constant 0 : i32
        %get3A_221 = tpu.memref_slice %arg14[%add3A_158, %get3A_220] : memref<32x128xi32, #tpu.memory_space<vmem>> -> memref<1x128xi32, #tpu.memory_space<vmem>>
        %get3A_222 = tpu.memref_squeeze %get3A_221 : memref<1x128xi32, #tpu.memory_space<vmem>> -> memref<128xi32, #tpu.memory_space<vmem>>
        %get3A_223 = arith.constant 32 : index
        %get3A_224 = tpu.vector_load %get3A_222[%get3A_223] {strides = array<i32>} : memref<128xi32, #tpu.memory_space<vmem>>, vector<16xi32>,
        %get3A_225 = arith.constant 0 : i32
        %get3A_226 = tpu.memref_slice %arg16[%add3A_158, %get3A_225] : memref<32x128xi32, #tpu.memory_space<vmem>> -> memref<1x128xi32, #tpu.memory_space<vmem>>
        %get3A_227 = tpu.memref_squeeze %get3A_226 : memref<1x128xi32, #tpu.memory_space<vmem>> -> memref<128xi32, #tpu.memory_space<vmem>>
        %get3A_228 = arith.constant 32 : index
        %get3A_229 = tpu.vector_load %get3A_227[%get3A_228] {strides = array<i32>} : memref<128xi32, #tpu.memory_space<vmem>>, vector<16xi32>,
        %get3A_230 = arith.constant 0 : i32
        %get3A_231 = tpu.memref_slice %arg18[%add3A_158, %get3A_230] : memref<32x128xi32, #tpu.memory_space<vmem>> -> memref<1x128xi32, #tpu.memory_space<vmem>>
        %get3A_232 = tpu.memref_squeeze %get3A_231 : memref<1x128xi32, #tpu.memory_space<vmem>> -> memref<128xi32, #tpu.memory_space<vmem>>
        %get3A_233 = arith.constant 32 : index
        %get3A_234 = tpu.vector_load %get3A_232[%get3A_233] {strides = array<i32>} : memref<128xi32, #tpu.memory_space<vmem>>, vector<16xi32>,
        %bitcast3A_235 = vector.bitcast %get3A_224 : vector<16xi32> to vector<32xbf16>
        %unpack3A_236 = tpu.unpack_subelements %bitcast3A_235, 0 {pack_format = #tpu.pack_format<interleaved>} : vector<32xbf16> -> vector<16xf32>
        %unpack3A_237 = tpu.unpack_subelements %bitcast3A_235, 1 {pack_format = #tpu.pack_format<interleaved>} : vector<32xbf16> -> vector<16xf32>
        %bitcast3A_238 = vector.bitcast %get3A_229 : vector<16xi32> to vector<32xbf16>
        %unpack3A_239 = tpu.unpack_subelements %bitcast3A_238, 0 {pack_format = #tpu.pack_format<interleaved>} : vector<32xbf16> -> vector<16xf32>
        %unpack3A_240 = tpu.unpack_subelements %bitcast3A_238, 1 {pack_format = #tpu.pack_format<interleaved>} : vector<32xbf16> -> vector<16xf32>
        %bitcast3A_241 = vector.bitcast %get3A_234 : vector<16xi32> to vector<32xbf16>
        %unpack3A_242 = tpu.unpack_subelements %bitcast3A_241, 0 {pack_format = #tpu.pack_format<interleaved>} : vector<32xbf16> -> vector<16xf32>
        %unpack3A_243 = tpu.unpack_subelements %bitcast3A_241, 1 {pack_format = #tpu.pack_format<interleaved>} : vector<32xbf16> -> vector<16xf32>
        %mul3A_244 = arith.mulf %unpack3A_236, %unpack3A_239 : vector<16xf32>
        %mul3A_245 = arith.mulf %mul3A_244, %unpack3A_242 : vector<16xf32>
        %add3A_246 = arith.addf %add3A_216, %mul3A_245 : vector<16xf32>
        %mul3A_247 = arith.mulf %unpack3A_237, %unpack3A_240 : vector<16xf32>
        %mul3A_248 = arith.mulf %mul3A_247, %unpack3A_243 : vector<16xf32>
        %add3A_249 = arith.addf %add3A_219, %mul3A_248 : vector<16xf32>
        %get3A_250 = arith.constant 0 : i32
        %get3A_251 = tpu.memref_slice %arg14[%add3A_158, %get3A_250] : memref<32x128xi32, #tpu.memory_space<vmem>> -> memref<1x128xi32, #tpu.memory_space<vmem>>
        %get3A_252 = tpu.memref_squeeze %get3A_251 : memref<1x128xi32, #tpu.memory_space<vmem>> -> memref<128xi32, #tpu.memory_space<vmem>>
        %get3A_253 = arith.constant 48 : index
        %get3A_254 = tpu.vector_load %get3A_252[%get3A_253] {strides = array<i32>} : memref<128xi32, #tpu.memory_space<vmem>>, vector<16xi32>,
        %get3A_255 = arith.constant 0 : i32
        %get3A_256 = tpu.memref_slice %arg16[%add3A_158, %get3A_255] : memref<32x128xi32, #tpu.memory_space<vmem>> -> memref<1x128xi32, #tpu.memory_space<vmem>>
        %get3A_257 = tpu.memref_squeeze %get3A_256 : memref<1x128xi32, #tpu.memory_space<vmem>> -> memref<128xi32, #tpu.memory_space<vmem>>
        %get3A_258 = arith.constant 48 : index
        %get3A_259 = tpu.vector_load %get3A_257[%get3A_258] {strides = array<i32>} : memref<128xi32, #tpu.memory_space<vmem>>, vector<16xi32>,
        %get3A_260 = arith.constant 0 : i32
        %get3A_261 = tpu.memref_slice %arg18[%add3A_158, %get3A_260] : memref<32x128xi32, #tpu.memory_space<vmem>> -> memref<1x128xi32, #tpu.memory_space<vmem>>
        %get3A_262 = tpu.memref_squeeze %get3A_261 : memref<1x128xi32, #tpu.memory_space<vmem>> -> memref<128xi32, #tpu.memory_space<vmem>>
        %get3A_263 = arith.constant 48 : index
        %get3A_264 = tpu.vector_load %get3A_262[%get3A_263] {strides = array<i32>} : memref<128xi32, #tpu.memory_space<vmem>>, vector<16xi32>,
        %bitcast3A_265 = vector.bitcast %get3A_254 : vector<16xi32> to vector<32xbf16>
        %unpack3A_266 = tpu.unpack_subelements %bitcast3A_265, 0 {pack_format = #tpu.pack_format<interleaved>} : vector<32xbf16> -> vector<16xf32>
        %unpack3A_267 = tpu.unpack_subelements %bitcast3A_265, 1 {pack_format = #tpu.pack_format<interleaved>} : vector<32xbf16> -> vector<16xf32>
        %bitcast3A_268 = vector.bitcast %get3A_259 : vector<16xi32> to vector<32xbf16>
        %unpack3A_269 = tpu.unpack_subelements %bitcast3A_268, 0 {pack_format = #tpu.pack_format<interleaved>} : vector<32xbf16> -> vector<16xf32>
        %unpack3A_270 = tpu.unpack_subelements %bitcast3A_268, 1 {pack_format = #tpu.pack_format<interleaved>} : vector<32xbf16> -> vector<16xf32>
        %bitcast3A_271 = vector.bitcast %get3A_264 : vector<16xi32> to vector<32xbf16>
        %unpack3A_272 = tpu.unpack_subelements %bitcast3A_271, 0 {pack_format = #tpu.pack_format<interleaved>} : vector<32xbf16> -> vector<16xf32>
        %unpack3A_273 = tpu.unpack_subelements %bitcast3A_271, 1 {pack_format = #tpu.pack_format<interleaved>} : vector<32xbf16> -> vector<16xf32>
        %mul3A_274 = arith.mulf %unpack3A_266, %unpack3A_269 : vector<16xf32>
        %mul3A_275 = arith.mulf %mul3A_274, %unpack3A_272 : vector<16xf32>
        %add3A_276 = arith.addf %add3A_246, %mul3A_275 : vector<16xf32>
        %mul3A_277 = arith.mulf %unpack3A_267, %unpack3A_270 : vector<16xf32>
        %mul3A_278 = arith.mulf %mul3A_277, %unpack3A_273 : vector<16xf32>
        %add3A_279 = arith.addf %add3A_249, %mul3A_278 : vector<16xf32>
        %get3A_280 = arith.constant 0 : i32
        %get3A_281 = tpu.memref_slice %arg14[%add3A_158, %get3A_280] : memref<32x128xi32, #tpu.memory_space<vmem>> -> memref<1x128xi32, #tpu.memory_space<vmem>>
        %get3A_282 = tpu.memref_squeeze %get3A_281 : memref<1x128xi32, #tpu.memory_space<vmem>> -> memref<128xi32, #tpu.memory_space<vmem>>
        %get3A_283 = arith.constant 64 : index
        %get3A_284 = tpu.vector_load %get3A_282[%get3A_283] {strides = array<i32>} : memref<128xi32, #tpu.memory_space<vmem>>, vector<16xi32>,
        %get3A_285 = arith.constant 0 : i32
        %get3A_286 = tpu.memref_slice %arg16[%add3A_158, %get3A_285] : memref<32x128xi32, #tpu.memory_space<vmem>> -> memref<1x128xi32, #tpu.memory_space<vmem>>
        %get3A_287 = tpu.memref_squeeze %get3A_286 : memref<1x128xi32, #tpu.memory_space<vmem>> -> memref<128xi32, #tpu.memory_space<vmem>>
        %get3A_288 = arith.constant 64 : index
        %get3A_289 = tpu.vector_load %get3A_287[%get3A_288] {strides = array<i32>} : memref<128xi32, #tpu.memory_space<vmem>>, vector<16xi32>,
        %get3A_290 = arith.constant 0 : i32
        %get3A_291 = tpu.memref_slice %arg18[%add3A_158, %get3A_290] : memref<32x128xi32, #tpu.memory_space<vmem>> -> memref<1x128xi32, #tpu.memory_space<vmem>>
        %get3A_292 = tpu.memref_squeeze %get3A_291 : memref<1x128xi32, #tpu.memory_space<vmem>> -> memref<128xi32, #tpu.memory_space<vmem>>
        %get3A_293 = arith.constant 64 : index
        %get3A_294 = tpu.vector_load %get3A_292[%get3A_293] {strides = array<i32>} : memref<128xi32, #tpu.memory_space<vmem>>, vector<16xi32>,
        %bitcast3A_295 = vector.bitcast %get3A_284 : vector<16xi32> to vector<32xbf16>
        %unpack3A_296 = tpu.unpack_subelements %bitcast3A_295, 0 {pack_format = #tpu.pack_format<interleaved>} : vector<32xbf16> -> vector<16xf32>
        %unpack3A_297 = tpu.unpack_subelements %bitcast3A_295, 1 {pack_format = #tpu.pack_format<interleaved>} : vector<32xbf16> -> vector<16xf32>
        %bitcast3A_298 = vector.bitcast %get3A_289 : vector<16xi32> to vector<32xbf16>
        %unpack3A_299 = tpu.unpack_subelements %bitcast3A_298, 0 {pack_format = #tpu.pack_format<interleaved>} : vector<32xbf16> -> vector<16xf32>
        %unpack3A_300 = tpu.unpack_subelements %bitcast3A_298, 1 {pack_format = #tpu.pack_format<interleaved>} : vector<32xbf16> -> vector<16xf32>
        %bitcast3A_301 = vector.bitcast %get3A_294 : vector<16xi32> to vector<32xbf16>
        %unpack3A_302 = tpu.unpack_subelements %bitcast3A_301, 0 {pack_format = #tpu.pack_format<interleaved>} : vector<32xbf16> -> vector<16xf32>
        %unpack3A_303 = tpu.unpack_subelements %bitcast3A_301, 1 {pack_format = #tpu.pack_format<interleaved>} : vector<32xbf16> -> vector<16xf32>
        %mul3A_304 = arith.mulf %unpack3A_296, %unpack3A_299 : vector<16xf32>
        %mul3A_305 = arith.mulf %mul3A_304, %unpack3A_302 : vector<16xf32>
        %add3A_306 = arith.addf %add3A_276, %mul3A_305 : vector<16xf32>
        %mul3A_307 = arith.mulf %unpack3A_297, %unpack3A_300 : vector<16xf32>
        %mul3A_308 = arith.mulf %mul3A_307, %unpack3A_303 : vector<16xf32>
        %add3A_309 = arith.addf %add3A_279, %mul3A_308 : vector<16xf32>
        %get3A_310 = arith.constant 0 : i32
        %get3A_311 = tpu.memref_slice %arg14[%add3A_158, %get3A_310] : memref<32x128xi32, #tpu.memory_space<vmem>> -> memref<1x128xi32, #tpu.memory_space<vmem>>
        %get3A_312 = tpu.memref_squeeze %get3A_311 : memref<1x128xi32, #tpu.memory_space<vmem>> -> memref<128xi32, #tpu.memory_space<vmem>>
        %get3A_313 = arith.constant 80 : index
        %get3A_314 = tpu.vector_load %get3A_312[%get3A_313] {strides = array<i32>} : memref<128xi32, #tpu.memory_space<vmem>>, vector<16xi32>,
        %get3A_315 = arith.constant 0 : i32
        %get3A_316 = tpu.memref_slice %arg16[%add3A_158, %get3A_315] : memref<32x128xi32, #tpu.memory_space<vmem>> -> memref<1x128xi32, #tpu.memory_space<vmem>>
        %get3A_317 = tpu.memref_squeeze %get3A_316 : memref<1x128xi32, #tpu.memory_space<vmem>> -> memref<128xi32, #tpu.memory_space<vmem>>
        %get3A_318 = arith.constant 80 : index
        %get3A_319 = tpu.vector_load %get3A_317[%get3A_318] {strides = array<i32>} : memref<128xi32, #tpu.memory_space<vmem>>, vector<16xi32>,
        %get3A_320 = arith.constant 0 : i32
        %get3A_321 = tpu.memref_slice %arg18[%add3A_158, %get3A_320] : memref<32x128xi32, #tpu.memory_space<vmem>> -> memref<1x128xi32, #tpu.memory_space<vmem>>
        %get3A_322 = tpu.memref_squeeze %get3A_321 : memref<1x128xi32, #tpu.memory_space<vmem>> -> memref<128xi32, #tpu.memory_space<vmem>>
        %get3A_323 = arith.constant 80 : index
        %get3A_324 = tpu.vector_load %get3A_322[%get3A_323] {strides = array<i32>} : memref<128xi32, #tpu.memory_space<vmem>>, vector<16xi32>,
        %bitcast3A_325 = vector.bitcast %get3A_314 : vector<16xi32> to vector<32xbf16>
        %unpack3A_326 = tpu.unpack_subelements %bitcast3A_325, 0 {pack_format = #tpu.pack_format<interleaved>} : vector<32xbf16> -> vector<16xf32>
        %unpack3A_327 = tpu.unpack_subelements %bitcast3A_325, 1 {pack_format = #tpu.pack_format<interleaved>} : vector<32xbf16> -> vector<16xf32>
        %bitcast3A_328 = vector.bitcast %get3A_319 : vector<16xi32> to vector<32xbf16>
        %unpack3A_329 = tpu.unpack_subelements %bitcast3A_328, 0 {pack_format = #tpu.pack_format<interleaved>} : vector<32xbf16> -> vector<16xf32>
        %unpack3A_330 = tpu.unpack_subelements %bitcast3A_328, 1 {pack_format = #tpu.pack_format<interleaved>} : vector<32xbf16> -> vector<16xf32>
        %bitcast3A_331 = vector.bitcast %get3A_324 : vector<16xi32> to vector<32xbf16>
        %unpack3A_332 = tpu.unpack_subelements %bitcast3A_331, 0 {pack_format = #tpu.pack_format<interleaved>} : vector<32xbf16> -> vector<16xf32>
        %unpack3A_333 = tpu.unpack_subelements %bitcast3A_331, 1 {pack_format = #tpu.pack_format<interleaved>} : vector<32xbf16> -> vector<16xf32>
        %mul3A_334 = arith.mulf %unpack3A_326, %unpack3A_329 : vector<16xf32>
        %mul3A_335 = arith.mulf %mul3A_334, %unpack3A_332 : vector<16xf32>
        %add3A_336 = arith.addf %add3A_306, %mul3A_335 : vector<16xf32>
        %mul3A_337 = arith.mulf %unpack3A_327, %unpack3A_330 : vector<16xf32>
        %mul3A_338 = arith.mulf %mul3A_337, %unpack3A_333 : vector<16xf32>
        %add3A_339 = arith.addf %add3A_309, %mul3A_338 : vector<16xf32>
        %get3A_340 = arith.constant 0 : i32
        %get3A_341 = tpu.memref_slice %arg14[%add3A_158, %get3A_340] : memref<32x128xi32, #tpu.memory_space<vmem>> -> memref<1x128xi32, #tpu.memory_space<vmem>>
        %get3A_342 = tpu.memref_squeeze %get3A_341 : memref<1x128xi32, #tpu.memory_space<vmem>> -> memref<128xi32, #tpu.memory_space<vmem>>
        %get3A_343 = arith.constant 96 : index
        %get3A_344 = tpu.vector_load %get3A_342[%get3A_343] {strides = array<i32>} : memref<128xi32, #tpu.memory_space<vmem>>, vector<16xi32>,
        %get3A_345 = arith.constant 0 : i32
        %get3A_346 = tpu.memref_slice %arg16[%add3A_158, %get3A_345] : memref<32x128xi32, #tpu.memory_space<vmem>> -> memref<1x128xi32, #tpu.memory_space<vmem>>
        %get3A_347 = tpu.memref_squeeze %get3A_346 : memref<1x128xi32, #tpu.memory_space<vmem>> -> memref<128xi32, #tpu.memory_space<vmem>>
        %get3A_348 = arith.constant 96 : index
        %get3A_349 = tpu.vector_load %get3A_347[%get3A_348] {strides = array<i32>} : memref<128xi32, #tpu.memory_space<vmem>>, vector<16xi32>,
        %get3A_350 = arith.constant 0 : i32
        %get3A_351 = tpu.memref_slice %arg18[%add3A_158, %get3A_350] : memref<32x128xi32, #tpu.memory_space<vmem>> -> memref<1x128xi32, #tpu.memory_space<vmem>>
        %get3A_352 = tpu.memref_squeeze %get3A_351 : memref<1x128xi32, #tpu.memory_space<vmem>> -> memref<128xi32, #tpu.memory_space<vmem>>
        %get3A_353 = arith.constant 96 : index
        %get3A_354 = tpu.vector_load %get3A_352[%get3A_353] {strides = array<i32>} : memref<128xi32, #tpu.memory_space<vmem>>, vector<16xi32>,
        %bitcast3A_355 = vector.bitcast %get3A_344 : vector<16xi32> to vector<32xbf16>
        %unpack3A_356 = tpu.unpack_subelements %bitcast3A_355, 0 {pack_format = #tpu.pack_format<interleaved>} : vector<32xbf16> -> vector<16xf32>
        %unpack3A_357 = tpu.unpack_subelements %bitcast3A_355, 1 {pack_format = #tpu.pack_format<interleaved>} : vector<32xbf16> -> vector<16xf32>
        %bitcast3A_358 = vector.bitcast %get3A_349 : vector<16xi32> to vector<32xbf16>
        %unpack3A_359 = tpu.unpack_subelements %bitcast3A_358, 0 {pack_format = #tpu.pack_format<interleaved>} : vector<32xbf16> -> vector<16xf32>
        %unpack3A_360 = tpu.unpack_subelements %bitcast3A_358, 1 {pack_format = #tpu.pack_format<interleaved>} : vector<32xbf16> -> vector<16xf32>
        %bitcast3A_361 = vector.bitcast %get3A_354 : vector<16xi32> to vector<32xbf16>
        %unpack3A_362 = tpu.unpack_subelements %bitcast3A_361, 0 {pack_format = #tpu.pack_format<interleaved>} : vector<32xbf16> -> vector<16xf32>
        %unpack3A_363 = tpu.unpack_subelements %bitcast3A_361, 1 {pack_format = #tpu.pack_format<interleaved>} : vector<32xbf16> -> vector<16xf32>
        %mul3A_364 = arith.mulf %unpack3A_356, %unpack3A_359 : vector<16xf32>
        %mul3A_365 = arith.mulf %mul3A_364, %unpack3A_362 : vector<16xf32>
        %add3A_366 = arith.addf %add3A_336, %mul3A_365 : vector<16xf32>
        %mul3A_367 = arith.mulf %unpack3A_357, %unpack3A_360 : vector<16xf32>
        %mul3A_368 = arith.mulf %mul3A_367, %unpack3A_363 : vector<16xf32>
        %add3A_369 = arith.addf %add3A_339, %mul3A_368 : vector<16xf32>
        %get3A_370 = arith.constant 0 : i32
        %get3A_371 = tpu.memref_slice %arg14[%add3A_158, %get3A_370] : memref<32x128xi32, #tpu.memory_space<vmem>> -> memref<1x128xi32, #tpu.memory_space<vmem>>
        %get3A_372 = tpu.memref_squeeze %get3A_371 : memref<1x128xi32, #tpu.memory_space<vmem>> -> memref<128xi32, #tpu.memory_space<vmem>>
        %get3A_373 = arith.constant 112 : index
        %get3A_374 = tpu.vector_load %get3A_372[%get3A_373] {strides = array<i32>} : memref<128xi32, #tpu.memory_space<vmem>>, vector<16xi32>,
        %get3A_375 = arith.constant 0 : i32
        %get3A_376 = tpu.memref_slice %arg16[%add3A_158, %get3A_375] : memref<32x128xi32, #tpu.memory_space<vmem>> -> memref<1x128xi32, #tpu.memory_space<vmem>>
        %get3A_377 = tpu.memref_squeeze %get3A_376 : memref<1x128xi32, #tpu.memory_space<vmem>> -> memref<128xi32, #tpu.memory_space<vmem>>
        %get3A_378 = arith.constant 112 : index
        %get3A_379 = tpu.vector_load %get3A_377[%get3A_378] {strides = array<i32>} : memref<128xi32, #tpu.memory_space<vmem>>, vector<16xi32>,
        %get3A_380 = arith.constant 0 : i32
        %get3A_381 = tpu.memref_slice %arg18[%add3A_158, %get3A_380] : memref<32x128xi32, #tpu.memory_space<vmem>> -> memref<1x128xi32, #tpu.memory_space<vmem>>
        %get3A_382 = tpu.memref_squeeze %get3A_381 : memref<1x128xi32, #tpu.memory_space<vmem>> -> memref<128xi32, #tpu.memory_space<vmem>>
        %get3A_383 = arith.constant 112 : index
        %get3A_384 = tpu.vector_load %get3A_382[%get3A_383] {strides = array<i32>} : memref<128xi32, #tpu.memory_space<vmem>>, vector<16xi32>,
        %bitcast3A_385 = vector.bitcast %get3A_374 : vector<16xi32> to vector<32xbf16>
        %unpack3A_386 = tpu.unpack_subelements %bitcast3A_385, 0 {pack_format = #tpu.pack_format<interleaved>} : vector<32xbf16> -> vector<16xf32>
        %unpack3A_387 = tpu.unpack_subelements %bitcast3A_385, 1 {pack_format = #tpu.pack_format<interleaved>} : vector<32xbf16> -> vector<16xf32>
        %bitcast3A_388 = vector.bitcast %get3A_379 : vector<16xi32> to vector<32xbf16>
        %unpack3A_389 = tpu.unpack_subelements %bitcast3A_388, 0 {pack_format = #tpu.pack_format<interleaved>} : vector<32xbf16> -> vector<16xf32>
        %unpack3A_390 = tpu.unpack_subelements %bitcast3A_388, 1 {pack_format = #tpu.pack_format<interleaved>} : vector<32xbf16> -> vector<16xf32>
        %bitcast3A_391 = vector.bitcast %get3A_384 : vector<16xi32> to vector<32xbf16>
        %unpack3A_392 = tpu.unpack_subelements %bitcast3A_391, 0 {pack_format = #tpu.pack_format<interleaved>} : vector<32xbf16> -> vector<16xf32>
        %unpack3A_393 = tpu.unpack_subelements %bitcast3A_391, 1 {pack_format = #tpu.pack_format<interleaved>} : vector<32xbf16> -> vector<16xf32>
        %mul3A_394 = arith.mulf %unpack3A_386, %unpack3A_389 : vector<16xf32>
        %mul3A_395 = arith.mulf %mul3A_394, %unpack3A_392 : vector<16xf32>
        %add3A_396 = arith.addf %add3A_366, %mul3A_395 : vector<16xf32>
        %mul3A_397 = arith.mulf %unpack3A_387, %unpack3A_390 : vector<16xf32>
        %mul3A_398 = arith.mulf %mul3A_397, %unpack3A_393 : vector<16xf32>
        %add3A_399 = arith.addf %add3A_369, %mul3A_398 : vector<16xf32>
        %add3A_400 = arith.addf %add3A_396, %add3A_399 : vector<16xf32>
        %reduce_sum3A = arith.constant true
        %reduce_sum3A_401 = vector.broadcast %reduce_sum3A : i1 to vector<16xi1>
        %reduce_sum3A_402 = tpu.scan <sum>, %add3A_400 masked %reduce_sum3A_401 : vector<16xf32>, vector<16xi1> -> vector<16xf32>
        %reduce_sum3A_403 = vector.extract %reduce_sum3A_402[15] : f32 from vector<16xf32>
        %eq3A_404 = vector.broadcast %scan3A_155 : i32 to vector<16xi32>
        %eq3A_405 = arith.cmpi eq, %iota3A, %eq3A_404 : vector<16xi32>
        %broadcast_in_dim3A_406 = vector.broadcast %reduce_sum3A_403 : f32 to vector<16xf32>
        %select_n3A = arith.select %eq3A_405, %broadcast_in_dim3A_406, %scan3A_156 : vector<16xi1>, vector<16xf32>
        scf.yield %select_n3A : vector<16xf32>
      }
      %scan3A_135 = arith.constant 16 : i32
      %swap3A_136 = arith.constant 0 : index
      %swap3A_137 = tpu.vector_load %arg12[%swap3A_136] {strides = array<i32>} : memref<32xf32, #tpu.memory_space<vmem>>, vector<16xf32>,
      tpu.vector_store %arg12[%swap3A_136], %scan3A_134 {strides = array<i32>} : memref<32xf32, #tpu.memory_space<vmem>>, vector<16xf32>,
      %broadcast_in_dim3A_138 = arith.constant 0.000000e+00 : f32
      %broadcast_in_dim3A_139 = vector.broadcast %broadcast_in_dim3A_138 : f32 to vector<16xf32>
      %scan3A_140 = arith.constant 0 : i32
      %scan3A_141 = arith.constant 16 : i32
      %scan3A_142 = arith.addi %scan3A_140, %scan3A_141 : i32
      %scan3A_143 = arith.constant 1 : i32
      %scan3A_144 = scf.for %scan3A_155 = %scan3A_140 to %scan3A_142 step %scan3A_143 iter_args(%scan3A_156 = %broadcast_in_dim3A_139) -> (vector<16xf32>)  : i32 {
        %add3A_157 = arith.constant 16 : i32
        %add3A_158 = arith.addi %add3A_157, %scan3A_155 : i32
        %broadcast_in_dim3A_159 = arith.constant 0.000000e+00 : f32
        %broadcast_in_dim3A_160 = vector.broadcast %broadcast_in_dim3A_159 : f32 to vector<16xf32>
        %broadcast_in_dim3A_161 = arith.constant 0.000000e+00 : f32
        %broadcast_in_dim3A_162 = vector.broadcast %broadcast_in_dim3A_161 : f32 to vector<16xf32>
        %get3A = arith.constant 0 : i32
        %get3A_163 = tpu.memref_slice %arg14[%add3A_158, %get3A] : memref<32x128xi32, #tpu.memory_space<vmem>> -> memref<1x128xi32, #tpu.memory_space<vmem>>
        %get3A_164 = tpu.memref_squeeze %get3A_163 : memref<1x128xi32, #tpu.memory_space<vmem>> -> memref<128xi32, #tpu.memory_space<vmem>>
        %get3A_165 = arith.constant 0 : index
        %get3A_166 = tpu.vector_load %get3A_164[%get3A_165] {strides = array<i32>} : memref<128xi32, #tpu.memory_space<vmem>>, vector<16xi32>,
        %get3A_167 = arith.constant 0 : i32
        %get3A_168 = tpu.memref_slice %arg16[%add3A_158, %get3A_167] : memref<32x128xi32, #tpu.memory_space<vmem>> -> memref<1x128xi32, #tpu.memory_space<vmem>>
        %get3A_169 = tpu.memref_squeeze %get3A_168 : memref<1x128xi32, #tpu.memory_space<vmem>> -> memref<128xi32, #tpu.memory_space<vmem>>
        %get3A_170 = arith.constant 0 : index
        %get3A_171 = tpu.vector_load %get3A_169[%get3A_170] {strides = array<i32>} : memref<128xi32, #tpu.memory_space<vmem>>, vector<16xi32>,
        %get3A_172 = arith.constant 0 : i32
        %get3A_173 = tpu.memref_slice %arg18[%add3A_158, %get3A_172] : memref<32x128xi32, #tpu.memory_space<vmem>> -> memref<1x128xi32, #tpu.memory_space<vmem>>
        %get3A_174 = tpu.memref_squeeze %get3A_173 : memref<1x128xi32, #tpu.memory_space<vmem>> -> memref<128xi32, #tpu.memory_space<vmem>>
        %get3A_175 = arith.constant 0 : index
        %get3A_176 = tpu.vector_load %get3A_174[%get3A_175] {strides = array<i32>} : memref<128xi32, #tpu.memory_space<vmem>>, vector<16xi32>,
        %bitcast3A = vector.bitcast %get3A_166 : vector<16xi32> to vector<32xbf16>
        %unpack3A = tpu.unpack_subelements %bitcast3A, 0 {pack_format = #tpu.pack_format<interleaved>} : vector<32xbf16> -> vector<16xf32>
        %unpack3A_177 = tpu.unpack_subelements %bitcast3A, 1 {pack_format = #tpu.pack_format<interleaved>} : vector<32xbf16> -> vector<16xf32>
        %bitcast3A_178 = vector.bitcast %get3A_171 : vector<16xi32> to vector<32xbf16>
        %unpack3A_179 = tpu.unpack_subelements %bitcast3A_178, 0 {pack_format = #tpu.pack_format<interleaved>} : vector<32xbf16> -> vector<16xf32>
        %unpack3A_180 = tpu.unpack_subelements %bitcast3A_178, 1 {pack_format = #tpu.pack_format<interleaved>} : vector<32xbf16> -> vector<16xf32>
        %bitcast3A_181 = vector.bitcast %get3A_176 : vector<16xi32> to vector<32xbf16>
        %unpack3A_182 = tpu.unpack_subelements %bitcast3A_181, 0 {pack_format = #tpu.pack_format<interleaved>} : vector<32xbf16> -> vector<16xf32>
        %unpack3A_183 = tpu.unpack_subelements %bitcast3A_181, 1 {pack_format = #tpu.pack_format<interleaved>} : vector<32xbf16> -> vector<16xf32>
        %mul3A_184 = arith.mulf %unpack3A, %unpack3A_179 : vector<16xf32>
        %mul3A_185 = arith.mulf %mul3A_184, %unpack3A_182 : vector<16xf32>
        %add3A_186 = arith.addf %broadcast_in_dim3A_160, %mul3A_185 : vector<16xf32>
        %mul3A_187 = arith.mulf %unpack3A_177, %unpack3A_180 : vector<16xf32>
        %mul3A_188 = arith.mulf %mul3A_187, %unpack3A_183 : vector<16xf32>
        %add3A_189 = arith.addf %broadcast_in_dim3A_162, %mul3A_188 : vector<16xf32>
        %get3A_190 = arith.constant 0 : i32
        %get3A_191 = tpu.memref_slice %arg14[%add3A_158, %get3A_190] : memref<32x128xi32, #tpu.memory_space<vmem>> -> memref<1x128xi32, #tpu.memory_space<vmem>>
        %get3A_192 = tpu.memref_squeeze %get3A_191 : memref<1x128xi32, #tpu.memory_space<vmem>> -> memref<128xi32, #tpu.memory_space<vmem>>
        %get3A_193 = arith.constant 16 : index
        %get3A_194 = tpu.vector_load %get3A_192[%get3A_193] {strides = array<i32>} : memref<128xi32, #tpu.memory_space<vmem>>, vector<16xi32>,
        %get3A_195 = arith.constant 0 : i32
        %get3A_196 = tpu.memref_slice %arg16[%add3A_158, %get3A_195] : memref<32x128xi32, #tpu.memory_space<vmem>> -> memref<1x128xi32, #tpu.memory_space<vmem>>
        %get3A_197 = tpu.memref_squeeze %get3A_196 : memref<1x128xi32, #tpu.memory_space<vmem>> -> memref<128xi32, #tpu.memory_space<vmem>>
        %get3A_198 = arith.constant 16 : index
        %get3A_199 = tpu.vector_load %get3A_197[%get3A_198] {strides = array<i32>} : memref<128xi32, #tpu.memory_space<vmem>>, vector<16xi32>,
        %get3A_200 = arith.constant 0 : i32
        %get3A_201 = tpu.memref_slice %arg18[%add3A_158, %get3A_200] : memref<32x128xi32, #tpu.memory_space<vmem>> -> memref<1x128xi32, #tpu.memory_space<vmem>>
        %get3A_202 = tpu.memref_squeeze %get3A_201 : memref<1x128xi32, #tpu.memory_space<vmem>> -> memref<128xi32, #tpu.memory_space<vmem>>
        %get3A_203 = arith.constant 16 : index
        %get3A_204 = tpu.vector_load %get3A_202[%get3A_203] {strides = array<i32>} : memref<128xi32, #tpu.memory_space<vmem>>, vector<16xi32>,
        %bitcast3A_205 = vector.bitcast %get3A_194 : vector<16xi32> to vector<32xbf16>
        %unpack3A_206 = tpu.unpack_subelements %bitcast3A_205, 0 {pack_format = #tpu.pack_format<interleaved>} : vector<32xbf16> -> vector<16xf32>
        %unpack3A_207 = tpu.unpack_subelements %bitcast3A_205, 1 {pack_format = #tpu.pack_format<interleaved>} : vector<32xbf16> -> vector<16xf32>
        %bitcast3A_208 = vector.bitcast %get3A_199 : vector<16xi32> to vector<32xbf16>
        %unpack3A_209 = tpu.unpack_subelements %bitcast3A_208, 0 {pack_format = #tpu.pack_format<interleaved>} : vector<32xbf16> -> vector<16xf32>
        %unpack3A_210 = tpu.unpack_subelements %bitcast3A_208, 1 {pack_format = #tpu.pack_format<interleaved>} : vector<32xbf16> -> vector<16xf32>
        %bitcast3A_211 = vector.bitcast %get3A_204 : vector<16xi32> to vector<32xbf16>
        %unpack3A_212 = tpu.unpack_subelements %bitcast3A_211, 0 {pack_format = #tpu.pack_format<interleaved>} : vector<32xbf16> -> vector<16xf32>
        %unpack3A_213 = tpu.unpack_subelements %bitcast3A_211, 1 {pack_format = #tpu.pack_format<interleaved>} : vector<32xbf16> -> vector<16xf32>
        %mul3A_214 = arith.mulf %unpack3A_206, %unpack3A_209 : vector<16xf32>
        %mul3A_215 = arith.mulf %mul3A_214, %unpack3A_212 : vector<16xf32>
        %add3A_216 = arith.addf %add3A_186, %mul3A_215 : vector<16xf32>
        %mul3A_217 = arith.mulf %unpack3A_207, %unpack3A_210 : vector<16xf32>
        %mul3A_218 = arith.mulf %mul3A_217, %unpack3A_213 : vector<16xf32>
        %add3A_219 = arith.addf %add3A_189, %mul3A_218 : vector<16xf32>
        %get3A_220 = arith.constant 0 : i32
        %get3A_221 = tpu.memref_slice %arg14[%add3A_158, %get3A_220] : memref<32x128xi32, #tpu.memory_space<vmem>> -> memref<1x128xi32, #tpu.memory_space<vmem>>
        %get3A_222 = tpu.memref_squeeze %get3A_221 : memref<1x128xi32, #tpu.memory_space<vmem>> -> memref<128xi32, #tpu.memory_space<vmem>>
        %get3A_223 = arith.constant 32 : index
        %get3A_224 = tpu.vector_load %get3A_222[%get3A_223] {strides = array<i32>} : memref<128xi32, #tpu.memory_space<vmem>>, vector<16xi32>,
        %get3A_225 = arith.constant 0 : i32
        %get3A_226 = tpu.memref_slice %arg16[%add3A_158, %get3A_225] : memref<32x128xi32, #tpu.memory_space<vmem>> -> memref<1x128xi32, #tpu.memory_space<vmem>>
        %get3A_227 = tpu.memref_squeeze %get3A_226 : memref<1x128xi32, #tpu.memory_space<vmem>> -> memref<128xi32, #tpu.memory_space<vmem>>
        %get3A_228 = arith.constant 32 : index
        %get3A_229 = tpu.vector_load %get3A_227[%get3A_228] {strides = array<i32>} : memref<128xi32, #tpu.memory_space<vmem>>, vector<16xi32>,
        %get3A_230 = arith.constant 0 : i32
        %get3A_231 = tpu.memref_slice %arg18[%add3A_158, %get3A_230] : memref<32x128xi32, #tpu.memory_space<vmem>> -> memref<1x128xi32, #tpu.memory_space<vmem>>
        %get3A_232 = tpu.memref_squeeze %get3A_231 : memref<1x128xi32, #tpu.memory_space<vmem>> -> memref<128xi32, #tpu.memory_space<vmem>>
        %get3A_233 = arith.constant 32 : index
        %get3A_234 = tpu.vector_load %get3A_232[%get3A_233] {strides = array<i32>} : memref<128xi32, #tpu.memory_space<vmem>>, vector<16xi32>,
        %bitcast3A_235 = vector.bitcast %get3A_224 : vector<16xi32> to vector<32xbf16>
        %unpack3A_236 = tpu.unpack_subelements %bitcast3A_235, 0 {pack_format = #tpu.pack_format<interleaved>} : vector<32xbf16> -> vector<16xf32>
        %unpack3A_237 = tpu.unpack_subelements %bitcast3A_235, 1 {pack_format = #tpu.pack_format<interleaved>} : vector<32xbf16> -> vector<16xf32>
        %bitcast3A_238 = vector.bitcast %get3A_229 : vector<16xi32> to vector<32xbf16>
        %unpack3A_239 = tpu.unpack_subelements %bitcast3A_238, 0 {pack_format = #tpu.pack_format<interleaved>} : vector<32xbf16> -> vector<16xf32>
        %unpack3A_240 = tpu.unpack_subelements %bitcast3A_238, 1 {pack_format = #tpu.pack_format<interleaved>} : vector<32xbf16> -> vector<16xf32>
        %bitcast3A_241 = vector.bitcast %get3A_234 : vector<16xi32> to vector<32xbf16>
        %unpack3A_242 = tpu.unpack_subelements %bitcast3A_241, 0 {pack_format = #tpu.pack_format<interleaved>} : vector<32xbf16> -> vector<16xf32>
        %unpack3A_243 = tpu.unpack_subelements %bitcast3A_241, 1 {pack_format = #tpu.pack_format<interleaved>} : vector<32xbf16> -> vector<16xf32>
        %mul3A_244 = arith.mulf %unpack3A_236, %unpack3A_239 : vector<16xf32>
        %mul3A_245 = arith.mulf %mul3A_244, %unpack3A_242 : vector<16xf32>
        %add3A_246 = arith.addf %add3A_216, %mul3A_245 : vector<16xf32>
        %mul3A_247 = arith.mulf %unpack3A_237, %unpack3A_240 : vector<16xf32>
        %mul3A_248 = arith.mulf %mul3A_247, %unpack3A_243 : vector<16xf32>
        %add3A_249 = arith.addf %add3A_219, %mul3A_248 : vector<16xf32>
        %get3A_250 = arith.constant 0 : i32
        %get3A_251 = tpu.memref_slice %arg14[%add3A_158, %get3A_250] : memref<32x128xi32, #tpu.memory_space<vmem>> -> memref<1x128xi32, #tpu.memory_space<vmem>>
        %get3A_252 = tpu.memref_squeeze %get3A_251 : memref<1x128xi32, #tpu.memory_space<vmem>> -> memref<128xi32, #tpu.memory_space<vmem>>
        %get3A_253 = arith.constant 48 : index
        %get3A_254 = tpu.vector_load %get3A_252[%get3A_253] {strides = array<i32>} : memref<128xi32, #tpu.memory_space<vmem>>, vector<16xi32>,
        %get3A_255 = arith.constant 0 : i32
        %get3A_256 = tpu.memref_slice %arg16[%add3A_158, %get3A_255] : memref<32x128xi32, #tpu.memory_space<vmem>> -> memref<1x128xi32, #tpu.memory_space<vmem>>
        %get3A_257 = tpu.memref_squeeze %get3A_256 : memref<1x128xi32, #tpu.memory_space<vmem>> -> memref<128xi32, #tpu.memory_space<vmem>>
        %get3A_258 = arith.constant 48 : index
        %get3A_259 = tpu.vector_load %get3A_257[%get3A_258] {strides = array<i32>} : memref<128xi32, #tpu.memory_space<vmem>>, vector<16xi32>,
        %get3A_260 = arith.constant 0 : i32
        %get3A_261 = tpu.memref_slice %arg18[%add3A_158, %get3A_260] : memref<32x128xi32, #tpu.memory_space<vmem>> -> memref<1x128xi32, #tpu.memory_space<vmem>>
        %get3A_262 = tpu.memref_squeeze %get3A_261 : memref<1x128xi32, #tpu.memory_space<vmem>> -> memref<128xi32, #tpu.memory_space<vmem>>
        %get3A_263 = arith.constant 48 : index
        %get3A_264 = tpu.vector_load %get3A_262[%get3A_263] {strides = array<i32>} : memref<128xi32, #tpu.memory_space<vmem>>, vector<16xi32>,
        %bitcast3A_265 = vector.bitcast %get3A_254 : vector<16xi32> to vector<32xbf16>
        %unpack3A_266 = tpu.unpack_subelements %bitcast3A_265, 0 {pack_format = #tpu.pack_format<interleaved>} : vector<32xbf16> -> vector<16xf32>
        %unpack3A_267 = tpu.unpack_subelements %bitcast3A_265, 1 {pack_format = #tpu.pack_format<interleaved>} : vector<32xbf16> -> vector<16xf32>
        %bitcast3A_268 = vector.bitcast %get3A_259 : vector<16xi32> to vector<32xbf16>
        %unpack3A_269 = tpu.unpack_subelements %bitcast3A_268, 0 {pack_format = #tpu.pack_format<interleaved>} : vector<32xbf16> -> vector<16xf32>
        %unpack3A_270 = tpu.unpack_subelements %bitcast3A_268, 1 {pack_format = #tpu.pack_format<interleaved>} : vector<32xbf16> -> vector<16xf32>
        %bitcast3A_271 = vector.bitcast %get3A_264 : vector<16xi32> to vector<32xbf16>
        %unpack3A_272 = tpu.unpack_subelements %bitcast3A_271, 0 {pack_format = #tpu.pack_format<interleaved>} : vector<32xbf16> -> vector<16xf32>
        %unpack3A_273 = tpu.unpack_subelements %bitcast3A_271, 1 {pack_format = #tpu.pack_format<interleaved>} : vector<32xbf16> -> vector<16xf32>
        %mul3A_274 = arith.mulf %unpack3A_266, %unpack3A_269 : vector<16xf32>
        %mul3A_275 = arith.mulf %mul3A_274, %unpack3A_272 : vector<16xf32>
        %add3A_276 = arith.addf %add3A_246, %mul3A_275 : vector<16xf32>
        %mul3A_277 = arith.mulf %unpack3A_267, %unpack3A_270 : vector<16xf32>
        %mul3A_278 = arith.mulf %mul3A_277, %unpack3A_273 : vector<16xf32>
        %add3A_279 = arith.addf %add3A_249, %mul3A_278 : vector<16xf32>
        %get3A_280 = arith.constant 0 : i32
        %get3A_281 = tpu.memref_slice %arg14[%add3A_158, %get3A_280] : memref<32x128xi32, #tpu.memory_space<vmem>> -> memref<1x128xi32, #tpu.memory_space<vmem>>
        %get3A_282 = tpu.memref_squeeze %get3A_281 : memref<1x128xi32, #tpu.memory_space<vmem>> -> memref<128xi32, #tpu.memory_space<vmem>>
        %get3A_283 = arith.constant 64 : index
        %get3A_284 = tpu.vector_load %get3A_282[%get3A_283] {strides = array<i32>} : memref<128xi32, #tpu.memory_space<vmem>>, vector<16xi32>,
        %get3A_285 = arith.constant 0 : i32
        %get3A_286 = tpu.memref_slice %arg16[%add3A_158, %get3A_285] : memref<32x128xi32, #tpu.memory_space<vmem>> -> memref<1x128xi32, #tpu.memory_space<vmem>>
        %get3A_287 = tpu.memref_squeeze %get3A_286 : memref<1x128xi32, #tpu.memory_space<vmem>> -> memref<128xi32, #tpu.memory_space<vmem>>
        %get3A_288 = arith.constant 64 : index
        %get3A_289 = tpu.vector_load %get3A_287[%get3A_288] {strides = array<i32>} : memref<128xi32, #tpu.memory_space<vmem>>, vector<16xi32>,
        %get3A_290 = arith.constant 0 : i32
        %get3A_291 = tpu.memref_slice %arg18[%add3A_158, %get3A_290] : memref<32x128xi32, #tpu.memory_space<vmem>> -> memref<1x128xi32, #tpu.memory_space<vmem>>
        %get3A_292 = tpu.memref_squeeze %get3A_291 : memref<1x128xi32, #tpu.memory_space<vmem>> -> memref<128xi32, #tpu.memory_space<vmem>>
        %get3A_293 = arith.constant 64 : index
        %get3A_294 = tpu.vector_load %get3A_292[%get3A_293] {strides = array<i32>} : memref<128xi32, #tpu.memory_space<vmem>>, vector<16xi32>,
        %bitcast3A_295 = vector.bitcast %get3A_284 : vector<16xi32> to vector<32xbf16>
        %unpack3A_296 = tpu.unpack_subelements %bitcast3A_295, 0 {pack_format = #tpu.pack_format<interleaved>} : vector<32xbf16> -> vector<16xf32>
        %unpack3A_297 = tpu.unpack_subelements %bitcast3A_295, 1 {pack_format = #tpu.pack_format<interleaved>} : vector<32xbf16> -> vector<16xf32>
        %bitcast3A_298 = vector.bitcast %get3A_289 : vector<16xi32> to vector<32xbf16>
        %unpack3A_299 = tpu.unpack_subelements %bitcast3A_298, 0 {pack_format = #tpu.pack_format<interleaved>} : vector<32xbf16> -> vector<16xf32>
        %unpack3A_300 = tpu.unpack_subelements %bitcast3A_298, 1 {pack_format = #tpu.pack_format<interleaved>} : vector<32xbf16> -> vector<16xf32>
        %bitcast3A_301 = vector.bitcast %get3A_294 : vector<16xi32> to vector<32xbf16>
        %unpack3A_302 = tpu.unpack_subelements %bitcast3A_301, 0 {pack_format = #tpu.pack_format<interleaved>} : vector<32xbf16> -> vector<16xf32>
        %unpack3A_303 = tpu.unpack_subelements %bitcast3A_301, 1 {pack_format = #tpu.pack_format<interleaved>} : vector<32xbf16> -> vector<16xf32>
        %mul3A_304 = arith.mulf %unpack3A_296, %unpack3A_299 : vector<16xf32>
        %mul3A_305 = arith.mulf %mul3A_304, %unpack3A_302 : vector<16xf32>
        %add3A_306 = arith.addf %add3A_276, %mul3A_305 : vector<16xf32>
        %mul3A_307 = arith.mulf %unpack3A_297, %unpack3A_300 : vector<16xf32>
        %mul3A_308 = arith.mulf %mul3A_307, %unpack3A_303 : vector<16xf32>
        %add3A_309 = arith.addf %add3A_279, %mul3A_308 : vector<16xf32>
        %get3A_310 = arith.constant 0 : i32
        %get3A_311 = tpu.memref_slice %arg14[%add3A_158, %get3A_310] : memref<32x128xi32, #tpu.memory_space<vmem>> -> memref<1x128xi32, #tpu.memory_space<vmem>>
        %get3A_312 = tpu.memref_squeeze %get3A_311 : memref<1x128xi32, #tpu.memory_space<vmem>> -> memref<128xi32, #tpu.memory_space<vmem>>
        %get3A_313 = arith.constant 80 : index
        %get3A_314 = tpu.vector_load %get3A_312[%get3A_313] {strides = array<i32>} : memref<128xi32, #tpu.memory_space<vmem>>, vector<16xi32>,
        %get3A_315 = arith.constant 0 : i32
        %get3A_316 = tpu.memref_slice %arg16[%add3A_158, %get3A_315] : memref<32x128xi32, #tpu.memory_space<vmem>> -> memref<1x128xi32, #tpu.memory_space<vmem>>
        %get3A_317 = tpu.memref_squeeze %get3A_316 : memref<1x128xi32, #tpu.memory_space<vmem>> -> memref<128xi32, #tpu.memory_space<vmem>>
        %get3A_318 = arith.constant 80 : index
        %get3A_319 = tpu.vector_load %get3A_317[%get3A_318] {strides = array<i32>} : memref<128xi32, #tpu.memory_space<vmem>>, vector<16xi32>,
        %get3A_320 = arith.constant 0 : i32
        %get3A_321 = tpu.memref_slice %arg18[%add3A_158, %get3A_320] : memref<32x128xi32, #tpu.memory_space<vmem>> -> memref<1x128xi32, #tpu.memory_space<vmem>>
        %get3A_322 = tpu.memref_squeeze %get3A_321 : memref<1x128xi32, #tpu.memory_space<vmem>> -> memref<128xi32, #tpu.memory_space<vmem>>
        %get3A_323 = arith.constant 80 : index
        %get3A_324 = tpu.vector_load %get3A_322[%get3A_323] {strides = array<i32>} : memref<128xi32, #tpu.memory_space<vmem>>, vector<16xi32>,
        %bitcast3A_325 = vector.bitcast %get3A_314 : vector<16xi32> to vector<32xbf16>
        %unpack3A_326 = tpu.unpack_subelements %bitcast3A_325, 0 {pack_format = #tpu.pack_format<interleaved>} : vector<32xbf16> -> vector<16xf32>
        %unpack3A_327 = tpu.unpack_subelements %bitcast3A_325, 1 {pack_format = #tpu.pack_format<interleaved>} : vector<32xbf16> -> vector<16xf32>
        %bitcast3A_328 = vector.bitcast %get3A_319 : vector<16xi32> to vector<32xbf16>
        %unpack3A_329 = tpu.unpack_subelements %bitcast3A_328, 0 {pack_format = #tpu.pack_format<interleaved>} : vector<32xbf16> -> vector<16xf32>
        %unpack3A_330 = tpu.unpack_subelements %bitcast3A_328, 1 {pack_format = #tpu.pack_format<interleaved>} : vector<32xbf16> -> vector<16xf32>
        %bitcast3A_331 = vector.bitcast %get3A_324 : vector<16xi32> to vector<32xbf16>
        %unpack3A_332 = tpu.unpack_subelements %bitcast3A_331, 0 {pack_format = #tpu.pack_format<interleaved>} : vector<32xbf16> -> vector<16xf32>
        %unpack3A_333 = tpu.unpack_subelements %bitcast3A_331, 1 {pack_format = #tpu.pack_format<interleaved>} : vector<32xbf16> -> vector<16xf32>
        %mul3A_334 = arith.mulf %unpack3A_326, %unpack3A_329 : vector<16xf32>
        %mul3A_335 = arith.mulf %mul3A_334, %unpack3A_332 : vector<16xf32>
        %add3A_336 = arith.addf %add3A_306, %mul3A_335 : vector<16xf32>
        %mul3A_337 = arith.mulf %unpack3A_327, %unpack3A_330 : vector<16xf32>
        %mul3A_338 = arith.mulf %mul3A_337, %unpack3A_333 : vector<16xf32>
        %add3A_339 = arith.addf %add3A_309, %mul3A_338 : vector<16xf32>
        %get3A_340 = arith.constant 0 : i32
        %get3A_341 = tpu.memref_slice %arg14[%add3A_158, %get3A_340] : memref<32x128xi32, #tpu.memory_space<vmem>> -> memref<1x128xi32, #tpu.memory_space<vmem>>
        %get3A_342 = tpu.memref_squeeze %get3A_341 : memref<1x128xi32, #tpu.memory_space<vmem>> -> memref<128xi32, #tpu.memory_space<vmem>>
        %get3A_343 = arith.constant 96 : index
        %get3A_344 = tpu.vector_load %get3A_342[%get3A_343] {strides = array<i32>} : memref<128xi32, #tpu.memory_space<vmem>>, vector<16xi32>,
        %get3A_345 = arith.constant 0 : i32
        %get3A_346 = tpu.memref_slice %arg16[%add3A_158, %get3A_345] : memref<32x128xi32, #tpu.memory_space<vmem>> -> memref<1x128xi32, #tpu.memory_space<vmem>>
        %get3A_347 = tpu.memref_squeeze %get3A_346 : memref<1x128xi32, #tpu.memory_space<vmem>> -> memref<128xi32, #tpu.memory_space<vmem>>
        %get3A_348 = arith.constant 96 : index
        %get3A_349 = tpu.vector_load %get3A_347[%get3A_348] {strides = array<i32>} : memref<128xi32, #tpu.memory_space<vmem>>, vector<16xi32>,
        %get3A_350 = arith.constant 0 : i32
        %get3A_351 = tpu.memref_slice %arg18[%add3A_158, %get3A_350] : memref<32x128xi32, #tpu.memory_space<vmem>> -> memref<1x128xi32, #tpu.memory_space<vmem>>
        %get3A_352 = tpu.memref_squeeze %get3A_351 : memref<1x128xi32, #tpu.memory_space<vmem>> -> memref<128xi32, #tpu.memory_space<vmem>>
        %get3A_353 = arith.constant 96 : index
        %get3A_354 = tpu.vector_load %get3A_352[%get3A_353] {strides = array<i32>} : memref<128xi32, #tpu.memory_space<vmem>>, vector<16xi32>,
        %bitcast3A_355 = vector.bitcast %get3A_344 : vector<16xi32> to vector<32xbf16>
        %unpack3A_356 = tpu.unpack_subelements %bitcast3A_355, 0 {pack_format = #tpu.pack_format<interleaved>} : vector<32xbf16> -> vector<16xf32>
        %unpack3A_357 = tpu.unpack_subelements %bitcast3A_355, 1 {pack_format = #tpu.pack_format<interleaved>} : vector<32xbf16> -> vector<16xf32>
        %bitcast3A_358 = vector.bitcast %get3A_349 : vector<16xi32> to vector<32xbf16>
        %unpack3A_359 = tpu.unpack_subelements %bitcast3A_358, 0 {pack_format = #tpu.pack_format<interleaved>} : vector<32xbf16> -> vector<16xf32>
        %unpack3A_360 = tpu.unpack_subelements %bitcast3A_358, 1 {pack_format = #tpu.pack_format<interleaved>} : vector<32xbf16> -> vector<16xf32>
        %bitcast3A_361 = vector.bitcast %get3A_354 : vector<16xi32> to vector<32xbf16>
        %unpack3A_362 = tpu.unpack_subelements %bitcast3A_361, 0 {pack_format = #tpu.pack_format<interleaved>} : vector<32xbf16> -> vector<16xf32>
        %unpack3A_363 = tpu.unpack_subelements %bitcast3A_361, 1 {pack_format = #tpu.pack_format<interleaved>} : vector<32xbf16> -> vector<16xf32>
        %mul3A_364 = arith.mulf %unpack3A_356, %unpack3A_359 : vector<16xf32>
        %mul3A_365 = arith.mulf %mul3A_364, %unpack3A_362 : vector<16xf32>
        %add3A_366 = arith.addf %add3A_336, %mul3A_365 : vector<16xf32>
        %mul3A_367 = arith.mulf %unpack3A_357, %unpack3A_360 : vector<16xf32>
        %mul3A_368 = arith.mulf %mul3A_367, %unpack3A_363 : vector<16xf32>
        %add3A_369 = arith.addf %add3A_339, %mul3A_368 : vector<16xf32>
        %get3A_370 = arith.constant 0 : i32
        %get3A_371 = tpu.memref_slice %arg14[%add3A_158, %get3A_370] : memref<32x128xi32, #tpu.memory_space<vmem>> -> memref<1x128xi32, #tpu.memory_space<vmem>>
        %get3A_372 = tpu.memref_squeeze %get3A_371 : memref<1x128xi32, #tpu.memory_space<vmem>> -> memref<128xi32, #tpu.memory_space<vmem>>
        %get3A_373 = arith.constant 112 : index
        %get3A_374 = tpu.vector_load %get3A_372[%get3A_373] {strides = array<i32>} : memref<128xi32, #tpu.memory_space<vmem>>, vector<16xi32>,
        %get3A_375 = arith.constant 0 : i32
        %get3A_376 = tpu.memref_slice %arg16[%add3A_158, %get3A_375] : memref<32x128xi32, #tpu.memory_space<vmem>> -> memref<1x128xi32, #tpu.memory_space<vmem>>
        %get3A_377 = tpu.memref_squeeze %get3A_376 : memref<1x128xi32, #tpu.memory_space<vmem>> -> memref<128xi32, #tpu.memory_space<vmem>>
        %get3A_378 = arith.constant 112 : index
        %get3A_379 = tpu.vector_load %get3A_377[%get3A_378] {strides = array<i32>} : memref<128xi32, #tpu.memory_space<vmem>>, vector<16xi32>,
        %get3A_380 = arith.constant 0 : i32
        %get3A_381 = tpu.memref_slice %arg18[%add3A_158, %get3A_380] : memref<32x128xi32, #tpu.memory_space<vmem>> -> memref<1x128xi32, #tpu.memory_space<vmem>>
        %get3A_382 = tpu.memref_squeeze %get3A_381 : memref<1x128xi32, #tpu.memory_space<vmem>> -> memref<128xi32, #tpu.memory_space<vmem>>
        %get3A_383 = arith.constant 112 : index
        %get3A_384 = tpu.vector_load %get3A_382[%get3A_383] {strides = array<i32>} : memref<128xi32, #tpu.memory_space<vmem>>, vector<16xi32>,
        %bitcast3A_385 = vector.bitcast %get3A_374 : vector<16xi32> to vector<32xbf16>
        %unpack3A_386 = tpu.unpack_subelements %bitcast3A_385, 0 {pack_format = #tpu.pack_format<interleaved>} : vector<32xbf16> -> vector<16xf32>
        %unpack3A_387 = tpu.unpack_subelements %bitcast3A_385, 1 {pack_format = #tpu.pack_format<interleaved>} : vector<32xbf16> -> vector<16xf32>
        %bitcast3A_388 = vector.bitcast %get3A_379 : vector<16xi32> to vector<32xbf16>
        %unpack3A_389 = tpu.unpack_subelements %bitcast3A_388, 0 {pack_format = #tpu.pack_format<interleaved>} : vector<32xbf16> -> vector<16xf32>
        %unpack3A_390 = tpu.unpack_subelements %bitcast3A_388, 1 {pack_format = #tpu.pack_format<interleaved>} : vector<32xbf16> -> vector<16xf32>
        %bitcast3A_391 = vector.bitcast %get3A_384 : vector<16xi32> to vector<32xbf16>
        %unpack3A_392 = tpu.unpack_subelements %bitcast3A_391, 0 {pack_format = #tpu.pack_format<interleaved>} : vector<32xbf16> -> vector<16xf32>
        %unpack3A_393 = tpu.unpack_subelements %bitcast3A_391, 1 {pack_format = #tpu.pack_format<interleaved>} : vector<32xbf16> -> vector<16xf32>
        %mul3A_394 = arith.mulf %unpack3A_386, %unpack3A_389 : vector<16xf32>
        %mul3A_395 = arith.mulf %mul3A_394, %unpack3A_392 : vector<16xf32>
        %add3A_396 = arith.addf %add3A_366, %mul3A_395 : vector<16xf32>
        %mul3A_397 = arith.mulf %unpack3A_387, %unpack3A_390 : vector<16xf32>
        %mul3A_398 = arith.mulf %mul3A_397, %unpack3A_393 : vector<16xf32>
        %add3A_399 = arith.addf %add3A_369, %mul3A_398 : vector<16xf32>
        %add3A_400 = arith.addf %add3A_396, %add3A_399 : vector<16xf32>
        %reduce_sum3A = arith.constant true
        %reduce_sum3A_401 = vector.broadcast %reduce_sum3A : i1 to vector<16xi1>
        %reduce_sum3A_402 = tpu.scan <sum>, %add3A_400 masked %reduce_sum3A_401 : vector<16xf32>, vector<16xi1> -> vector<16xf32>
        %reduce_sum3A_403 = vector.extract %reduce_sum3A_402[15] : f32 from vector<16xf32>
        %eq3A_404 = vector.broadcast %scan3A_155 : i32 to vector<16xi32>
        %eq3A_405 = arith.cmpi eq, %iota3A, %eq3A_404 : vector<16xi32>
        %broadcast_in_dim3A_406 = vector.broadcast %reduce_sum3A_403 : f32 to vector<16xf32>
        %select_n3A = arith.select %eq3A_405, %broadcast_in_dim3A_406, %scan3A_156 : vector<16xi1>, vector<16xf32>
        scf.yield %select_n3A : vector<16xf32>
      }
      %scan3A_145 = arith.constant 16 : i32
      %swap3A_146 = arith.constant 16 : index
      %swap3A_147 = tpu.vector_load %arg12[%swap3A_146] {strides = array<i32>} : memref<32xf32, #tpu.memory_space<vmem>>, vector<16xf32>,
      tpu.vector_store %arg12[%swap3A_146], %scan3A_144 {strides = array<i32>} : memref<32xf32, #tpu.memory_space<vmem>>, vector<16xf32>,
      %add3A_148 = arith.constant 1 : i32
      %add3A_149 = arith.addi %add3A_39, %add3A_148 : i32
      %mul3A_150 = arith.constant 32 : i32
      %mul3A_151 = arith.muli %add3A_149, %mul3A_150 : i32
      %add3A_152 = arith.addi %mul3A_2, %mul3A_151 : i32
      %dma_start3A_153 = tpu.memref_slice %arg7[%add3A_152] : memref<161792xf32, #tpu.memory_space<hbm>> -> memref<32xf32, #tpu.memory_space<hbm>>
      %dma_start3A_154 = tpu.memref_slice %arg7[%add3A_152] : memref<161792xf32, #tpu.memory_space<hbm>> -> memref<32xf32, #tpu.memory_space<hbm>>
      tpu.enqueue_dma source(%arg12 : memref<32xf32, #tpu.memory_space<vmem>>) target(%dma_start3A_154 : memref<32xf32, #tpu.memory_space<hbm>>) target_semaphore(%arg26 : memref<!tpu.dma_semaphore, #tpu.memory_space<semaphore_mem>>)
    }
    %scan3A_27 = arith.constant 79 : i32
    %dma_wait3A = arith.constant 0 : i32
    %dma_wait3A_28 = tpu.memref_slice %arg7[%dma_wait3A] : memref<161792xf32, #tpu.memory_space<hbm>> -> memref<32xf32, #tpu.memory_space<hbm>>
    %dma_wait3A_29 = arith.constant 0 : i32
    %dma_wait3A_30 = tpu.memref_slice %arg7[%dma_wait3A_29] : memref<161792xf32, #tpu.memory_space<hbm>> -> memref<32xf32, #tpu.memory_space<hbm>>
    tpu.wait_dma2 semaphore(%arg25 : memref<!tpu.dma_semaphore, #tpu.memory_space<semaphore_mem>>) src(%arg11 : memref<32xf32, #tpu.memory_space<vmem>>) dst(%dma_wait3A_30 : memref<32xf32, #tpu.memory_space<hbm>>)
    %dma_wait3A_31 = arith.constant 0 : i32
    %dma_wait3A_32 = tpu.memref_slice %arg7[%dma_wait3A_31] : memref<161792xf32, #tpu.memory_space<hbm>> -> memref<32xf32, #tpu.memory_space<hbm>>
    %dma_wait3A_33 = arith.constant 0 : i32
    %dma_wait3A_34 = tpu.memref_slice %arg7[%dma_wait3A_33] : memref<161792xf32, #tpu.memory_space<hbm>> -> memref<32xf32, #tpu.memory_space<hbm>>
    tpu.wait_dma2 semaphore(%arg26 : memref<!tpu.dma_semaphore, #tpu.memory_space<semaphore_mem>>) src(%arg12 : memref<32xf32, #tpu.memory_space<vmem>>) dst(%dma_wait3A_34 : memref<32xf32, #tpu.memory_space<hbm>>)
    return
  }
}

</mosaic_0001>

<sc_bundles>
// kernel: _score.3.cloned.1.call-start
scs
__scs_entry_jumppad:
0x0: {  	(pc) =	sbr.rel $0x88, $3  }
0x1: {  	(tag) =	ssettag $0x0;
	lr =	simm.s32 $0x1  }
0x2: {  	[smem:$0x3F9C] =	sst lr;
	_ =	strace $0xD0000000  }
0x3: {  	_ = 	snop  }
0x4: {  	_ = 	snop  }
0x5: {  	_ = 	snop  }
0x6: {  	_ = 	snop  }
0x7: {  	_ = 	snop  }
__scs_overlays_trampoline_lowered:
0x8: {  	[smem:$0x3FAB] =	sst s0  }
0x9: {  	[smem:$0x3FAC] =	sst s1  }
0xa: {  	[smem:$0x3FAD] =	sst s2  }
0xb: {  	[smem:$0x3FAE] =	sst s3  }
0xc: {  	[smem:$0x3FAF] =	sst s4  }
0xd: {  	[smem:$0x3FB0] =	sst s5  }
0xe: {  	[smem:$0x3FB1] =	sst s6  }
0xf: {  	[smem:$0x3FB2] =	sst s7  }
0x10: {  	[smem:$0x3FB3] =	sst s8  }
0x11: {  	[smem:$0x3FB4] =	sst s9;
	s0 =	simm.s32 @!p0 $0x0  }
0x12: {  	s1 =	sld [smem:$0x3F9A];
	s0 =	simm.s32 @p0 $0x1  }
0x13: {  	[smem:$0x3FB5] =	sst s0;
	s0 =	simm.s32 @!p1 $0x0  }
0x14: {  	s2 =	sld [smem:$0x3F99];
	s0 =	simm.s32 @p1 $0x1  }
0x15: {  	[smem:$0x3FB6] =	sst s0;
	s0 =	simm.s32 @!p2 $0x0  }
0x16: {  	s3 =	sld [smem:$0x3FDB];
	s0 =	simm.s32 @p2 $0x1  }
0x17: {  	s4 =	simm.s32 $0x1BF5;
	[smem:$0x3FB8] =	sst s0  }
0x18: {  	s0 =	sld [smem:$0x3F9B];
	_ =	swait.ge [sflag:s4], $0x0  }
0x19: {  	s7 =	sld [smem:$0x3F9C]  }
0x1a: {  	s8 =	sadd.s32 $0xFFFFE003, lr  }
0x1b: {  	s9 =	sadd.s32 $0xFFFFFEF7, lr;
	s5 =	simm.s32 $0xFFFFFFFF;
	p2 =	slt.u32 s8, $0xFFFFF086  }
0x1c: {  	p1 =	slt.u32 s9, $0xF7A;
	s5 =	simm.s32 @!p2 $0x0  }
0x1d: {  	s5 =	simm.s32 @p1 $0x1;
	p0 =	seq.s32 s7, s2  }
0x1e: {  	s7 =	smul.u32 @!p0 $0xF7A, s2;
	p2 =	seq.s32 @!p0 s5, $0x0  }
0x1f: {  	s9 =	smul.u32 $0xF7A, s1;
	s8 =	simm.s32 @!p0 $0x1BF5;
	p2 =	por !p2, p0  }
0x20: {  	[sflag:s8] =	ssyncset.s32 @!p0 $0xFFFFF086;
	s6 =	sadd.s32 @!p0 s3, s7;
	s7 =	simm.s32 @!p0 $0x108  }
0x21: {  	s3 =	sadd.s32 s3, s9;
	s6 =	sadd.s32 @!p0 $0x88, s6;
	s7 =	simm.s32 @p2 $0x1082  }
0x22: {  	[simem:s7], [sflag:s8] =	dma.local @!p0 [hbm:s6], $0xF7A  }
0x23: {  	s9 =	sor.u32 $0xD0000000, s2;
	s6 =	simm.s32 $0x108;
	_ =	swait.ge @!p0 [sflag:s8], $0x0  }
0x24: {  	s3 =	sadd.s32 $0x88, s3;
	s6 =	simm.s32 @!p1 $0x1082;
	[sflag:s4] =	ssyncset.s32 $0xFFFFF086  }
0x25: {  	[simem:s6], [sflag:s4] =	dma.local [hbm:s3], $0xF7A  }
0x26: {  	[smem:$0x3F9C] =	sst s1;
	(tag) =	ssettag s2;
	_ =	strace s9  }
0x27: {  	s1 =	sld [smem:$0x3FAC]  }
0x28: {  	s2 =	sld [smem:$0x3FAD]  }
0x29: {  	s4 =	sld [smem:$0x3FAF]  }
0x2a: {  	p0 =	seq.s32 s5, $0x0;
	s5 =	sld [smem:$0x3FB0]  }
0x2b: {  	s6 =	sld [smem:$0x3FB1]  }
0x2c: {  	s7 =	sld [smem:$0x3FB2]  }
0x2d: {  	s3 =	simm.s32 $0x108;
	s8 =	sld [smem:$0x3FB3]  }
0x2e: {  	s3 =	simm.s32 @!p0 $0x1082;
	s9 =	sld [smem:$0x3FB4]  }
0x2f: {  	lr =	sadd.s32 s0, s3;
	s0 =	sld [smem:$0x3FAB]  }
0x30: {  	s3 =	sld [smem:$0x3FAE]  }
0x31: {  	[smem:$0x3FB7] =	sst s10  }
0x32: {  	s10 =	sld [smem:$0x3FB5];
	_ =	sdelay $0x3  }
0x33: {  	p0 =	seq.s32 s10, $0x1;
	s10 =	sld [smem:$0x3FB7];
	_ =	sdelay $0x3  }
0x34: {  	[smem:$0x3FB7] =	sst s10  }
0x35: {  	s10 =	sld [smem:$0x3FB6];
	_ =	sdelay $0x3  }
0x36: {  	p1 =	seq.s32 s10, $0x1;
	s10 =	sld [smem:$0x3FB7];
	_ =	sdelay $0x3  }
0x37: {  	[smem:$0x3FB7] =	sst s10  }
0x38: {  	s10 =	sld [smem:$0x3FB8]  }
0x39: {  	_ = 	snop;
	(pc) =	sbr.ind lr, $3  }
0x3a: {  	_ = 	snop  }
0x3b: {  	_ = 	snop  }
0x3c: {  	p2 =	seq.s32 s10, $0x1;
	s10 =	sld [smem:$0x3FB7]  }
0x3d: {  	_ =	shalt  }
0x3e: {  	_ =	shalt  }
0x3f: {  	_ =	shalt  }
0x40: {  	_ =	shalt  }
0x41: {  	_ =	shalt  }
0x42: {  	_ =	shalt  }
0x43: {  	_ =	shalt  }
0x44: {  	_ =	shalt  }
0x45: {  	_ =	shalt  }
0x46: {  	_ =	shalt  }
0x47: {  	_ =	shalt  }
0x48: {  	_ =	shalt  }
0x49: {  	_ =	shalt  }
0x4a: {  	_ =	shalt  }
0x4b: {  	_ =	shalt  }
0x4c: {  	_ =	shalt  }
0x4d: {  	_ =	shalt  }
0x4e: {  	_ =	shalt  }
0x4f: {  	_ =	shalt  }
0x50: {  	_ =	shalt  }
0x51: {  	_ =	shalt  }
0x52: {  	_ =	shalt  }
0x53: {  	_ =	shalt  }
0x54: {  	_ =	shalt  }
0x55: {  	_ =	shalt  }
0x56: {  	_ =	shalt  }
0x57: {  	_ =	shalt  }
0x58: {  	_ =	shalt  }
0x59: {  	_ =	shalt  }
0x5a: {  	_ =	shalt  }
0x5b: {  	_ =	shalt  }
0x5c: {  	_ =	shalt  }
0x5d: {  	_ =	shalt  }
0x5e: {  	_ =	shalt  }
0x5f: {  	_ =	shalt  }
0x60: {  	_ =	shalt  }
0x61: {  	_ =	shalt  }
0x62: {  	_ =	shalt  }
0x63: {  	_ =	shalt  }
0x64: {  	_ =	shalt  }
0x65: {  	_ =	shalt  }
0x66: {  	_ =	shalt  }
0x67: {  	_ =	shalt  }
0x68: {  	_ =	shalt  }
0x69: {  	_ =	shalt  }
0x6a: {  	_ =	shalt  }
0x6b: {  	_ =	shalt  }
0x6c: {  	_ =	shalt  }
0x6d: {  	_ =	shalt  }
0x6e: {  	_ =	shalt  }
0x6f: {  	_ =	shalt  }
0x70: {  	_ =	shalt  }
0x71: {  	_ =	shalt  }
0x72: {  	_ =	shalt  }
0x73: {  	_ =	shalt  }
0x74: {  	_ =	shalt  }
0x75: {  	_ =	shalt  }
0x76: {  	_ =	shalt  }
0x77: {  	_ =	shalt  }
0x78: {  	_ =	shalt  }
0x79: {  	_ =	shalt  }
0x7a: {  	_ =	shalt  }
0x7b: {  	_ =	shalt  }
0x7c: {  	_ =	shalt  }
0x7d: {  	_ =	shalt  }
0x7e: {  	_ =	shalt  }
0x7f: {  	_ =	shalt  }
0x80: {  	_ =	shalt  }
0x81: {  	_ =	shalt  }
0x82: {  	_ =	shalt  }
0x83: {  	_ =	shalt  }
0x84: {  	_ =	shalt  }
0x85: {  	_ =	shalt  }
0x86: {  	_ =	shalt  }
0x87: {  	_ =	shalt  }
.Lfunc_end0:
.L_simem_size_0:
called_computation_lowered:
.L_overlay_start_0:
0x88: {  	s2 =	sld [smem:$0x3FD9]  }
0x89: {  	s3 =	sld [smem:$0x3FFE];
	_ =	sdelay $0x1  }
0x8a: {  	s1 =	srdreg.scid  }
0x8b: {  	s0 =	sand.u32 $0x1, s1  }
0x8c: {  	s18 =	sshll.u32 s0, $0xA;
	s2 =	sadd.s32 s3, s2  }
0x8d: {  	s2 =	sadd.s32 s2, s18  }
0x8e: {  	[smem:$0x3FC3] =	sst s2  }
0x8f: {  	_ = 	snop  }
0x90: {  	s2 =	sld [smem:$0x3FC9]  }
0x91: {  	s19 =	sld [smem:$0x3FC8]  }
0x92: {  	s4 =	sld [smem:$0x3FC7]  }
0x93: {  	s5 =	sld [smem:$0x3FC6]  }
0x94: {  	s6 =	sld [smem:$0x3FC5]  }
0x95: {  	s7 =	sld [smem:$0x3FD0];
	(tm) =	ssettm $0x1  }
0x96: {  	s8 =	sld [smem:$0x3FFB];
	_ =	sdelay $0x3  }
0x97: {  	_ =	strace s8  }
0x98: {  	s8 =	sld [smem:$0x3FFC];
	_ =	sdelay $0x3  }
0x99: {  	_ =	strace s8  }
0x9a: {  	s8 =	sld [smem:$0x3FFD];
	_ =	sdelay $0x3  }
0x9b: {  	_ =	strace s8  }
0x9c: {  	_ =	strace $0x8FFFFFFF  }
0x9d: {  	s20 =	sld [smem:$0x3FDB];
	_ =	sdelay $0x1  }
0x9e: {  	s9 =	simm.s32 $_scs_section_size  }
0x9f: {  	s10 =	simm.s32 $_size__tile_overlayer_lowered;
	s11 =	simm.s32 $_tile_overlayer_lowered  }
0xa0: {  	s23 =	simm.s32 $0x1BFF;
	s22 =	sshll.u32 s11, $0x1;
	s8 =	sadd.s32 s9, s20  }
0xa1: {  	s12 =	simm.s32 $0x0;
	s21 =	sshll.u32 s10, $0x1;
	s10 =	sadd.s32 s22, s8  }
0xa2: {  	[timem:s12], [sflag:s23] =	dma.local [hbm:s10], s21  }
0xa3: {  	_ =	swait.ge [sflag:s23], s21  }
0xa4: {  	s9 =	ssub.s32 $0x0, s21;
	[sflag:s23] =	ssyncset.done $0x0  }
0xa5: {  	[sflag:s23] =	ssyncadd.s32 s9;
	_ =	sdelay $0x1  }
0xa6: {  	s24 =	simm.s32 $0x1B8B  }
0xa7: {  	_ =	swait.ge [sflag:s24], $0x1  }
0xa8: {  	[sflag:s24] =	ssyncset.done $0x0  }
0xa9: {  	s25 =	simm.s32 $0x1B8E;
	[sflag:s24] =	ssyncadd.s32 $0xFFFFFFFF  }
0xaa: {  	s26 =	simm.s32 $execute0_lowered;
	[smem:$0x3FD2] =	sst s25  }
0xab: {  	s9 =	sshll.u32 s26, $0x1;
	_ =	strace $0x80000046;
	[dreg:$0x1] =	wrdreg $0xFFFFFFFF  }
0xac: {  	s28 =	simm.s32 $_size_execute0_lowered;
	s8 =	sadd.s32 s8, s9;
	[dreg:$0x0] =	wrdreg $0x0  }
0xad: {  	s9 =	sshll.u32 s28, $0x1;
	[dreg:$0x2] =	wrdreg s8  }
0xae: {  	[dreg:$0x3] =	wrdreg s9  }
0xaf: {  	[dreg:$0x4] =	wrdreg $0xC0  }
0xb0: {  	_ =	task [dreg:s12], $0x5FFFF  }
0xb1: {  	[dreg:$0x1] =	wrdreg $0xFFFFFFFF  }
0xb2: {  	[dreg:$0x0] =	wrdreg $0x60  }
0xb3: {  	[dreg:$0x2] =	wrdreg s2  }
0xb4: {  	[dreg:$0x3] =	wrdreg s19  }
0xb5: {  	[dreg:$0x4] =	wrdreg s4  }
0xb6: {  	[dreg:$0x5] =	wrdreg s5  }
0xb7: {  	[dreg:$0x6] =	wrdreg s6  }
0xb8: {  	[dreg:$0x7] =	wrdreg s7  }
0xb9: {  	[dreg:$0x8] =	wrdreg $0x9B800  }
0xba: {  	[dreg:$0x9] =	wrdreg $0x1D4000  }
0xbb: {  	[dreg:$0xa] =	wrdreg $0x9  }
0xbc: {  	_ =	task.clear_ibuf [dreg:s12], $0xBFFFF;
	_ =	strace $0x90000046  }
0xbd: {  	s29 =	simm.s32 $0x9;
	_ =	strace $0x80000048  }
0xbe: {  	_ =	swait.ge [sflag:s29], $0x1  }
0xbf: {  	[sflag:s29] =	ssyncadd.s32 $0xFFFFFFFF  }
0xc0: {  	_ =	strace $0x90000048  }
0xc1: {  	_ =	sfence  }
0xc2: {  	s30 =	sld [smem:$0x0];
	_ =	sdelay $0x2  }
0xc3: {  	s31 =	sshll.u32 s1, $0xD;
	s1 =	sshrl.u32 s1, $0x2  }
0xc4: {  	s3 =	sand.u32 $0x4000, s31;
	s1 =	sadd.s32 s1, s30  }
0xc5: {  	s0 =	sor.u32 s3, s0;
	s1 =	sshll.u32 s1, $0x11  }
0xc6: {  	s0 =	sor.u32 s1, s0  }
0xc7: {  	s0 =	sadd.s32 $0x8F2B, s0  }
0xc8: {  	[sflag:s0] =	ssyncadd.remote.s32 $0x1  }
0xc9: {  	_ =	sfence.sel $0xFFFF  }
0xca: {  	[dreg:$0x0] =	wrdreg $0xFFFFFFFF;
	(pc) =	sbr.abs _section_cstart, $3  }
0xcb: {  	[dreg:$0x1] =	wrdreg $0xFFFFFFFF  }
0xcc: {  	_ =	task.clear_ibuf [dreg:s12], $0x2FFFF;
	_ =	strace $0x9FFFFFFF  }
0xcd: {  	(tm) =	ssettm $0x7FFFFFFF  }
tec
execute0_lowered:
.L_overlay_start_1:
0x0: {  	(tag) =	ssettag $0x1  }
0x1: {  	s0 =	rddreg [dreg:$0x2]  }
0x2: {  	s1 =	rddreg [dreg:$0x3]  }
0x3: {  	s2 =	rddreg [dreg:$0x4]  }
0x4: {  	s3 =	srdreg.scid;
	s5 =	stileid.u32  }
0x5: {  	s4 =	rddreg [dreg:$0x6];
	s3 =	sand.u32 $0x1, s3;
	s6 =	sshll.u32 s5, $0x1  }
0x6: {  	s14 =	simm.s32 $0x0;
	s6 =	sor.u32 s3, s6;
	s3 =	ssub.s32 $0x2, s3  }
0x7: {  	[smem:$0x7FF] =	sst s14;
	s13 =	smul.u32 $0x13C0, s6;
	s28 =	sshrl.u32 s3, $0x1  }
0x8: {  	s8 =	rddreg [dreg:$0x7];
	_ =	strace $0x80000047;
	s3 =	ssub.s32 s3, s28  }
0x9: {  	v0 =	vimm.s32 $0xECA86420;
	vm0 =	vcmask $0xB08;
	vm1 =	vcmask $0x1310;
	s7 =	sshrl.u32 s13, $0x3;
	s31 =	smax.u32 s3, $0x1;
	[dreg:$0xa] =	wrdreg s13  }
0xa: {  	vm2 =	vcmask $0x1B18;
	vm3 =	vcmask $0x300;
	vm4 =	vcmask $0x2320;
	s0 =	sadd.s32 s0, s7;
	[dreg:$0xe] =	wrdreg s31  }
0xb: {  	vm5 =	vcmask $0x2B28;
	vm6 =	vcmask $0x3330;
	vm7 =	vcmask $0x3B38;
	s29 =	sadd.s32 s2, s7;
	[dreg:$0xb] =	wrdreg s0  }
0xc: {  	v1 =	vlaneseq.u32;
	vm8 =	vmmov $0xff;
	vm9 =	vcmask $0x704;
	p0 =	sne.s32 s5, $0x0;
	s30 =	sadd.s32 s1, s7;
	[dreg:$0xc] =	wrdreg s29  }
0xd: {  	vm10 =	vcmask $0xF0C;
	vm11 =	vcmask $0x1714;
	v0 =	vunpack.c.l.s4.s8 v0;
	[dreg:$0xd] =	wrdreg s30;
	s0 =	sshrl.u32 @!p0 s4, $0x3  }
0xe: {  	vm12 =	vcmask $0x1F1C;
	vm13 =	vcmask $0x2724;
	vm14 =	vcmask $0x2F2C;
	s6 =	simm.s32 $0x13C0;
	[dreg:$0xf] =	wrdreg s0;
	s0 =	sshrl.u32 @!p0 s8, $0x3  }
0xf: {  	vm15 =	vcmask $0x3734;
	v2 =	vmul.u32 $0x2, v1;
	v0 =	vunpack.c.0.s8.s32 v0;
	s7 =	simm.s32 $0x2780;
	s2 =	simm.s32 $0x0;
	[dreg:$0x10] =	wrdreg s0  }
.LBB2_1:
0x10: {  	[dreg:$0x11] =	wrdreg s2  }
0x11: {  	s1 =	rddreg [dreg:$0x0]  }
0x12: {  	s0 =	simm.s32 @!p0 $0x1C09;
	s2 =	rddreg [dreg:$0xf]  }
0x13: {  	[spmem:s2], [sflag:s0] =	dma.local @!p0 [hbm:s1], $0x27100  }
0x14: {  	s1 =	simm.s32 @!p0 $0x9  }
0x15: {  	_ =	swait.ge @!p0 [sflag:s1], $0x27100  }
0x16: {  	[sflag:s1] =	ssyncset.done @!p0 $0x0  }
0x17: {  	s3 =	rddreg [dreg:$0x10];
	[sflag:s1] =	ssyncadd.s32 @!p0 $0xFFFD8F00  }
0x18: {  	s2 =	rddreg [dreg:$0x1]  }
0x19: {  	[spmem:s3], [sflag:s0] =	dma.local @!p0 [hbm:s2], $0xC80  }
0x1a: {  	_ =	swait.ge @!p0 [sflag:s1], $0xC80  }
0x1b: {  	[sflag:s1] =	ssyncset.done @!p0 $0x0  }
0x1c: {  	s11 =	simm.s32 $0x9;
	s10 =	rddreg [dreg:$0xb];
	[sflag:s1] =	ssyncadd.s32 @!p0 $0xFFFFF380  }
0x1d: {  	[tilespmem:s14], [sflag:$0x9] =	stream.linear.gather [hbm4b:s10+s14], $0x13C0, $0x38;
	[tilespmem:$0x1DA40] =	vst v63  }
0x1e: {  	_ =	swait.ge [sflag:s11], $0x13C0  }
0x1f: {  	[sflag:s11] =	ssyncset.done $0x0  }
0x20: {  	s12 =	rddreg [dreg:$0xc];
	[sflag:s11] =	ssyncadd.s32 $0xFFFFEC40  }
0x21: {  	[tilespmem:s6], [sflag:$0x9] =	stream.linear.gather [hbm4b:s12+s14], $0x13C0, $0x38;
	[tilespmem:$0x1DA40] =	vst v63  }
0x22: {  	_ =	swait.ge [sflag:s11], $0x13C0  }
0x23: {  	[sflag:s11] =	ssyncset.done $0x0  }
0x24: {  	s13 =	rddreg [dreg:$0xd];
	[sflag:s11] =	ssyncadd.s32 $0xFFFFEC40  }
0x25: {  	[tilespmem:s7], [sflag:$0x9] =	stream.linear.gather [hbm4b:s13+s14], $0x13C0, $0x38;
	[tilespmem:$0x1DA40] =	vst v63  }
0x26: {  	_ =	swait.ge [sflag:s11], $0x13C0  }
0x27: {  	[sflag:s11] =	ssyncset.done $0x0  }
0x28: {  	s14 =	simm.s32 $0x0;
	[sflag:s11] =	ssyncadd.s32 $0xFFFFEC40  }
0x29: {  	v3 =	vld [tilespmem:s14+$0x2780];
	_ =	sdelay $0x4  }
0x2a: {  	(v2sf) =	vpush v3, $0x0  }
0x2b: {  	(v2sf) =	vpush v3, $0x1  }
0x2c: {  	(v2sf) =	vpush v3, $0x2;
	_ =	sdelay $0x1  }
0x2d: {  	(v2sf) =	vpush v3, $0x7;
	_ =	sdelay $0x2  }
0x2e: {  	(v2sf) =	vpush v3, $0x3  }
0x2f: {  	(v2sf) =	vpush v3, $0x4;
	_ =	sdelay $0x1  }
0x30: {  	(v2sf) =	vpush v3, $0xC  }
0x31: {  	(v2sf) =	vpush v3, $0xD;
	_ =	sdelay $0x1  }
0x32: {  	(v2sf) =	vpush v3, $0xE;
	_ =	sdelay $0x1  }
0x33: {  	s16 =	spop (v2sf)  }
0x34: {  	(v2sf) =	vpush v3, $0x8;
	s0 =	smulhi.u32 $0x51EB851F, s16;
	s17 =	spop (v2sf)  }
0x35: {  	s18 =	smulhi.u32 $0x51EB851F, s17;
	s5 =	spop (v2sf)  }
0x36: {  	(v2sf) =	vpush v3, $0xF;
	s2 =	sshra.s32 s17, $0x1F;
	s19 =	smulhi.u32 $0x51EB851F, s5  }
0x37: {  	s20 =	spop (v2sf);
	s2 =	smul.u32 $0x51EB851F, s2  }
0x38: {  	s5 =	sshra.s32 s5, $0x1F;
	s25 =	smulhi.u32 $0x51EB851F, s20  }
0x39: {  	s7 =	sshra.s32 s20, $0x1F;
	s5 =	smul.u32 $0x51EB851F, s5  }
0x3a: {  	s15 =	simm.s32 $0x0;
	s9 =	spop (v2sf);
	s29 =	smul.u32 $0x51EB851F, s7  }
0x3b: {  	(v2sf) =	vpush v3, $0x9;
	s1 =	sshra.s32 s16, $0x1F;
	s13 =	spop (v2sf);
	s14 =	smulhi.u32 $0x51EB851F, s9  }
0x3c: {  	(v2sf) =	vpush v3, $0xA;
	s9 =	sshra.s32 s9, $0x1F;
	s10 =	sshra.s32 s13, $0x1F;
	s28 =	smulhi.u32 $0x51EB851F, s13  }
0x3d: {  	(v2sf) =	vpush v3, $0x5;
	s3 =	sadd.s32 s2, s18;
	s12 =	spop (v2sf);
	s10 =	smul.u32 $0x51EB851F, s10  }
0x3e: {  	s5 =	sadd.s32 s5, s19;
	s11 =	spop (v2sf);
	s20 =	smulhi.u32 $0x51EB851F, s12  }
0x3f: {  	s16 =	sshra.s32 s12, $0x1F;
	s12 =	sshra.s32 s5, $0x1F;
	s17 =	smulhi.u32 $0x51EB851F, s11  }
0x40: {  	s21 =	spop (v2sf);
	s18 =	smul.u32 $0x51EB851F, s16;
	s22 =	sshra.s32 s11, $0x1F  }
0x41: {  	(v2sf) =	vpush v3, $0xB;
	s16 =	sshra.s32 s5, $0x6;
	s11 =	sshrl.u32 s5, $0x1F;
	s5 =	smul.u32 $0x51EB851F, s9  }
0x42: {  	[dreg:$0x9] =	wrdreg s15;
	(v2sf) =	vpush v3, $0x6;
	s19 =	smulhi.u32 $0x51EB851F, s21  }
0x43: {  	s9 =	sadd.s32 s29, s25;
	s26 =	spop (v2sf);
	s6 =	smul.u32 $0x51EB851F, s22  }
0x44: {  	s31 =	sshra.s32 s21, $0x1F;
	s5 =	sadd.s32 s5, s14;
	s14 =	smul.u32 $0x51EB851F, s1  }
0x45: {  	s23 =	spop (v2sf);
	s15 =	sadd.s32 s18, s20;
	s30 =	smulhi.u32 $0x51EB851F, s26  }
0x46: {  	s24 =	sshra.s32 s23, $0x1F;
	s23 =	smulhi.u32 $0x51EB851F, s23;
	s8 =	sshrl.u32 s15, $0x1F  }
0x47: {  	s6 =	sadd.s32 s6, s17;
	s4 =	sshra.s32 s15, $0x6;
	s17 =	smul.u32 $0x51EB851F, s31  }
0x48: {  	s1 =	sshrl.u32 s5, $0x1F;
	s7 =	sshra.s32 s6, $0x6;
	s24 =	smul.u32 $0x51EB851F, s24  }
0x49: {  	s29 =	sadd.s32 s14, s0;
	s6 =	sshrl.u32 s6, $0x1F;
	s14 =	sshra.s32 s5, $0x1F;
	v5 =	vmov s8  }
0x4a: {  	s8 =	simm.s32 $0x40;
	v5 =	vsel vm0, s6, v5;
	s6 =	sshra.s32 s29, $0x1F;
	s21 =	spop (v2sf)  }
0x4b: {  	s20 =	sshra.s32 s21, $0x1F;
	s22 =	smulhi.u32 $0x51EB851F, s21;
	s21 =	spop (v2sf)  }
0x4c: {  	s18 =	smul.u32 $0x51EB851F, s20;
	s13 =	spop (v2sf);
	s15 =	sshra.s32 s21, $0x1F  }
0x4d: {  	s20 =	smulhi.u32 $0x51EB851F, s21;
	s21 =	sshra.s32 s5, $0x6;
	s5 =	sshra.s32 s26, $0x1F  }
0x4e: {  	s26 =	sshra.s32 s3, $0x1F;
	s2 =	smulhi.u32 $0x51EB851F, s13;
	s25 =	sshra.s32 s13, $0x1F  }
0x4f: {  	s0 =	sadd.s32 s18, s22;
	s22 =	smul.u32 $0x51EB851F, s15;
	s15 =	sshra.s32 s9, $0x1F  }
0x50: {  	v4 =	vmov s4;
	s13 =	sshrl.u32 s3, $0x1F;
	s31 =	spop (v2sf);
	v6 =	vmov s15;
	s15 =	sshra.s32 s29, $0x6  }
0x51: {  	v4 =	vsel vm0, s7, v4;
	s18 =	sshra.s32 s3, $0x6;
	s3 =	smulhi.u32 $0x51EB851F, s31;
	s7 =	spop (v2sf);
	v6 =	vsel vm3, s15, v6  }
.LBB2_2:
0x52: {  	s4 =	sshrl.u32 s0, $0x1F;
	s5 =	smul.u32 $0x51EB851F, s5  }
0x53: {  	s31 =	sshra.s32 s31, $0x1F;
	v6 =	vsel vm9, s6, v6;
	s25 =	smul.u32 $0x51EB851F, s25;
	s10 =	sadd.s32 s10, s28  }
0x54: {  	s6 =	sadd.s32 s24, s23;
	s24 =	sshrl.u32 s29, $0x1F;
	v6 =	vsel vm0, s18, v6;
	s17 =	sadd.s32 s17, s19  }
0x55: {  	s19 =	sshrl.u32 s10, $0x1F;
	s23 =	sadd.s32 s22, s20;
	s5 =	sadd.s32 s5, s30;
	v7 =	vmov s24;
	v6 =	vsel vm10, s26, v6  }
0x56: {  	s15 =	sshrl.u32 s17, $0x1F;
	s2 =	sadd.s32 s25, s2;
	s25 =	sshra.s32 s17, $0x6;
	v7 =	vnsel vm3, $0x0, v7;
	v6 =	vsel vm1, s16, v6  }
0x57: {  	s18 =	sshrl.u32 s6, $0x1F;
	s24 =	smulhi.u32 $0x51EB851F, s7;
	s6 =	sshra.s32 s6, $0x6;
	v5 =	vsel vm1, s15, v5;
	v4 =	vsel vm1, s25, v4;
	v7 =	vsel vm0, s13, v7  }
0x58: {  	s26 =	sshra.s32 s7, $0x1F;
	s15 =	smul.u32 $0x51EB851F, s31;
	v6 =	vsel vm11, s12, v6;
	v5 =	vsel vm2, s18, v5;
	s18 =	sshrl.u32 s5, $0x1F;
	v4 =	vsel vm2, s6, v4  }
0x59: {  	s17 =	sshrl.u32 s2, $0x1F;
	s13 =	smul.u32 $0x51EB851F, s26;
	s5 =	sshra.s32 s5, $0x6;
	v7 =	vsel vm1, s11, v7;
	v6 =	vsel vm2, s21, v6;
	v8 =	vmov s18  }
0x5a: {  	s25 =	sshrl.u32 s23, $0x1F;
	s26 =	sshra.s32 s10, $0x6;
	s10 =	sshra.s32 s10, $0x1F;
	v9 =	vmov s5;
	v7 =	vsel vm2, s1, v7;
	v6 =	vsel vm12, s14, v6  }
0x5b: {  	s21 =	sshra.s32 s2, $0x6;
	s3 =	sadd.s32 s15, s3;
	v8 =	vsel vm0, s4, v8;
	s24 =	sadd.s32 s13, s24;
	v7 =	vsel vm4, s19, v7;
	v6 =	vsel vm4, s26, v6  }
0x5c: {  	s19 =	sshra.s32 s0, $0x6;
	s26 =	sshra.s32 s3, $0x6;
	v8 =	vsel vm1, s25, v8;
	s3 =	sshrl.u32 s3, $0x1F;
	v6 =	vsel vm13, s10, v6;
	v7 =	vsel vm5, s17, v7  }
0x5d: {  	s7 =	sshra.s32 s23, $0x6;
	s2 =	sshra.s32 s2, $0x1F;
	s6 =	sshrl.u32 s24, $0x1F;
	v9 =	vsel vm0, s19, v9;
	v8 =	vsel vm2, s3, v8;
	v6 =	vsel vm5, s21, v6  }
0x5e: {  	s10 =	sshra.s32 s24, $0x6;
	v7 =	vsel vm6, s6, v7;
	v9 =	vsel vm1, s7, v9;
	v6 =	vsel vm14, s2, v6  }
0x5f: {  	s11 =	sshrl.u32 s9, $0x1F;
	s12 =	sshra.s32 s24, $0x1F;
	v5 =	vcombine.low v8, v5;
	v9 =	vsel vm2, s26, v9;
	v6 =	vsel vm6, s10, v6  }
0x60: {  	s13 =	sshra.s32 s9, $0x6;
	v7 =	vsel vm7, s11, v7;
	v4 =	vcombine.low v9, v4;
	v6 =	vsel vm15, s12, v6  }
0x61: {  	v5 =	vperm.xlane v5, v0;
	v7 =	vperm.xlane v7, v2;
	v6 =	vsel vm7, s13, v6  }
0x62: {  	v4 =	vperm.xlane v4, v0;
	v6 =	vperm.xlane v6, v2;
	_ =	sdelay $0x1  }
0x63: {  	v5 =	vsel vm8, v7, v5;
	v4 =	vsel vm8, v6, v4  }
0x64: {  	v4 =	vadd.s32 v5, v4  }
0x65: {  	v4 =	vmul.u32 $0xC8, v4;
	_ =	sdelay $0x1  }
0x66: {  	s15 =	rddreg [dreg:$0x9];
	s14 =	smov.u32 s8;
	v3 =	vsub.s32 v3, v4  }
0x67: {  	s16 =	sshra.s32 s14, $0x2;
	[tilespmem:s15+$0x2780] =	vst v3  }
0x68: {  	v3 =	vld [tilespmem:s16+$0x2780];
	_ =	sdelay $0x4  }
0x69: {  	(v2sf) =	vpush v3, $0x0  }
0x6a: {  	(v2sf) =	vpush v3, $0x1;
	_ =	sdelay $0x1  }
0x6b: {  	(v2sf) =	vpush v3, $0x2;
	_ =	sdelay $0x1  }
0x6c: {  	(v2sf) =	vpush v3, $0x7;
	_ =	sdelay $0x1  }
0x6d: {  	(v2sf) =	vpush v3, $0x3;
	_ =	sdelay $0x1  }
0x6e: {  	(v2sf) =	vpush v3, $0x4  }
0x6f: {  	(v2sf) =	vpush v3, $0xC;
	_ =	sdelay $0x1  }
0x70: {  	(v2sf) =	vpush v3, $0xD;
	_ =	sdelay $0x1  }
0x71: {  	(v2sf) =	vpush v3, $0xE  }
0x72: {  	s17 =	spop (v2sf)  }
0x73: {  	s29 =	smulhi.u32 $0x51EB851F, s17;
	s18 =	spop (v2sf)  }
0x74: {  	(v2sf) =	vpush v3, $0x8;
	s3 =	sshra.s32 s17, $0x1F;
	s19 =	smulhi.u32 $0x51EB851F, s18  }
0x75: {  	(v2sf) =	vpush v3, $0xF;
	s20 =	spop (v2sf);
	s3 =	smul.u32 $0x51EB851F, s3  }
0x76: {  	p1 =	sne.s32 s8, $0x4EC0;
	(v2sf) =	vpush v3, $0x9;
	s1 =	sshra.s32 s18, $0x1F;
	s21 =	smulhi.u32 $0x51EB851F, s20  }
0x77: {  	s8 =	sadd.s32 $0x40, s8;
	s22 =	spop (v2sf);
	s1 =	smul.u32 $0x51EB851F, s1  }
0x78: {  	[dreg:$0x9] =	wrdreg s16;
	s4 =	sshra.s32 s20, $0x1F;
	s9 =	smulhi.u32 $0x51EB851F, s22  }
0x79: {  	(v2sf) =	vpush v3, $0xA;
	s6 =	sshra.s32 s22, $0x1F;
	s23 =	spop (v2sf);
	s26 =	smul.u32 $0x51EB851F, s4  }
0x7a: {  	s29 =	sadd.s32 s3, s29;
	s24 =	sshra.s32 s23, $0x1F;
	s22 =	smul.u32 $0x51EB851F, s6  }
0x7b: {  	s17 =	spop (v2sf);
	s7 =	sadd.s32 s1, s19;
	s20 =	smulhi.u32 $0x51EB851F, s23  }
0x7c: {  	s25 =	sshra.s32 s17, $0x1F;
	s0 =	spop (v2sf);
	s2 =	smul.u32 $0x51EB851F, s24  }
0x7d: {  	(v2sf) =	vpush v3, $0x5;
	s18 =	sshra.s32 s7, $0x6;
	s1 =	sadd.s32 s26, s21;
	s28 =	smulhi.u32 $0x51EB851F, s17  }
0x7e: {  	s10 =	smul.u32 $0x51EB851F, s25;
	s12 =	spop (v2sf);
	s13 =	sshra.s32 s0, $0x1F  }
0x7f: {  	(v2sf) =	vpush v3, $0xB;
	s16 =	sshra.s32 s1, $0x6;
	s11 =	sshrl.u32 s1, $0x1F;
	s23 =	smulhi.u32 $0x51EB851F, s0  }
0x80: {  	s9 =	sadd.s32 s22, s9;
	s21 =	smulhi.u32 $0x51EB851F, s12;
	s15 =	spop (v2sf);
	(v2sf) =	vpush v3, $0x6  }
0x81: {  	s4 =	sshra.s32 s12, $0x1F;
	s6 =	smul.u32 $0x51EB851F, s13;
	s13 =	sshrl.u32 s7, $0x1F  }
0x82: {  	s12 =	sshra.s32 s1, $0x1F;
	s31 =	sadd.s32 s2, s20;
	s19 =	smulhi.u32 $0x51EB851F, s15  }
0x83: {  	s15 =	sshra.s32 s15, $0x1F;
	s26 =	spop (v2sf);
	s4 =	smul.u32 $0x51EB851F, s4  }
0x84: {  	s5 =	sshra.s32 s26, $0x1F;
	s25 =	spop (v2sf);
	s1 =	sadd.s32 s6, s23  }
0x85: {  	s24 =	sshra.s32 s25, $0x1F;
	s0 =	spop (v2sf);
	s23 =	smulhi.u32 $0x51EB851F, s25  }
0x86: {  	s14 =	sshrl.u32 s1, $0x1F;
	s6 =	sshra.s32 s0, $0x1F;
	s0 =	smulhi.u32 $0x51EB851F, s0  }
0x87: {  	s4 =	sadd.s32 s4, s21;
	s1 =	sshra.s32 s1, $0x6;
	s24 =	smul.u32 $0x51EB851F, s24  }
0x88: {  	s21 =	sshra.s32 s4, $0x6;
	s6 =	smul.u32 $0x51EB851F, s6;
	s25 =	spop (v2sf)  }
0x89: {  	v4 =	vmov s1;
	s1 =	sshrl.u32 s31, $0x1F;
	s30 =	sshra.s32 s25, $0x1F;
	s20 =	smulhi.u32 $0x51EB851F, s25  }
0x8a: {  	v5 =	vmov s14;
	s4 =	sshrl.u32 s4, $0x1F;
	s14 =	sshra.s32 s31, $0x1F;
	s22 =	smul.u32 $0x51EB851F, s30  }
.Ltmp0:
0x8b: {  	v4 =	vsel vm0, s21, v4;
	s21 =	sshra.s32 s31, $0x6;
	v5 =	vsel vm0, s4, v5;
	s4 =	sshra.s32 s29, $0x6;
	(pc) =	sbr.rel @p1 .LBB2_2-.Ltmp0, $4  }
0x8c: {  	s0 =	sadd.s32 s6, s0;
	s30 =	smulhi.u32 $0x51EB851F, s26;
	s17 =	spop (v2sf)  }
0x8d: {  	s2 =	smulhi.u32 $0x51EB851F, s17;
	s25 =	sshra.s32 s17, $0x1F;
	s17 =	sshra.s32 s9, $0x1F  }
0x8e: {  	s6 =	sshra.s32 s29, $0x1F;
	v6 =	vmov s17;
	s17 =	smul.u32 $0x51EB851F, s15;
	s31 =	spop (v2sf)  }
0x8f: {  	s26 =	sshra.s32 s7, $0x1F;
	v6 =	vsel vm3, s4, v6;
	s3 =	smulhi.u32 $0x51EB851F, s31;
	s7 =	spop (v2sf)  }
0x90: {  	s4 =	smul.u32 $0x51EB851F, s5  }
0x91: {  	s5 =	sadd.s32 s24, s23;
	s24 =	sadd.s32 s17, s19;
	s8 =	sshrl.u32 s29, $0x1F  }
0x92: {  	v6 =	vsel vm9, s6, v6;
	s15 =	smul.u32 $0x51EB851F, s25;
	s25 =	sshra.s32 s7, $0x1F;
	s10 =	sadd.s32 s10, s28  }
0x93: {  	v6 =	vsel vm0, s18, v6;
	v7 =	vmov s8;
	s8 =	smul.u32 $0x51EB851F, s25;
	s18 =	sadd.s32 s22, s20;
	s19 =	sshrl.u32 s24, $0x1F  }
0x94: {  	s20 =	smulhi.u32 $0x51EB851F, s7;
	s23 =	sshrl.u32 s10, $0x1F;
	s6 =	sshra.s32 s24, $0x6;
	v6 =	vsel vm10, s26, v6;
	v7 =	vnsel vm3, $0x0, v7;
	v5 =	vsel vm1, s19, v5  }
0x95: {  	s24 =	sshra.s32 s10, $0x6;
	s4 =	sadd.s32 s4, s30;
	v4 =	vsel vm1, s6, v4;
	v6 =	vsel vm1, s16, v6;
	v7 =	vsel vm0, s13, v7;
	s16 =	sshrl.u32 s5, $0x1F  }
0x96: {  	s26 =	sshra.s32 s31, $0x1F;
	s25 =	sshrl.u32 s4, $0x1F;
	s4 =	sshra.s32 s4, $0x6;
	v6 =	vsel vm11, s12, v6;
	v7 =	vsel vm1, s11, v7;
	v5 =	vsel vm2, s16, v5  }
0x97: {  	s2 =	sadd.s32 s15, s2;
	s15 =	sshra.s32 s18, $0x6;
	s5 =	sshra.s32 s5, $0x6;
	v8 =	vmov s25;
	v9 =	vmov s4;
	v6 =	vsel vm2, s21, v6  }
0x98: {  	s17 =	smul.u32 $0x51EB851F, s26;
	s26 =	sshrl.u32 s0, $0x1F;
	s13 =	sshra.s32 s0, $0x6;
	v4 =	vsel vm2, s5, v4;
	v7 =	vsel vm2, s1, v7;
	v6 =	vsel vm12, s14, v6  }
0x99: {  	s7 =	sadd.s32 s8, s20;
	s8 =	sshra.s32 s10, $0x1F;
	s10 =	sshrl.u32 s2, $0x1F;
	v8 =	vsel vm0, s26, v8;
	v9 =	vsel vm0, s13, v9;
	v6 =	vsel vm4, s24, v6  }
0x9a: {  	s12 =	sshra.s32 s2, $0x6;
	s22 =	sadd.s32 s17, s3;
	v7 =	vsel vm4, s23, v7;
	s14 =	sshrl.u32 s18, $0x1F;
	v9 =	vsel vm1, s15, v9;
	v6 =	vsel vm13, s8, v6  }
0x9b: {  	s2 =	sshra.s32 s2, $0x1F;
	s17 =	sshrl.u32 s22, $0x1F;
	s18 =	sshra.s32 s22, $0x6;
	v7 =	vsel vm5, s10, v7;
	v8 =	vsel vm1, s14, v8;
	v6 =	vsel vm5, s12, v6  }
0x9c: {  	s16 =	sshra.s32 s7, $0x6;
	s20 =	sshrl.u32 s7, $0x1F;
	v9 =	vsel vm2, s18, v9;
	v8 =	vsel vm2, s17, v8;
	v6 =	vsel vm14, s2, v6  }
0x9d: {  	s19 =	sshra.s32 s7, $0x1F;
	s22 =	sshrl.u32 s9, $0x1F;
	v7 =	vsel vm6, s20, v7;
	v4 =	vcombine.low v9, v4;
	v6 =	vsel vm6, s16, v6  }
0x9e: {  	s21 =	sshra.s32 s9, $0x6;
	v5 =	vcombine.low v8, v5;
	v7 =	vsel vm7, s22, v7;
	v6 =	vsel vm15, s19, v6  }
0x9f: {  	v4 =	vperm.xlane v4, v0;
	v7 =	vperm.xlane v7, v2;
	v6 =	vsel vm7, s21, v6  }
0xa0: {  	v5 =	vperm.xlane v5, v0;
	v6 =	vperm.xlane v6, v2;
	_ =	sdelay $0x1  }
0xa1: {  	v5 =	vsel vm8, v7, v5;
	v4 =	vsel vm8, v6, v4  }
0xa2: {  	v4 =	vadd.s32 v5, v4  }
0xa3: {  	v4 =	vmul.u32 $0xC8, v4  }
0xa4: {  	s28 =	simm.s32 $0x2;
	s29 =	simm.s32 $0x4  }
0xa5: {  	s6 =	simm.s32 $0x13C0;
	s30 =	simm.s32 $0x6;
	s23 =	rddreg [dreg:$0x9];
	v3 =	vsub.s32 v3, v4  }
0xa6: {  	s31 =	simm.s32 $0x3B60;
	s25 =	simm.s32 $0x5B80;
	s7 =	simm.s32 $0x2780;
	[tilespmem:s23+$0x2780] =	vst v3  }
0xa7: {  	s26 =	simm.s32 $0x7B80;
	s24 =	simm.s32 $0x3B80;
	[bflag:$0x0] =	sbarrier.arrive $0xFFFF  }
0xa8: {  	s14 =	simm.s32 $0x0;
	s18 =	simm.s32 $0x4B80;
	s4 =	rddreg [dreg:$0x6]  }
0xa9: {  	s17 =	simm.s32 $0x20;
	s19 =	simm.s32 $0x0;
	s5 =	rddreg [dreg:$0x7]  }
0xaa: {  	[tilespmem:s24], [sflag:$0x1] =	stream.indirect.gather [spmem:s4], $0x80, s19, s17, $0xb8;
	[tilespmem:$0x1DA40] =	vst v63  }
0xab: {  	s20 =	simm.s32 $0x0;
	s22 =	simm.s32 $0x8B80;
	s3 =	rddreg [dreg:$0x5]  }
0xac: {  	[tilespmem:s25], [sflag:$0x3] =	stream.indirect.gather [spmem:s4], $0x80, s6, s17, $0xb8;
	[tilespmem:$0x1DA40] =	vst v63  }
0xad: {  	s21 =	simm.s32 $0x6B80;
	s23 =	simm.s32 $0x1;
	s13 =	rddreg [dreg:$0xa]  }
0xae: {  	[tilespmem:s26], [sflag:$0x5] =	stream.indirect.gather [spmem:s5], $0x80, s7, s17, $0xb8;
	[tilespmem:$0x1DA40] =	vst v63  }
0xaf: {  	s24 =	simm.s32 $0x3;
	s25 =	simm.s32 $0x5;
	s26 =	simm.s32 $0x3B40  }
.LBB2_4:
0xb0: {  	s16 =	sshll.u32 s20, $0x6  }
0xb1: {  	s15 =	sor.u32 $0x20, s16  }
0xb2: {  	[tilespmem:s18], [sflag:$0x2] =	stream.indirect.gather [spmem:s4], $0x80, s15, s17, $0xb8;
	[tilespmem:$0x1DA40] =	vst v63  }
0xb3: {  	s0 =	sadd.s32 $0x13E0, s16  }
0xb4: {  	[tilespmem:s21], [sflag:$0x4] =	stream.indirect.gather [spmem:s4], $0x80, s0, s17, $0xb8;
	[tilespmem:$0x1DA40] =	vst v63  }
0xb5: {  	s11 =	sadd.s32 $0x27A0, s16  }
0xb6: {  	[tilespmem:s22], [sflag:$0x6] =	stream.indirect.gather [spmem:s5], $0x80, s11, s17, $0xb8;
	[tilespmem:$0x1DA40] =	vst v63  }
0xb7: {  	_ =	swait.ge [sflag:s23], $0x1000  }
0xb8: {  	[sflag:s23] =	ssyncset.done $0x0  }
0xb9: {  	[sflag:s23] =	ssyncadd.s32 $0xFFFFF000  }
0xba: {  	_ =	swait.ge [sflag:s24], $0x1000  }
0xbb: {  	[sflag:s24] =	ssyncset.done $0x0  }
0xbc: {  	[sflag:s24] =	ssyncadd.s32 $0xFFFFF000  }
0xbd: {  	_ =	swait.ge [sflag:s25], $0x1000  }
0xbe: {  	p1 =	seq.s32 s20, $0x0;
	[sflag:s25] =	ssyncset.done $0x0  }
0xbf: {  	s0 =	simm.s32 @!p1 $0x7;
	[sflag:s25] =	ssyncadd.s32 $0xFFFFF000  }
0xc0: {  	_ =	swait.ge @!p1 [sflag:s0], $0x20  }
0xc1: {  	[sflag:s0] =	ssyncset.done @!p1 $0x0  }
0xc2: {  	s12 =	simm.s32 $0x7BC0;
	[sflag:s0] =	ssyncadd.s32 @!p1 $0xFFFFFFE0  }
0xc3: {  	s1 =	simm.s32 $0x3BC0;
	v8 =	vld [tilespmem:s12+$0x20]  }
0xc4: {  	s2 =	simm.s32 $0x5BC0;
	v3 =	vld [tilespmem:s1+$0x30]  }
0xc5: {  	v4 =	vld [tilespmem:s2+$0x30]  }
0xc6: {  	v9 =	vld [tilespmem:s12+$0x10]  }
0xc7: {  	v5 =	vld [tilespmem:s1+$0x20]  }
0xc8: {  	v7 =	vld [tilespmem:s2+$0x20]  }
0xc9: {  	v10 =	vld [tilespmem:s12+$0x0]  }
0xca: {  	v11 =	vld [tilespmem:s1+$0x10]  }
0xcb: {  	v12 =	vld [tilespmem:s2+$0x10]  }
0xcc: {  	v13 =	vld [tilespmem:s12+$0xFFFFFFF0]  }
0xcd: {  	v14 =	vld [tilespmem:s1+$0x0]  }
0xce: {  	v15 =	vld [tilespmem:s2+$0x0]  }
0xcf: {  	v16 =	vld [tilespmem:s12+$0xFFFFFFE0]  }
0xd0: {  	v17 =	vld [tilespmem:s1+$0xFFFFFFF0]  }
0xd1: {  	v18 =	vld [tilespmem:s2+$0xFFFFFFF0]  }
0xd2: {  	v21 =	vld [tilespmem:s12+$0xFFFFFFD0];
	v20 =	vunpack.i.l.bf16.f32 v8  }
0xd3: {  	v24 =	vld [tilespmem:s1+$0xFFFFFFE0];
	v22 =	vunpack.i.u.bf16.f32 v3;
	v3 =	vunpack.i.l.bf16.f32 v3;
	v23 =	vunpack.i.u.bf16.f32 v4  }
0xd4: {  	v26 =	vld [tilespmem:s2+$0xFFFFFFE0];
	v25 =	vunpack.i.l.bf16.f32 v9;
	v4 =	vunpack.i.l.bf16.f32 v4;
	v27 =	vunpack.i.u.bf16.f32 v5  }
0xd5: {  	v29 =	vld [tilespmem:s12+$0xFFFFFFC0];
	v5 =	vunpack.i.l.bf16.f32 v5;
	v28 =	vunpack.i.u.bf16.f32 v7;
	v30 =	vunpack.i.l.bf16.f32 v10  }
0xd6: {  	v32 =	vld [tilespmem:s1+$0xFFFFFFD0];
	v31 =	vunpack.i.u.bf16.f32 v11;
	v7 =	vunpack.i.l.bf16.f32 v7;
	v11 =	vunpack.i.l.bf16.f32 v11  }
0xd7: {  	v34 =	vld [tilespmem:s2+$0xFFFFFFD0];
	v33 =	vunpack.i.u.bf16.f32 v12;
	v12 =	vunpack.i.l.bf16.f32 v12;
	v35 =	vunpack.i.l.bf16.f32 v13  }
0xd8: {  	v37 =	vld [tilespmem:s1+$0xFFFFFFC0];
	v36 =	vunpack.i.u.bf16.f32 v14;
	v14 =	vunpack.i.l.bf16.f32 v14;
	v38 =	vunpack.i.l.bf16.f32 v16  }
0xd9: {  	v39 =	vunpack.i.u.bf16.f32 v15;
	v15 =	vunpack.i.l.bf16.f32 v15;
	v40 =	vunpack.i.u.bf16.f32 v17  }
0xda: {  	v42 =	vld [tilespmem:s2+$0xFFFFFFC0];
	v17 =	vunpack.i.l.bf16.f32 v17;
	v41 =	vunpack.i.u.bf16.f32 v18;
	v43 =	vunpack.i.l.bf16.f32 v21  }
0xdb: {  	v44 =	vunpack.i.u.bf16.f32 v24;
	v18 =	vunpack.i.l.bf16.f32 v18;
	v45 =	vunpack.i.u.bf16.f32 v29  }
0xdc: {  	v24 =	vunpack.i.l.bf16.f32 v24;
	v46 =	vunpack.i.l.bf16.f32 v26;
	v47 =	vunpack.i.u.bf16.f32 v32  }
0xdd: {  	v32 =	vunpack.i.l.bf16.f32 v32;
	v48 =	vunpack.i.u.bf16.f32 v37;
	v49 =	vunpack.i.u.bf16.f32 v34  }
0xde: {  	v50 =	vmul.f32 v4, v3;
	v3 =	vunpack.i.l.bf16.f32 v37;
	v11 =	vmul.f32 v12, v11  }
0xdf: {  	v12 =	vmul.f32 v7, v5;
	v4 =	vunpack.i.u.bf16.f32 v42;
	v5 =	vmul.f32 v18, v17  }
0xe0: {  	v7 =	vmul.f32 v15, v14;
	v14 =	vunpack.i.l.bf16.f32 v42;
	v15 =	vmul.f32 v46, v24  }
0xe1: {  	v18 =	vmul.f32 v49, v47;
	v3 =	vmul.f32 v14, v3;
	v14 =	vunpack.i.l.bf16.f32 v34  }
0xe2: {  	v21 =	vunpack.i.u.bf16.f32 v21;
	v4 =	vmul.f32 v4, v48;
	v14 =	vmul.f32 v14, v32  }
0xe3: {  	v17 =	vunpack.i.l.bf16.f32 v29;
	v18 =	vmul.f32 v21, v18;
	v15 =	vmul.f32 v38, v15  }
0xe4: {  	s10 =	simm.s32 $0x5C40;
	v6 =	vld [tilespmem:s12+$0x30];
	v16 =	vunpack.i.u.bf16.f32 v16;
	v17 =	vmul.f32 v17, v3;
	v4 =	vmul.f32 v45, v4  }
0xe5: {  	s9 =	simm.s32 $0x3C40;
	v61 =	vld [tilespmem:s10+$0xFFFFFFF0];
	v21 =	vmul.f32 v41, v40;
	v3 =	vunpack.i.u.bf16.f32 v26;
	v14 =	vmul.f32 v43, v14  }
0xe6: {  	v63 =	vld [tilespmem:s9+$0xFFFFFFE0];
	v24 =	vmul.f32 v3, v44;
	v17 =	vadd.f32 $0.0e+00, v17;
	v26 =	vadd.f32 $0.0e+00, v4  }
0xe7: {  	v13 =	vunpack.i.u.bf16.f32 v13;
	v29 =	vld [tilespmem:s9+$0x30];
	v11 =	vmul.f32 v25, v11;
	v12 =	vmul.f32 v20, v12  }
0xe8: {  	v34 =	vld [tilespmem:s10+$0xFFFFFFD0];
	v16 =	vmul.f32 v16, v24;
	v14 =	vadd.f32 v14, v17;
	v17 =	vadd.f32 v18, v26  }
0xe9: {  	s8 =	simm.s32 $0x7C40;
	v10 =	vunpack.i.u.bf16.f32 v10;
	v25 =	vld [tilespmem:s9+$0x10];
	v13 =	vmul.f32 v13, v21;
	v24 =	vmul.f32 v35, v5  }
0xea: {  	v20 =	vld [tilespmem:s8+$0xFFFFFFD0];
	v26 =	vmul.f32 v39, v36;
	v14 =	vadd.f32 v15, v14;
	v15 =	vadd.f32 v16, v17  }
0xeb: {  	v9 =	vunpack.i.u.bf16.f32 v9;
	v3 =	vld [tilespmem:s8+$0x30];
	v21 =	vmul.f32 v33, v31;
	v16 =	vmul.f32 v30, v7  }
0xec: {  	v31 =	vld [tilespmem:s10+$0x20];
	v10 =	vmul.f32 v10, v26;
	v14 =	vadd.f32 v24, v14;
	v13 =	vadd.f32 v13, v15  }
0xed: {  	v33 =	vld [tilespmem:s8+$0xFFFFFFC0];
	v9 =	vmul.f32 v9, v21  }
0xee: {  	v4 =	vld [tilespmem:s8+$0x20];
	v15 =	vmul.f32 v28, v27;
	v14 =	vadd.f32 v16, v14;
	v13 =	vadd.f32 v10, v13  }
0xef: {  	v19 =	vunpack.i.l.bf16.f32 v6;
	v8 =	vunpack.i.u.bf16.f32 v8;
	v21 =	vld [tilespmem:s10+$0x10];
	v16 =	vmul.f32 v23, v22  }
0xf0: {  	v17 =	vld [tilespmem:s9+$0x20];
	v8 =	vmul.f32 v8, v15;
	v11 =	vadd.f32 v11, v14;
	v9 =	vadd.f32 v9, v13  }
0xf1: {  	v6 =	vunpack.i.u.bf16.f32 v6;
	v46 =	vunpack.i.l.bf16.f32 v63;
	v26 =	vld [tilespmem:s10+$0x0];
	v13 =	vmul.f32 v19, v50  }
0xf2: {  	v27 =	vld [tilespmem:s9+$0xFFFFFFF0];
	v15 =	vmul.f32 v6, v16;
	v11 =	vadd.f32 v12, v11;
	v12 =	vadd.f32 v8, v9  }
0xf3: {  	v32 =	vunpack.i.u.bf16.f32 v63;
	v45 =	vunpack.i.l.bf16.f32 v61;
	v24 =	vld [tilespmem:s10+$0xFFFFFFE0];
	v14 =	vmov s19  }
0xf4: {  	v10 =	vld [tilespmem:s8+$0xFFFFFFF0];
	vm9 =	veq.s32 v14, v1;
	v14 =	vadd.f32 v13, v11;
	v15 =	vadd.f32 v15, v12  }
0xf5: {  	v36 =	vunpack.i.l.bf16.f32 v25;
	v35 =	vunpack.i.l.bf16.f32 v31;
	v39 =	vunpack.i.u.bf16.f32 v33;
	v23 =	vld [tilespmem:s9+$0x0]  }
0xf6: {  	v5 =	vld [tilespmem:s8+$0x10];
	v28 =	vunpack.i.l.bf16.f32 v29;
	v38 =	vunpack.i.l.bf16.f32 v21;
	v62 =	vadd.f32 v14, v15  }
0xf7: {  	v18 =	vld [tilespmem:s10+$0x30];
	v30 =	vunpack.i.l.bf16.f32 v17;
	v40 =	vunpack.i.l.bf16.f32 v26;
	v6 =	vimm.f32 $0.0e+00  }
0xf8: {  	v16 =	vld [tilespmem:s8+$0xFFFFFFE0];
	v19 =	vunpack.i.u.bf16.f32 v21;
	v42 =	vunpack.i.l.bf16.f32 v27;
	v47 =	vunpack.i.l.bf16.f32 v24;
	(xrf2) =	vadd.scan.msk.f32 $0xffff, v62  }
0xf9: {  	v7 =	vld [tilespmem:s8+$0x0];
	v8 =	vunpack.i.l.bf16.f32 v3;
	v9 =	vunpack.i.l.bf16.f32 v4;
	v21 =	vunpack.i.l.bf16.f32 v10  }
0xfa: {  	v41 =	vld [tilespmem:s9+$0xFFFFFFD0];
	v22 =	vunpack.i.u.bf16.f32 v23;
	v37 =	vunpack.i.l.bf16.f32 v23;
	v23 =	vunpack.i.u.bf16.f32 v26  }
0xfb: {  	v43 =	vld [tilespmem:s9+$0xFFFFFFC0];
	v26 =	vunpack.i.u.bf16.f32 v27;
	v27 =	vunpack.i.u.bf16.f32 v61;
	v11 =	vunpack.i.u.bf16.f32 v29  }
0xfc: {  	v12 =	vunpack.i.u.bf16.f32 v18;
	v13 =	vunpack.i.l.bf16.f32 v5;
	v29 =	vunpack.i.l.bf16.f32 v18  }
0xfd: {  	v44 =	vld [tilespmem:s10+$0xFFFFFFC0];
	v18 =	vunpack.i.u.bf16.f32 v25;
	v25 =	vunpack.i.l.bf16.f32 v16;
	v14 =	vunpack.i.u.bf16.f32 v17  }
0xfe: {  	s11 =	simm.s32 $0x1;
	s12 =	simm.s32 $0x2;
	v15 =	vunpack.i.u.bf16.f32 v31;
	v17 =	vunpack.i.l.bf16.f32 v7;
	v31 =	vunpack.i.l.bf16.f32 v20  }
.LBB2_5:
0xff: {  	p2 =	sne.s32 s12, $0xF;
	v33 =	vunpack.i.l.bf16.f32 v33;
	v48 =	vunpack.i.u.bf16.f32 v41;
	v41 =	vunpack.i.l.bf16.f32 v41  }
0x100: {  	v50 =	vunpack.i.u.bf16.f32 v34;
	v28 =	vmul.f32 v29, v28;
	v49 =	vunpack.i.u.bf16.f32 v43  }
0x101: {  	v36 =	vmul.f32 v38, v36;
	v30 =	vmul.f32 v35, v30;
	v29 =	vunpack.i.l.bf16.f32 v43  }
0x102: {  	v38 =	vmul.f32 v45, v42;
	v37 =	vmul.f32 v40, v37;
	v35 =	vunpack.i.u.bf16.f32 v44;
	v40, _, _ =	vpop (xrf2)  }
0x103: {  	v43 =	vmul.f32 v47, v46;
	v42 =	vunpack.i.l.bf16.f32 v44;
	v40 =	vbroadcast v40, $0xF  }
0x104: {  	v34 =	vunpack.i.l.bf16.f32 v34;
	v29 =	vmul.f32 v42, v29;
	v35 =	vmul.f32 v35, v49  }
0x105: {  	v34 =	vmul.f32 v34, v41;
	v41 =	vmul.f32 v50, v48;
	v6 =	vsel vm9, v40, v6  }
0x106: {  	v24 =	vunpack.i.u.bf16.f32 v24;
	s8 =	sadd.s32 $0x80, s8;
	v29 =	vmul.f32 v33, v29;
	v33 =	vmul.f32 v39, v35  }
0x107: {  	v20 =	vunpack.i.u.bf16.f32 v20;
	v24 =	vmul.f32 v24, v32;
	v31 =	vmul.f32 v31, v34;
	v35 =	vld [tilespmem:s8+$0x30]  }
0x108: {  	s9 =	sadd.s32 $0x80, s9;
	v20 =	vmul.f32 v20, v41;
	v29 =	vadd.f32 $0.0e+00, v29;
	v33 =	vadd.f32 $0.0e+00, v33;
	v32 =	vld [tilespmem:s8+$0x20]  }
0x109: {  	v16 =	vunpack.i.u.bf16.f32 v16;
	v26 =	vmul.f32 v27, v26;
	s10 =	sadd.s32 $0x80, s10;
	v25 =	vmul.f32 v25, v43;
	v34 =	vld [tilespmem:s9+$0x30]  }
0x10a: {  	v16 =	vmul.f32 v16, v24;
	v29 =	vadd.f32 v31, v29;
	v20 =	vadd.f32 v20, v33;
	v27 =	vld [tilespmem:s10+$0x30]  }
0x10b: {  	v10 =	vunpack.i.u.bf16.f32 v10;
	v22 =	vmul.f32 v23, v22;
	v21 =	vmul.f32 v21, v38;
	v24 =	vld [tilespmem:s8+$0x10]  }
0x10c: {  	v10 =	vmul.f32 v10, v26;
	v25 =	vadd.f32 v25, v29;
	v16 =	vadd.f32 v16, v20;
	v23 =	vld [tilespmem:s9+$0x20]  }
0x10d: {  	v18 =	vmul.f32 v19, v18;
	v17 =	vmul.f32 v17, v37;
	v20 =	vunpack.i.u.bf16.f32 v7;
	v26 =	vld [tilespmem:s10+$0x20]  }
0x10e: {  	v19 =	vadd.f32 v21, v25;
	v10 =	vadd.f32 v10, v16;
	v16 =	vmul.f32 v20, v22;
	v7 =	vld [tilespmem:s8+$0x0]  }
0x10f: {  	v14 =	vmul.f32 v15, v14;
	v13 =	vmul.f32 v13, v36;
	v20 =	vunpack.i.u.bf16.f32 v5;
	v21 =	vld [tilespmem:s9+$0x10]  }
0x110: {  	v15 =	vadd.f32 v17, v19;
	v16 =	vadd.f32 v16, v10;
	v17 =	vmul.f32 v20, v18;
	v22 =	vld [tilespmem:s10+$0x10];
	v5 =	vmovc v24  }
0x111: {  	v11 =	vmul.f32 v12, v11;
	v9 =	vmul.f32 v9, v30;
	v18 =	vunpack.i.u.bf16.f32 v4;
	v4 =	vmovc v32;
	v10 =	vld [tilespmem:s8+$0xFFFFFFF0]  }
0x112: {  	v14 =	vmul.f32 v18, v14;
	v12 =	vadd.f32 v13, v15;
	v13 =	vadd.f32 v17, v16;
	v25 =	vld [tilespmem:s9+$0x0]  }
0x113: {  	v18 =	vmov s11;
	s11 =	smov.u32 s12;
	v15 =	vunpack.i.u.bf16.f32 v3;
	v17 =	vmul.f32 v8, v28;
	v3 =	vmovc v35;
	v31 =	vld [tilespmem:s10+$0x0]  }
0x114: {  	v11 =	vmul.f32 v15, v11;
	v12 =	vadd.f32 v9, v12;
	v13 =	vadd.f32 v14, v13;
	v16 =	vld [tilespmem:s8+$0xFFFFFFE0]  }
0x115: {  	vm9 =	veq.s32 v18, v1;
	v8 =	vunpack.i.l.bf16.f32 v3;
	v32 =	vld [tilespmem:s9+$0xFFFFFFF0]  }
0x116: {  	v9 =	vunpack.i.l.bf16.f32 v4;
	v14 =	vadd.f32 v17, v12;
	v15 =	vadd.f32 v11, v13;
	v39 =	vld [tilespmem:s10+$0xFFFFFFF0]  }
0x117: {  	v28 =	vunpack.i.l.bf16.f32 v34;
	v11 =	vunpack.i.u.bf16.f32 v34;
	v12 =	vunpack.i.u.bf16.f32 v27;
	v20 =	vld [tilespmem:s8+$0xFFFFFFD0]  }
0x118: {  	v29 =	vunpack.i.l.bf16.f32 v27;
	v13 =	vunpack.i.l.bf16.f32 v5;
	v19 =	vadd.f32 v14, v15;
	v46 =	vld [tilespmem:s9+$0xFFFFFFE0]  }
0x119: {  	v30 =	vunpack.i.l.bf16.f32 v23;
	v14 =	vunpack.i.u.bf16.f32 v23;
	v15 =	vunpack.i.u.bf16.f32 v26;
	v24 =	vld [tilespmem:s10+$0xFFFFFFE0]  }
0x11a: {  	v35 =	vunpack.i.l.bf16.f32 v26;
	v18 =	vunpack.i.u.bf16.f32 v21;
	v17 =	vunpack.i.l.bf16.f32 v7;
	v33 =	vld [tilespmem:s8+$0xFFFFFFC0];
	(xrf2) =	vadd.scan.msk.f32 $0xffff, v19  }
0x11b: {  	v36 =	vunpack.i.l.bf16.f32 v21;
	v38 =	vunpack.i.l.bf16.f32 v22;
	v19 =	vunpack.i.u.bf16.f32 v22;
	v41 =	vld [tilespmem:s9+$0xFFFFFFD0]  }
.Ltmp1:
0x11c: {  	v21 =	vunpack.i.l.bf16.f32 v10;
	v37 =	vunpack.i.l.bf16.f32 v25;
	v22 =	vunpack.i.u.bf16.f32 v25;
	v34 =	vld [tilespmem:s10+$0xFFFFFFD0];
	(pc) =	sbr.rel @p2 .LBB2_5-.Ltmp1, $4  }
0x11d: {  	v23 =	vunpack.i.u.bf16.f32 v31;
	v40 =	vunpack.i.l.bf16.f32 v31;
	v25 =	vunpack.i.l.bf16.f32 v16;
	v43 =	vld [tilespmem:s9+$0xFFFFFFC0]  }
0x11e: {  	v26 =	vunpack.i.u.bf16.f32 v32;
	v42 =	vunpack.i.l.bf16.f32 v32;
	v27 =	vunpack.i.u.bf16.f32 v39  }
0x11f: {  	v45 =	vunpack.i.l.bf16.f32 v39;
	v31 =	vunpack.i.l.bf16.f32 v20;
	v32 =	vunpack.i.u.bf16.f32 v46;
	v44 =	vld [tilespmem:s10+$0xFFFFFFC0]  }
0x120: {  	s12 =	sadd.s32 $0x1, s12;
	v46 =	vunpack.i.l.bf16.f32 v46;
	v47 =	vunpack.i.l.bf16.f32 v24;
	v39 =	vunpack.i.u.bf16.f32 v33  }
0x121: {  	v48 =	vunpack.i.u.bf16.f32 v41;
	v28 =	vmul.f32 v29, v28  }
0x122: {  	v63 =	vunpack.i.l.bf16.f32 v41;
	v36 =	vmul.f32 v38, v36;
	v30 =	vmul.f32 v35, v30  }
0x123: {  	v50 =	vunpack.i.u.bf16.f32 v34;
	v53 =	vmul.f32 v45, v42;
	v37 =	vmul.f32 v40, v37  }
0x124: {  	v55 =	vmul.f32 v47, v46;
	v56 =	vunpack.i.l.bf16.f32 v34;
	v49 =	vunpack.i.u.bf16.f32 v43  }
0x125: {  	v29 =	vunpack.i.l.bf16.f32 v43;
	v52 =	vunpack.i.u.bf16.f32 v44;
	v54 =	vunpack.i.l.bf16.f32 v44  }
0x126: {  	v33 =	vunpack.i.l.bf16.f32 v33;
	v29 =	vmul.f32 v54, v29;
	v35 =	vmul.f32 v52, v49  }
0x127: {  	v24 =	vunpack.i.u.bf16.f32 v24;
	v34 =	vmul.f32 v56, v63;
	v57 =	vmul.f32 v50, v48  }
0x128: {  	v20 =	vunpack.i.u.bf16.f32 v20;
	v29 =	vmul.f32 v33, v29;
	v58 =	vmul.f32 v39, v35  }
0x129: {  	v16 =	vunpack.i.u.bf16.f32 v16;
	v24 =	vmul.f32 v24, v32;
	v31 =	vmul.f32 v31, v34  }
0x12a: {  	v20 =	vmul.f32 v20, v57;
	v29 =	vadd.f32 $0.0e+00, v29;
	v59 =	vadd.f32 $0.0e+00, v58  }
0x12b: {  	v26 =	vmul.f32 v27, v26;
	v10 =	vunpack.i.u.bf16.f32 v10;
	v25 =	vmul.f32 v25, v55  }
0x12c: {  	v16 =	vmul.f32 v16, v24;
	v27 =	vadd.f32 v31, v29;
	v20 =	vadd.f32 v20, v59  }
0x12d: {  	v22 =	vmul.f32 v23, v22;
	v7 =	vunpack.i.u.bf16.f32 v7;
	v21 =	vmul.f32 v21, v53  }
0x12e: {  	v10 =	vmul.f32 v10, v26;
	v23 =	vadd.f32 v25, v27;
	v16 =	vadd.f32 v16, v20  }
0x12f: {  	v18 =	vmul.f32 v19, v18;
	v5 =	vunpack.i.u.bf16.f32 v5;
	v17 =	vmul.f32 v17, v37  }
0x130: {  	v7 =	vmul.f32 v7, v22;
	v19 =	vadd.f32 v21, v23;
	v10 =	vadd.f32 v10, v16  }
0x131: {  	v14 =	vmul.f32 v15, v14;
	v4 =	vunpack.i.u.bf16.f32 v4;
	v13 =	vmul.f32 v13, v36  }
0x132: {  	v5 =	vmul.f32 v5, v18;
	v15 =	vadd.f32 v17, v19;
	v7 =	vadd.f32 v7, v10  }
0x133: {  	v9 =	vmul.f32 v9, v30;
	v4 =	vmul.f32 v4, v14  }
0x134: {  	v10 =	vmul.f32 v12, v11;
	v11 =	vadd.f32 v13, v15;
	v5 =	vadd.f32 v5, v7  }
0x135: {  	v3 =	vunpack.i.u.bf16.f32 v3;
	v7 =	vmul.f32 v8, v28  }
0x136: {  	v3 =	vmul.f32 v3, v10;
	v8 =	vadd.f32 v9, v11;
	v4 =	vadd.f32 v4, v5;
	_ =	sdelay $0x1  }
0x137: {  	v5 =	vadd.f32 v7, v8;
	v3 =	vadd.f32 v3, v4;
	_ =	sdelay $0x1  }
0x138: {  	v3 =	vadd.f32 v5, v3;
	_ =	sdelay $0x1  }
0x139: {  	(xrf2) =	vadd.scan.msk.f32 $0xffff, v3;
	_ =	sdelay $0x8  }
0x13a: {  	v3, _, _ =	vpop (xrf2)  }
0x13b: {  	v3 =	vbroadcast v3, $0xF;
	v4, _, _ =	vpop (xrf2)  }
0x13c: {  	v5 =	vmov s11;
	v4 =	vbroadcast v4, $0xF  }
0x13d: {  	v3 =	vsel vm9, v3, v6;
	vm9 =	veq.s32 v5, v1  }
0x13e: {  	v3 =	vsel vm9, v4, v3  }
0x13f: {  	s0 =	simm.s32 $0x83F0;
	[tilespmem:$0x3B40] =	vst v3  }
0x140: {  	s1 =	simm.s32 $0x43F0;
	v8 =	vld [tilespmem:s0+$0xFFFFFFF0]  }
0x141: {  	s2 =	simm.s32 $0x63F0;
	v3 =	vld [tilespmem:s1+$0x0]  }
0x142: {  	v4 =	vld [tilespmem:s2+$0x0]  }
0x143: {  	v9 =	vld [tilespmem:s0+$0xFFFFFFE0]  }
0x144: {  	v5 =	vld [tilespmem:s1+$0xFFFFFFF0]  }
0x145: {  	v7 =	vld [tilespmem:s2+$0xFFFFFFF0]  }
0x146: {  	v10 =	vld [tilespmem:s0+$0xFFFFFFD0]  }
0x147: {  	v11 =	vld [tilespmem:s1+$0xFFFFFFE0]  }
0x148: {  	v12 =	vld [tilespmem:s2+$0xFFFFFFE0]  }
0x149: {  	v13 =	vld [tilespmem:s0+$0xFFFFFFC0]  }
0x14a: {  	v14 =	vld [tilespmem:s1+$0xFFFFFFD0]  }
0x14b: {  	v15 =	vld [tilespmem:s2+$0xFFFFFFD0]  }
0x14c: {  	v16 =	vld [tilespmem:s0+$0xFFFFFFB0]  }
0x14d: {  	v17 =	vld [tilespmem:s1+$0xFFFFFFC0]  }
0x14e: {  	v18 =	vld [tilespmem:s2+$0xFFFFFFC0]  }
0x14f: {  	v21 =	vld [tilespmem:s0+$0xFFFFFFA0];
	v20 =	vunpack.i.l.bf16.f32 v8  }
0x150: {  	v24 =	vld [tilespmem:s1+$0xFFFFFFB0];
	v22 =	vunpack.i.u.bf16.f32 v3;
	v3 =	vunpack.i.l.bf16.f32 v3;
	v23 =	vunpack.i.u.bf16.f32 v4  }
0x151: {  	v26 =	vld [tilespmem:s2+$0xFFFFFFB0];
	v25 =	vunpack.i.l.bf16.f32 v9;
	v4 =	vunpack.i.l.bf16.f32 v4;
	v27 =	vunpack.i.u.bf16.f32 v5  }
0x152: {  	v29 =	vld [tilespmem:s0+$0xFFFFFF90];
	v5 =	vunpack.i.l.bf16.f32 v5;
	v28 =	vunpack.i.u.bf16.f32 v7;
	v30 =	vunpack.i.l.bf16.f32 v10  }
0x153: {  	v60 =	vld [tilespmem:s1+$0xFFFFFFA0];
	v31 =	vunpack.i.u.bf16.f32 v11;
	v7 =	vunpack.i.l.bf16.f32 v7;
	v11 =	vunpack.i.l.bf16.f32 v11  }
0x154: {  	v34 =	vld [tilespmem:s2+$0xFFFFFFA0];
	v33 =	vunpack.i.u.bf16.f32 v12;
	v12 =	vunpack.i.l.bf16.f32 v12;
	v35 =	vunpack.i.l.bf16.f32 v13  }
0x155: {  	v37 =	vld [tilespmem:s1+$0xFFFFFF90];
	v36 =	vunpack.i.u.bf16.f32 v14;
	v14 =	vunpack.i.l.bf16.f32 v14;
	v38 =	vunpack.i.l.bf16.f32 v16  }
0x156: {  	v61 =	vunpack.i.u.bf16.f32 v15;
	v15 =	vunpack.i.l.bf16.f32 v15;
	v62 =	vunpack.i.u.bf16.f32 v17  }
0x157: {  	v52 =	vld [tilespmem:s2+$0xFFFFFF90];
	v17 =	vunpack.i.l.bf16.f32 v17;
	v63 =	vunpack.i.u.bf16.f32 v18;
	v53 =	vunpack.i.l.bf16.f32 v21  }
0x158: {  	v54 =	vunpack.i.u.bf16.f32 v24;
	v18 =	vunpack.i.l.bf16.f32 v18;
	v55 =	vunpack.i.u.bf16.f32 v29  }
0x159: {  	v24 =	vunpack.i.l.bf16.f32 v24;
	v56 =	vunpack.i.l.bf16.f32 v26;
	v57 =	vunpack.i.u.bf16.f32 v60  }
0x15a: {  	v32 =	vunpack.i.l.bf16.f32 v60;
	v58 =	vunpack.i.u.bf16.f32 v37;
	v59 =	vunpack.i.u.bf16.f32 v34  }
0x15b: {  	v60 =	vmul.f32 v4, v3;
	v3 =	vunpack.i.l.bf16.f32 v37;
	v11 =	vmul.f32 v12, v11  }
0x15c: {  	v12 =	vmul.f32 v7, v5;
	v4 =	vunpack.i.u.bf16.f32 v52;
	v5 =	vmul.f32 v18, v17  }
0x15d: {  	v7 =	vmul.f32 v15, v14;
	v14 =	vunpack.i.l.bf16.f32 v52;
	v15 =	vmul.f32 v56, v24  }
0x15e: {  	v18 =	vmul.f32 v59, v57;
	v3 =	vmul.f32 v14, v3;
	v14 =	vunpack.i.l.bf16.f32 v34  }
0x15f: {  	v21 =	vunpack.i.u.bf16.f32 v21;
	v4 =	vmul.f32 v4, v58;
	v14 =	vmul.f32 v14, v32  }
0x160: {  	v17 =	vunpack.i.l.bf16.f32 v29;
	v18 =	vmul.f32 v21, v18;
	v15 =	vmul.f32 v38, v15  }
0x161: {  	s9 =	simm.s32 $0x4470;
	v6 =	vld [tilespmem:s0+$0x0];
	v16 =	vunpack.i.u.bf16.f32 v16;
	v17 =	vmul.f32 v17, v3;
	v4 =	vmul.f32 v55, v4  }
0x162: {  	v41 =	vld [tilespmem:s9+$0xFFFFFFA0];
	v21 =	vmul.f32 v63, v62;
	v3 =	vunpack.i.u.bf16.f32 v26;
	v14 =	vmul.f32 v53, v14  }
0x163: {  	v29 =	vld [tilespmem:s9+$0x0];
	v24 =	vmul.f32 v3, v54;
	v17 =	vadd.f32 $0.0e+00, v17;
	v26 =	vadd.f32 $0.0e+00, v4  }
0x164: {  	s8 =	simm.s32 $0x8470;
	v13 =	vunpack.i.u.bf16.f32 v13;
	v11 =	vmul.f32 v25, v11;
	v25 =	vld [tilespmem:s9+$0xFFFFFFE0];
	v12 =	vmul.f32 v20, v12  }
0x165: {  	v20 =	vld [tilespmem:s8+$0xFFFFFFA0];
	v16 =	vmul.f32 v16, v24;
	v14 =	vadd.f32 v14, v17;
	v17 =	vadd.f32 v18, v26  }
0x166: {  	v10 =	vunpack.i.u.bf16.f32 v10;
	v63 =	vld [tilespmem:s9+$0xFFFFFFB0];
	v13 =	vmul.f32 v13, v21;
	v24 =	vmul.f32 v35, v5  }
0x167: {  	s10 =	simm.s32 $0x6470;
	v3 =	vld [tilespmem:s8+$0x0];
	v26 =	vmul.f32 v61, v36;
	v14 =	vadd.f32 v15, v14;
	v15 =	vadd.f32 v16, v17  }
0x168: {  	v9 =	vunpack.i.u.bf16.f32 v9;
	v21 =	vmul.f32 v33, v31;
	v31 =	vld [tilespmem:s10+$0xFFFFFFF0];
	v16 =	vmul.f32 v30, v7  }
0x169: {  	v33 =	vld [tilespmem:s8+$0xFFFFFF90];
	v10 =	vmul.f32 v10, v26;
	v14 =	vadd.f32 v24, v14;
	v13 =	vadd.f32 v13, v15  }
0x16a: {  	v4 =	vld [tilespmem:s8+$0xFFFFFFF0];
	v9 =	vmul.f32 v9, v21  }
0x16b: {  	v21 =	vld [tilespmem:s10+$0xFFFFFFE0];
	v15 =	vmul.f32 v28, v27;
	v14 =	vadd.f32 v16, v14;
	v13 =	vadd.f32 v10, v13  }
0x16c: {  	v19 =	vunpack.i.l.bf16.f32 v6;
	v8 =	vunpack.i.u.bf16.f32 v8;
	v61 =	vld [tilespmem:s10+$0xFFFFFFC0];
	v16 =	vmul.f32 v23, v22  }
0x16d: {  	v17 =	vld [tilespmem:s9+$0xFFFFFFF0];
	v8 =	vmul.f32 v8, v15;
	v11 =	vadd.f32 v11, v14;
	v9 =	vadd.f32 v9, v13  }
0x16e: {  	v6 =	vunpack.i.u.bf16.f32 v6;
	v36 =	vunpack.i.l.bf16.f32 v25;
	v26 =	vld [tilespmem:s10+$0xFFFFFFD0];
	v13 =	vmul.f32 v19, v60  }
0x16f: {  	s12 =	simm.s32 $0x0;
	v27 =	vld [tilespmem:s9+$0xFFFFFFC0];
	v15 =	vmul.f32 v6, v16;
	v11 =	vadd.f32 v12, v11;
	v12 =	vadd.f32 v8, v9  }
0x170: {  	v32 =	vunpack.i.u.bf16.f32 v63;
	v46 =	vunpack.i.l.bf16.f32 v63;
	v24 =	vld [tilespmem:s10+$0xFFFFFFB0];
	v14 =	vmov s12  }
0x171: {  	v10 =	vld [tilespmem:s8+$0xFFFFFFC0];
	vm9 =	veq.s32 v14, v1;
	v14 =	vadd.f32 v13, v11;
	v15 =	vadd.f32 v15, v12  }
0x172: {  	v35 =	vunpack.i.l.bf16.f32 v31;
	v39 =	vunpack.i.u.bf16.f32 v33;
	v28 =	vunpack.i.l.bf16.f32 v29;
	v23 =	vld [tilespmem:s9+$0xFFFFFFD0]  }
0x173: {  	v5 =	vld [tilespmem:s8+$0xFFFFFFE0];
	v38 =	vunpack.i.l.bf16.f32 v21;
	v45 =	vunpack.i.l.bf16.f32 v61;
	v62 =	vadd.f32 v14, v15  }
0x174: {  	v18 =	vld [tilespmem:s10+$0x0];
	v30 =	vunpack.i.l.bf16.f32 v17;
	v40 =	vunpack.i.l.bf16.f32 v26;
	v6 =	vimm.f32 $0.0e+00  }
0x175: {  	v16 =	vld [tilespmem:s8+$0xFFFFFFB0];
	v19 =	vunpack.i.u.bf16.f32 v21;
	v42 =	vunpack.i.l.bf16.f32 v27;
	v47 =	vunpack.i.l.bf16.f32 v24;
	(xrf2) =	vadd.scan.msk.f32 $0xffff, v62  }
0x176: {  	v7 =	vld [tilespmem:s8+$0xFFFFFFD0];
	v8 =	vunpack.i.l.bf16.f32 v3;
	v9 =	vunpack.i.l.bf16.f32 v4;
	v21 =	vunpack.i.l.bf16.f32 v10  }
0x177: {  	v43 =	vld [tilespmem:s9+$0xFFFFFF90];
	v22 =	vunpack.i.u.bf16.f32 v23;
	v37 =	vunpack.i.l.bf16.f32 v23;
	v23 =	vunpack.i.u.bf16.f32 v26  }
0x178: {  	v34 =	vld [tilespmem:s10+$0xFFFFFFA0];
	v26 =	vunpack.i.u.bf16.f32 v27;
	v27 =	vunpack.i.u.bf16.f32 v61;
	v11 =	vunpack.i.u.bf16.f32 v29  }
0x179: {  	v12 =	vunpack.i.u.bf16.f32 v18;
	v13 =	vunpack.i.l.bf16.f32 v5;
	v29 =	vunpack.i.l.bf16.f32 v18  }
0x17a: {  	v44 =	vld [tilespmem:s10+$0xFFFFFF90];
	v18 =	vunpack.i.u.bf16.f32 v25;
	v25 =	vunpack.i.l.bf16.f32 v16;
	v14 =	vunpack.i.u.bf16.f32 v17  }
0x17b: {  	s11 =	simm.s32 $0x1;
	s12 =	simm.s32 $0x2;
	v15 =	vunpack.i.u.bf16.f32 v31;
	v17 =	vunpack.i.l.bf16.f32 v7;
	v31 =	vunpack.i.l.bf16.f32 v20  }
.LBB2_7:
0x17c: {  	p2 =	sne.s32 s12, $0xF;
	v33 =	vunpack.i.l.bf16.f32 v33;
	v48 =	vunpack.i.u.bf16.f32 v41;
	v41 =	vunpack.i.l.bf16.f32 v41  }
0x17d: {  	v50 =	vunpack.i.u.bf16.f32 v34;
	v28 =	vmul.f32 v29, v28;
	v49 =	vunpack.i.u.bf16.f32 v43  }
0x17e: {  	v36 =	vmul.f32 v38, v36;
	v30 =	vmul.f32 v35, v30;
	v29 =	vunpack.i.l.bf16.f32 v43  }
0x17f: {  	v38 =	vmul.f32 v45, v42;
	v37 =	vmul.f32 v40, v37;
	v35 =	vunpack.i.u.bf16.f32 v44;
	v40, _, _ =	vpop (xrf2)  }
0x180: {  	v43 =	vmul.f32 v47, v46;
	v42 =	vunpack.i.l.bf16.f32 v44;
	v40 =	vbroadcast v40, $0xF  }
0x181: {  	v34 =	vunpack.i.l.bf16.f32 v34;
	v29 =	vmul.f32 v42, v29;
	v35 =	vmul.f32 v35, v49  }
0x182: {  	v34 =	vmul.f32 v34, v41;
	v41 =	vmul.f32 v50, v48;
	v6 =	vsel vm9, v40, v6  }
0x183: {  	v24 =	vunpack.i.u.bf16.f32 v24;
	s8 =	sadd.s32 $0x80, s8;
	v29 =	vmul.f32 v33, v29;
	v33 =	vmul.f32 v39, v35  }
0x184: {  	v20 =	vunpack.i.u.bf16.f32 v20;
	v24 =	vmul.f32 v24, v32;
	v31 =	vmul.f32 v31, v34;
	v35 =	vld [tilespmem:s8+$0x0]  }
0x185: {  	s9 =	sadd.s32 $0x80, s9;
	v20 =	vmul.f32 v20, v41;
	v29 =	vadd.f32 $0.0e+00, v29;
	v33 =	vadd.f32 $0.0e+00, v33;
	v32 =	vld [tilespmem:s8+$0xFFFFFFF0]  }
0x186: {  	v16 =	vunpack.i.u.bf16.f32 v16;
	v26 =	vmul.f32 v27, v26;
	s10 =	sadd.s32 $0x80, s10;
	v25 =	vmul.f32 v25, v43;
	v34 =	vld [tilespmem:s9+$0x0]  }
0x187: {  	v16 =	vmul.f32 v16, v24;
	v29 =	vadd.f32 v31, v29;
	v20 =	vadd.f32 v20, v33;
	v27 =	vld [tilespmem:s10+$0x0]  }
0x188: {  	v10 =	vunpack.i.u.bf16.f32 v10;
	v22 =	vmul.f32 v23, v22;
	v21 =	vmul.f32 v21, v38;
	v24 =	vld [tilespmem:s8+$0xFFFFFFE0]  }
0x189: {  	v10 =	vmul.f32 v10, v26;
	v25 =	vadd.f32 v25, v29;
	v16 =	vadd.f32 v16, v20;
	v23 =	vld [tilespmem:s9+$0xFFFFFFF0]  }
0x18a: {  	v18 =	vmul.f32 v19, v18;
	v17 =	vmul.f32 v17, v37;
	v20 =	vunpack.i.u.bf16.f32 v7;
	v26 =	vld [tilespmem:s10+$0xFFFFFFF0]  }
0x18b: {  	v19 =	vadd.f32 v21, v25;
	v10 =	vadd.f32 v10, v16;
	v16 =	vmul.f32 v20, v22;
	v7 =	vld [tilespmem:s8+$0xFFFFFFD0]  }
0x18c: {  	v14 =	vmul.f32 v15, v14;
	v13 =	vmul.f32 v13, v36;
	v20 =	vunpack.i.u.bf16.f32 v5;
	v21 =	vld [tilespmem:s9+$0xFFFFFFE0]  }
0x18d: {  	v15 =	vadd.f32 v17, v19;
	v16 =	vadd.f32 v16, v10;
	v17 =	vmul.f32 v20, v18;
	v22 =	vld [tilespmem:s10+$0xFFFFFFE0];
	v5 =	vmovc v24  }
0x18e: {  	v11 =	vmul.f32 v12, v11;
	v9 =	vmul.f32 v9, v30;
	v18 =	vunpack.i.u.bf16.f32 v4;
	v4 =	vmovc v32;
	v10 =	vld [tilespmem:s8+$0xFFFFFFC0]  }
0x18f: {  	v14 =	vmul.f32 v18, v14;
	v12 =	vadd.f32 v13, v15;
	v13 =	vadd.f32 v17, v16;
	v25 =	vld [tilespmem:s9+$0xFFFFFFD0]  }
0x190: {  	v18 =	vmov s11;
	s11 =	smov.u32 s12;
	v15 =	vunpack.i.u.bf16.f32 v3;
	v17 =	vmul.f32 v8, v28;
	v3 =	vmovc v35;
	v31 =	vld [tilespmem:s10+$0xFFFFFFD0]  }
0x191: {  	v11 =	vmul.f32 v15, v11;
	v12 =	vadd.f32 v9, v12;
	v13 =	vadd.f32 v14, v13;
	v16 =	vld [tilespmem:s8+$0xFFFFFFB0]  }
0x192: {  	vm9 =	veq.s32 v18, v1;
	v8 =	vunpack.i.l.bf16.f32 v3;
	v32 =	vld [tilespmem:s9+$0xFFFFFFC0]  }
0x193: {  	v9 =	vunpack.i.l.bf16.f32 v4;
	v14 =	vadd.f32 v17, v12;
	v15 =	vadd.f32 v11, v13;
	v39 =	vld [tilespmem:s10+$0xFFFFFFC0]  }
0x194: {  	v28 =	vunpack.i.l.bf16.f32 v34;
	v11 =	vunpack.i.u.bf16.f32 v34;
	v12 =	vunpack.i.u.bf16.f32 v27;
	v20 =	vld [tilespmem:s8+$0xFFFFFFA0]  }
0x195: {  	v29 =	vunpack.i.l.bf16.f32 v27;
	v13 =	vunpack.i.l.bf16.f32 v5;
	v19 =	vadd.f32 v14, v15;
	v46 =	vld [tilespmem:s9+$0xFFFFFFB0]  }
0x196: {  	v30 =	vunpack.i.l.bf16.f32 v23;
	v14 =	vunpack.i.u.bf16.f32 v23;
	v15 =	vunpack.i.u.bf16.f32 v26;
	v24 =	vld [tilespmem:s10+$0xFFFFFFB0]  }
0x197: {  	v35 =	vunpack.i.l.bf16.f32 v26;
	v18 =	vunpack.i.u.bf16.f32 v21;
	v17 =	vunpack.i.l.bf16.f32 v7;
	v33 =	vld [tilespmem:s8+$0xFFFFFF90];
	(xrf2) =	vadd.scan.msk.f32 $0xffff, v19  }
0x198: {  	v36 =	vunpack.i.l.bf16.f32 v21;
	v38 =	vunpack.i.l.bf16.f32 v22;
	v19 =	vunpack.i.u.bf16.f32 v22;
	v41 =	vld [tilespmem:s9+$0xFFFFFFA0]  }
.Ltmp2:
0x199: {  	v21 =	vunpack.i.l.bf16.f32 v10;
	v37 =	vunpack.i.l.bf16.f32 v25;
	v22 =	vunpack.i.u.bf16.f32 v25;
	v34 =	vld [tilespmem:s10+$0xFFFFFFA0];
	(pc) =	sbr.rel @p2 .LBB2_7-.Ltmp2, $4  }
0x19a: {  	v23 =	vunpack.i.u.bf16.f32 v31;
	v40 =	vunpack.i.l.bf16.f32 v31;
	v25 =	vunpack.i.l.bf16.f32 v16;
	v43 =	vld [tilespmem:s9+$0xFFFFFF90]  }
0x19b: {  	v26 =	vunpack.i.u.bf16.f32 v32;
	v42 =	vunpack.i.l.bf16.f32 v32;
	v27 =	vunpack.i.u.bf16.f32 v39  }
0x19c: {  	v45 =	vunpack.i.l.bf16.f32 v39;
	v31 =	vunpack.i.l.bf16.f32 v20;
	v32 =	vunpack.i.u.bf16.f32 v46;
	v44 =	vld [tilespmem:s10+$0xFFFFFF90]  }
0x19d: {  	s12 =	sadd.s32 $0x1, s12;
	v46 =	vunpack.i.l.bf16.f32 v46;
	v47 =	vunpack.i.l.bf16.f32 v24;
	v39 =	vunpack.i.u.bf16.f32 v33  }
0x19e: {  	v48 =	vunpack.i.u.bf16.f32 v41;
	v28 =	vmul.f32 v29, v28  }
0x19f: {  	v63 =	vunpack.i.l.bf16.f32 v41;
	v36 =	vmul.f32 v38, v36;
	v30 =	vmul.f32 v35, v30  }
0x1a0: {  	v50 =	vunpack.i.u.bf16.f32 v34;
	v53 =	vmul.f32 v45, v42;
	v37 =	vmul.f32 v40, v37  }
0x1a1: {  	v55 =	vmul.f32 v47, v46;
	v56 =	vunpack.i.l.bf16.f32 v34;
	v49 =	vunpack.i.u.bf16.f32 v43  }
0x1a2: {  	v29 =	vunpack.i.l.bf16.f32 v43;
	v52 =	vunpack.i.u.bf16.f32 v44;
	v54 =	vunpack.i.l.bf16.f32 v44  }
0x1a3: {  	v33 =	vunpack.i.l.bf16.f32 v33;
	v29 =	vmul.f32 v54, v29;
	v35 =	vmul.f32 v52, v49  }
0x1a4: {  	v24 =	vunpack.i.u.bf16.f32 v24;
	v34 =	vmul.f32 v56, v63;
	v57 =	vmul.f32 v50, v48  }
0x1a5: {  	v20 =	vunpack.i.u.bf16.f32 v20;
	v29 =	vmul.f32 v33, v29;
	v58 =	vmul.f32 v39, v35  }
0x1a6: {  	v16 =	vunpack.i.u.bf16.f32 v16;
	v24 =	vmul.f32 v24, v32;
	v31 =	vmul.f32 v31, v34  }
0x1a7: {  	v20 =	vmul.f32 v20, v57;
	v29 =	vadd.f32 $0.0e+00, v29;
	v59 =	vadd.f32 $0.0e+00, v58  }
0x1a8: {  	v26 =	vmul.f32 v27, v26;
	v10 =	vunpack.i.u.bf16.f32 v10;
	v25 =	vmul.f32 v25, v55  }
0x1a9: {  	v16 =	vmul.f32 v16, v24;
	v27 =	vadd.f32 v31, v29;
	v20 =	vadd.f32 v20, v59  }
0x1aa: {  	v22 =	vmul.f32 v23, v22;
	v7 =	vunpack.i.u.bf16.f32 v7;
	v21 =	vmul.f32 v21, v53  }
0x1ab: {  	v10 =	vmul.f32 v10, v26;
	v23 =	vadd.f32 v25, v27;
	v16 =	vadd.f32 v16, v20  }
0x1ac: {  	v18 =	vmul.f32 v19, v18;
	v5 =	vunpack.i.u.bf16.f32 v5;
	v17 =	vmul.f32 v17, v37  }
0x1ad: {  	v7 =	vmul.f32 v7, v22;
	v19 =	vadd.f32 v21, v23;
	v10 =	vadd.f32 v10, v16  }
0x1ae: {  	v14 =	vmul.f32 v15, v14;
	v4 =	vunpack.i.u.bf16.f32 v4;
	v13 =	vmul.f32 v13, v36  }
0x1af: {  	v5 =	vmul.f32 v5, v18;
	v15 =	vadd.f32 v17, v19;
	v7 =	vadd.f32 v7, v10  }
0x1b0: {  	v9 =	vmul.f32 v9, v30;
	v4 =	vmul.f32 v4, v14  }
0x1b1: {  	v10 =	vmul.f32 v12, v11;
	v11 =	vadd.f32 v13, v15;
	v5 =	vadd.f32 v5, v7  }
0x1b2: {  	v3 =	vunpack.i.u.bf16.f32 v3;
	v7 =	vmul.f32 v8, v28  }
0x1b3: {  	v3 =	vmul.f32 v3, v10;
	v8 =	vadd.f32 v9, v11;
	v4 =	vadd.f32 v4, v5;
	_ =	sdelay $0x1  }
0x1b4: {  	v5 =	vadd.f32 v7, v8;
	v3 =	vadd.f32 v3, v4;
	_ =	sdelay $0x1  }
0x1b5: {  	v3 =	vadd.f32 v5, v3;
	_ =	sdelay $0x1  }
0x1b6: {  	(xrf2) =	vadd.scan.msk.f32 $0xffff, v3;
	_ =	sdelay $0x8  }
0x1b7: {  	v3, _, _ =	vpop (xrf2)  }
0x1b8: {  	v3 =	vbroadcast v3, $0xF;
	v4, _, _ =	vpop (xrf2)  }
0x1b9: {  	v5 =	vmov s11;
	v4 =	vbroadcast v4, $0xF  }
0x1ba: {  	s0 =	sadd.s32 s13, s16;
	v3 =	vsel vm9, v3, v6;
	vm9 =	veq.s32 v5, v1  }
0x1bb: {  	s0 =	sshrl.u32 s0, $0x3;
	v3 =	vsel vm9, v4, v3  }
0x1bc: {  	p2 =	seq.s32 s20, $0x4E;
	s0 =	sadd.s32 s3, s0;
	[tilespmem:$0x3B50] =	vst v3  }
0x1bd: {  	[hbm4b:s0+s14] =	stream.linear.scatter [tilespmem:s26], [sflag:$0x7], $0x20, $0x38;
	[tilespmem:$0x1DA40] =	vst v63  }
0x1be: {  	s1 =	simm.s32 @!p2 $0x20;
	s2 =	simm.s32 @!p2 $0x3B80;
	s0 =	sadd.s32 @!p2 $0x40, s16  }
0x1bf: {  	[tilespmem:s2], [sflag:$0x1] =	stream.indirect.gather @!p2 [spmem:s4], $0x80, s0, s1, $0xb8;
	[tilespmem:$0x1DA40] =	vst v63  }
0x1c0: {  	s0 =	sadd.s32 @!p2 $0x1400, s16;
	s2 =	simm.s32 @!p2 $0x5B80  }
0x1c1: {  	[tilespmem:s2], [sflag:$0x3] =	stream.indirect.gather @!p2 [spmem:s4], $0x80, s0, s1, $0xb8;
	[tilespmem:$0x1DA40] =	vst v63  }
0x1c2: {  	s0 =	sadd.s32 @!p2 $0x27C0, s16;
	s2 =	simm.s32 @!p2 $0x7B80  }
0x1c3: {  	[tilespmem:s2], [sflag:$0x5] =	stream.indirect.gather @!p2 [spmem:s5], $0x80, s0, s1, $0xb8;
	[tilespmem:$0x1DA40] =	vst v63  }
0x1c4: {  	_ =	swait.ge [sflag:s28], $0x1000  }
0x1c5: {  	[sflag:s28] =	ssyncset.done $0x0  }
0x1c6: {  	[sflag:s28] =	ssyncadd.s32 $0xFFFFF000  }
0x1c7: {  	_ =	swait.ge [sflag:s29], $0x1000  }
0x1c8: {  	[sflag:s29] =	ssyncset.done $0x0  }
0x1c9: {  	[sflag:s29] =	ssyncadd.s32 $0xFFFFF000  }
0x1ca: {  	_ =	swait.ge [sflag:s30], $0x1000  }
0x1cb: {  	[sflag:s30] =	ssyncset.done $0x0  }
0x1cc: {  	s0 =	simm.s32 @!p1 $0x8;
	[sflag:s30] =	ssyncadd.s32 $0xFFFFF000  }
0x1cd: {  	_ =	swait.ge @!p1 [sflag:s0], $0x20  }
0x1ce: {  	[sflag:s0] =	ssyncset.done @!p1 $0x0  }
0x1cf: {  	s10 =	simm.s32 $0x8BC0;
	[sflag:s0] =	ssyncadd.s32 @!p1 $0xFFFFFFE0  }
0x1d0: {  	s11 =	simm.s32 $0x4BC0;
	v8 =	vld [tilespmem:s10+$0x20]  }
0x1d1: {  	s12 =	simm.s32 $0x6BC0;
	v3 =	vld [tilespmem:s11+$0x30]  }
0x1d2: {  	v4 =	vld [tilespmem:s12+$0x30]  }
0x1d3: {  	v9 =	vld [tilespmem:s10+$0x10]  }
0x1d4: {  	v5 =	vld [tilespmem:s11+$0x20]  }
0x1d5: {  	v7 =	vld [tilespmem:s12+$0x20]  }
0x1d6: {  	v10 =	vld [tilespmem:s10+$0x0]  }
0x1d7: {  	v11 =	vld [tilespmem:s11+$0x10]  }
0x1d8: {  	v12 =	vld [tilespmem:s12+$0x10]  }
0x1d9: {  	v13 =	vld [tilespmem:s10+$0xFFFFFFF0]  }
0x1da: {  	v14 =	vld [tilespmem:s11+$0x0]  }
0x1db: {  	v15 =	vld [tilespmem:s12+$0x0]  }
0x1dc: {  	v16 =	vld [tilespmem:s10+$0xFFFFFFE0]  }
0x1dd: {  	v17 =	vld [tilespmem:s11+$0xFFFFFFF0]  }
0x1de: {  	v18 =	vld [tilespmem:s12+$0xFFFFFFF0]  }
0x1df: {  	v21 =	vld [tilespmem:s10+$0xFFFFFFD0];
	v20 =	vunpack.i.l.bf16.f32 v8  }
0x1e0: {  	v24 =	vld [tilespmem:s11+$0xFFFFFFE0];
	v22 =	vunpack.i.u.bf16.f32 v3;
	v3 =	vunpack.i.l.bf16.f32 v3;
	v23 =	vunpack.i.u.bf16.f32 v4  }
0x1e1: {  	v26 =	vld [tilespmem:s12+$0xFFFFFFE0];
	v25 =	vunpack.i.l.bf16.f32 v9;
	v4 =	vunpack.i.l.bf16.f32 v4;
	v27 =	vunpack.i.u.bf16.f32 v5  }
0x1e2: {  	v29 =	vld [tilespmem:s10+$0xFFFFFFC0];
	v5 =	vunpack.i.l.bf16.f32 v5;
	v28 =	vunpack.i.u.bf16.f32 v7;
	v30 =	vunpack.i.l.bf16.f32 v10  }
0x1e3: {  	v60 =	vld [tilespmem:s11+$0xFFFFFFD0];
	v31 =	vunpack.i.u.bf16.f32 v11;
	v7 =	vunpack.i.l.bf16.f32 v7;
	v11 =	vunpack.i.l.bf16.f32 v11  }
0x1e4: {  	v34 =	vld [tilespmem:s12+$0xFFFFFFD0];
	v33 =	vunpack.i.u.bf16.f32 v12;
	v12 =	vunpack.i.l.bf16.f32 v12;
	v35 =	vunpack.i.l.bf16.f32 v13  }
0x1e5: {  	v37 =	vld [tilespmem:s11+$0xFFFFFFC0];
	v36 =	vunpack.i.u.bf16.f32 v14;
	v14 =	vunpack.i.l.bf16.f32 v14;
	v38 =	vunpack.i.l.bf16.f32 v16  }
0x1e6: {  	v61 =	vunpack.i.u.bf16.f32 v15;
	v15 =	vunpack.i.l.bf16.f32 v15;
	v62 =	vunpack.i.u.bf16.f32 v17  }
0x1e7: {  	v52 =	vld [tilespmem:s12+$0xFFFFFFC0];
	v17 =	vunpack.i.l.bf16.f32 v17;
	v63 =	vunpack.i.u.bf16.f32 v18;
	v53 =	vunpack.i.l.bf16.f32 v21  }
0x1e8: {  	v54 =	vunpack.i.u.bf16.f32 v24;
	v18 =	vunpack.i.l.bf16.f32 v18;
	v55 =	vunpack.i.u.bf16.f32 v29  }
0x1e9: {  	v24 =	vunpack.i.l.bf16.f32 v24;
	v56 =	vunpack.i.l.bf16.f32 v26;
	v57 =	vunpack.i.u.bf16.f32 v60  }
0x1ea: {  	v32 =	vunpack.i.l.bf16.f32 v60;
	v58 =	vunpack.i.u.bf16.f32 v37;
	v59 =	vunpack.i.u.bf16.f32 v34  }
0x1eb: {  	v60 =	vmul.f32 v4, v3;
	v3 =	vunpack.i.l.bf16.f32 v37;
	v11 =	vmul.f32 v12, v11  }
0x1ec: {  	v12 =	vmul.f32 v7, v5;
	v4 =	vunpack.i.u.bf16.f32 v52;
	v5 =	vmul.f32 v18, v17  }
0x1ed: {  	v7 =	vmul.f32 v15, v14;
	v14 =	vunpack.i.l.bf16.f32 v52;
	v15 =	vmul.f32 v56, v24  }
0x1ee: {  	v18 =	vmul.f32 v59, v57;
	v3 =	vmul.f32 v14, v3;
	v14 =	vunpack.i.l.bf16.f32 v34  }
0x1ef: {  	v21 =	vunpack.i.u.bf16.f32 v21;
	v4 =	vmul.f32 v4, v58;
	v14 =	vmul.f32 v14, v32  }
0x1f0: {  	v17 =	vunpack.i.l.bf16.f32 v29;
	v18 =	vmul.f32 v21, v18;
	v15 =	vmul.f32 v38, v15  }
0x1f1: {  	s9 =	simm.s32 $0x4C40;
	v6 =	vld [tilespmem:s10+$0x30];
	v16 =	vunpack.i.u.bf16.f32 v16;
	v17 =	vmul.f32 v17, v3;
	v4 =	vmul.f32 v55, v4  }
0x1f2: {  	v41 =	vld [tilespmem:s9+$0xFFFFFFD0];
	v21 =	vmul.f32 v63, v62;
	v3 =	vunpack.i.u.bf16.f32 v26;
	v14 =	vmul.f32 v53, v14  }
0x1f3: {  	v29 =	vld [tilespmem:s9+$0x30];
	v24 =	vmul.f32 v3, v54;
	v17 =	vadd.f32 $0.0e+00, v17;
	v26 =	vadd.f32 $0.0e+00, v4  }
0x1f4: {  	s8 =	simm.s32 $0x8C40;
	v13 =	vunpack.i.u.bf16.f32 v13;
	v11 =	vmul.f32 v25, v11;
	v25 =	vld [tilespmem:s9+$0x10];
	v12 =	vmul.f32 v20, v12  }
0x1f5: {  	v20 =	vld [tilespmem:s8+$0xFFFFFFD0];
	v16 =	vmul.f32 v16, v24;
	v14 =	vadd.f32 v14, v17;
	v17 =	vadd.f32 v18, v26  }
0x1f6: {  	v10 =	vunpack.i.u.bf16.f32 v10;
	v63 =	vld [tilespmem:s9+$0xFFFFFFE0];
	v13 =	vmul.f32 v13, v21;
	v24 =	vmul.f32 v35, v5  }
0x1f7: {  	s10 =	simm.s32 $0x6C40;
	v3 =	vld [tilespmem:s8+$0x30];
	v26 =	vmul.f32 v61, v36;
	v14 =	vadd.f32 v15, v14;
	v15 =	vadd.f32 v16, v17  }
0x1f8: {  	v9 =	vunpack.i.u.bf16.f32 v9;
	v21 =	vmul.f32 v33, v31;
	v31 =	vld [tilespmem:s10+$0x20];
	v16 =	vmul.f32 v30, v7  }
0x1f9: {  	v33 =	vld [tilespmem:s8+$0xFFFFFFC0];
	v10 =	vmul.f32 v10, v26;
	v14 =	vadd.f32 v24, v14;
	v13 =	vadd.f32 v13, v15  }
0x1fa: {  	v4 =	vld [tilespmem:s8+$0x20];
	v9 =	vmul.f32 v9, v21  }
0x1fb: {  	v21 =	vld [tilespmem:s10+$0x10];
	v15 =	vmul.f32 v28, v27;
	v14 =	vadd.f32 v16, v14;
	v13 =	vadd.f32 v10, v13  }
0x1fc: {  	v19 =	vunpack.i.l.bf16.f32 v6;
	v8 =	vunpack.i.u.bf16.f32 v8;
	v61 =	vld [tilespmem:s10+$0xFFFFFFF0];
	v16 =	vmul.f32 v23, v22  }
0x1fd: {  	v17 =	vld [tilespmem:s9+$0x20];
	v8 =	vmul.f32 v8, v15;
	v11 =	vadd.f32 v11, v14;
	v9 =	vadd.f32 v9, v13  }
0x1fe: {  	v6 =	vunpack.i.u.bf16.f32 v6;
	v36 =	vunpack.i.l.bf16.f32 v25;
	v26 =	vld [tilespmem:s10+$0x0];
	v13 =	vmul.f32 v19, v60  }
0x1ff: {  	s16 =	simm.s32 $0x0;
	v27 =	vld [tilespmem:s9+$0xFFFFFFF0];
	v15 =	vmul.f32 v6, v16;
	v11 =	vadd.f32 v12, v11;
	v12 =	vadd.f32 v8, v9  }
0x200: {  	v32 =	vunpack.i.u.bf16.f32 v63;
	v46 =	vunpack.i.l.bf16.f32 v63;
	v24 =	vld [tilespmem:s10+$0xFFFFFFE0];
	v14 =	vmov s16  }
0x201: {  	v10 =	vld [tilespmem:s8+$0xFFFFFFF0];
	vm9 =	veq.s32 v14, v1;
	v14 =	vadd.f32 v13, v11;
	v15 =	vadd.f32 v15, v12  }
0x202: {  	v35 =	vunpack.i.l.bf16.f32 v31;
	v39 =	vunpack.i.u.bf16.f32 v33;
	v28 =	vunpack.i.l.bf16.f32 v29;
	v23 =	vld [tilespmem:s9+$0x0]  }
0x203: {  	v5 =	vld [tilespmem:s8+$0x10];
	v38 =	vunpack.i.l.bf16.f32 v21;
	v45 =	vunpack.i.l.bf16.f32 v61;
	v62 =	vadd.f32 v14, v15  }
0x204: {  	v18 =	vld [tilespmem:s10+$0x30];
	v30 =	vunpack.i.l.bf16.f32 v17;
	v40 =	vunpack.i.l.bf16.f32 v26;
	v6 =	vimm.f32 $0.0e+00  }
0x205: {  	v16 =	vld [tilespmem:s8+$0xFFFFFFE0];
	v19 =	vunpack.i.u.bf16.f32 v21;
	v42 =	vunpack.i.l.bf16.f32 v27;
	v47 =	vunpack.i.l.bf16.f32 v24;
	(xrf2) =	vadd.scan.msk.f32 $0xffff, v62  }
0x206: {  	v7 =	vld [tilespmem:s8+$0x0];
	v8 =	vunpack.i.l.bf16.f32 v3;
	v9 =	vunpack.i.l.bf16.f32 v4;
	v21 =	vunpack.i.l.bf16.f32 v10  }
0x207: {  	v43 =	vld [tilespmem:s9+$0xFFFFFFC0];
	v22 =	vunpack.i.u.bf16.f32 v23;
	v37 =	vunpack.i.l.bf16.f32 v23;
	v23 =	vunpack.i.u.bf16.f32 v26  }
0x208: {  	v34 =	vld [tilespmem:s10+$0xFFFFFFD0];
	v26 =	vunpack.i.u.bf16.f32 v27;
	v27 =	vunpack.i.u.bf16.f32 v61;
	v11 =	vunpack.i.u.bf16.f32 v29  }
0x209: {  	v12 =	vunpack.i.u.bf16.f32 v18;
	v13 =	vunpack.i.l.bf16.f32 v5;
	v29 =	vunpack.i.l.bf16.f32 v18  }
0x20a: {  	v44 =	vld [tilespmem:s10+$0xFFFFFFC0];
	v18 =	vunpack.i.u.bf16.f32 v25;
	v25 =	vunpack.i.l.bf16.f32 v16;
	v14 =	vunpack.i.u.bf16.f32 v17  }
0x20b: {  	s11 =	simm.s32 $0x1;
	s12 =	simm.s32 $0x2;
	v15 =	vunpack.i.u.bf16.f32 v31;
	v17 =	vunpack.i.l.bf16.f32 v7;
	v31 =	vunpack.i.l.bf16.f32 v20  }
.LBB2_9:
0x20c: {  	p1 =	sne.s32 s12, $0xF;
	v33 =	vunpack.i.l.bf16.f32 v33;
	v48 =	vunpack.i.u.bf16.f32 v41;
	v41 =	vunpack.i.l.bf16.f32 v41  }
0x20d: {  	v50 =	vunpack.i.u.bf16.f32 v34;
	v28 =	vmul.f32 v29, v28;
	v49 =	vunpack.i.u.bf16.f32 v43  }
0x20e: {  	v36 =	vmul.f32 v38, v36;
	v30 =	vmul.f32 v35, v30;
	v29 =	vunpack.i.l.bf16.f32 v43  }
0x20f: {  	v38 =	vmul.f32 v45, v42;
	v37 =	vmul.f32 v40, v37;
	v35 =	vunpack.i.u.bf16.f32 v44;
	v40, _, _ =	vpop (xrf2)  }
0x210: {  	v43 =	vmul.f32 v47, v46;
	v42 =	vunpack.i.l.bf16.f32 v44;
	v40 =	vbroadcast v40, $0xF  }
0x211: {  	v34 =	vunpack.i.l.bf16.f32 v34;
	v29 =	vmul.f32 v42, v29;
	v35 =	vmul.f32 v35, v49  }
0x212: {  	v34 =	vmul.f32 v34, v41;
	v41 =	vmul.f32 v50, v48;
	v6 =	vsel vm9, v40, v6  }
0x213: {  	v24 =	vunpack.i.u.bf16.f32 v24;
	s8 =	sadd.s32 $0x80, s8;
	v29 =	vmul.f32 v33, v29;
	v33 =	vmul.f32 v39, v35  }
0x214: {  	v20 =	vunpack.i.u.bf16.f32 v20;
	v24 =	vmul.f32 v24, v32;
	v31 =	vmul.f32 v31, v34;
	v35 =	vld [tilespmem:s8+$0x30]  }
0x215: {  	s9 =	sadd.s32 $0x80, s9;
	v20 =	vmul.f32 v20, v41;
	v29 =	vadd.f32 $0.0e+00, v29;
	v33 =	vadd.f32 $0.0e+00, v33;
	v32 =	vld [tilespmem:s8+$0x20]  }
0x216: {  	v16 =	vunpack.i.u.bf16.f32 v16;
	v26 =	vmul.f32 v27, v26;
	s10 =	sadd.s32 $0x80, s10;
	v25 =	vmul.f32 v25, v43;
	v34 =	vld [tilespmem:s9+$0x30]  }
0x217: {  	v16 =	vmul.f32 v16, v24;
	v29 =	vadd.f32 v31, v29;
	v20 =	vadd.f32 v20, v33;
	v27 =	vld [tilespmem:s10+$0x30]  }
0x218: {  	v10 =	vunpack.i.u.bf16.f32 v10;
	v22 =	vmul.f32 v23, v22;
	v21 =	vmul.f32 v21, v38;
	v24 =	vld [tilespmem:s8+$0x10]  }
0x219: {  	v10 =	vmul.f32 v10, v26;
	v25 =	vadd.f32 v25, v29;
	v16 =	vadd.f32 v16, v20;
	v23 =	vld [tilespmem:s9+$0x20]  }
0x21a: {  	v18 =	vmul.f32 v19, v18;
	v17 =	vmul.f32 v17, v37;
	v20 =	vunpack.i.u.bf16.f32 v7;
	v26 =	vld [tilespmem:s10+$0x20]  }
0x21b: {  	v19 =	vadd.f32 v21, v25;
	v10 =	vadd.f32 v10, v16;
	v16 =	vmul.f32 v20, v22;
	v7 =	vld [tilespmem:s8+$0x0]  }
0x21c: {  	v14 =	vmul.f32 v15, v14;
	v13 =	vmul.f32 v13, v36;
	v20 =	vunpack.i.u.bf16.f32 v5;
	v21 =	vld [tilespmem:s9+$0x10]  }
0x21d: {  	v15 =	vadd.f32 v17, v19;
	v16 =	vadd.f32 v16, v10;
	v17 =	vmul.f32 v20, v18;
	v22 =	vld [tilespmem:s10+$0x10];
	v5 =	vmovc v24  }
0x21e: {  	v11 =	vmul.f32 v12, v11;
	v9 =	vmul.f32 v9, v30;
	v18 =	vunpack.i.u.bf16.f32 v4;
	v4 =	vmovc v32;
	v10 =	vld [tilespmem:s8+$0xFFFFFFF0]  }
0x21f: {  	v14 =	vmul.f32 v18, v14;
	v12 =	vadd.f32 v13, v15;
	v13 =	vadd.f32 v17, v16;
	v25 =	vld [tilespmem:s9+$0x0]  }
0x220: {  	v18 =	vmov s11;
	s11 =	smov.u32 s12;
	v15 =	vunpack.i.u.bf16.f32 v3;
	v17 =	vmul.f32 v8, v28;
	v3 =	vmovc v35;
	v31 =	vld [tilespmem:s10+$0x0]  }
0x221: {  	v11 =	vmul.f32 v15, v11;
	v12 =	vadd.f32 v9, v12;
	v13 =	vadd.f32 v14, v13;
	v16 =	vld [tilespmem:s8+$0xFFFFFFE0]  }
0x222: {  	vm9 =	veq.s32 v18, v1;
	v8 =	vunpack.i.l.bf16.f32 v3;
	v32 =	vld [tilespmem:s9+$0xFFFFFFF0]  }
0x223: {  	v9 =	vunpack.i.l.bf16.f32 v4;
	v14 =	vadd.f32 v17, v12;
	v15 =	vadd.f32 v11, v13;
	v39 =	vld [tilespmem:s10+$0xFFFFFFF0]  }
0x224: {  	v28 =	vunpack.i.l.bf16.f32 v34;
	v11 =	vunpack.i.u.bf16.f32 v34;
	v12 =	vunpack.i.u.bf16.f32 v27;
	v20 =	vld [tilespmem:s8+$0xFFFFFFD0]  }
0x225: {  	v29 =	vunpack.i.l.bf16.f32 v27;
	v13 =	vunpack.i.l.bf16.f32 v5;
	v19 =	vadd.f32 v14, v15;
	v46 =	vld [tilespmem:s9+$0xFFFFFFE0]  }
0x226: {  	v30 =	vunpack.i.l.bf16.f32 v23;
	v14 =	vunpack.i.u.bf16.f32 v23;
	v15 =	vunpack.i.u.bf16.f32 v26;
	v24 =	vld [tilespmem:s10+$0xFFFFFFE0]  }
0x227: {  	v35 =	vunpack.i.l.bf16.f32 v26;
	v18 =	vunpack.i.u.bf16.f32 v21;
	v17 =	vunpack.i.l.bf16.f32 v7;
	v33 =	vld [tilespmem:s8+$0xFFFFFFC0];
	(xrf2) =	vadd.scan.msk.f32 $0xffff, v19  }
0x228: {  	v36 =	vunpack.i.l.bf16.f32 v21;
	v38 =	vunpack.i.l.bf16.f32 v22;
	v19 =	vunpack.i.u.bf16.f32 v22;
	v41 =	vld [tilespmem:s9+$0xFFFFFFD0]  }
.Ltmp3:
0x229: {  	v21 =	vunpack.i.l.bf16.f32 v10;
	v37 =	vunpack.i.l.bf16.f32 v25;
	v22 =	vunpack.i.u.bf16.f32 v25;
	v34 =	vld [tilespmem:s10+$0xFFFFFFD0];
	(pc) =	sbr.rel @p1 .LBB2_9-.Ltmp3, $4  }
0x22a: {  	v23 =	vunpack.i.u.bf16.f32 v31;
	v40 =	vunpack.i.l.bf16.f32 v31;
	v25 =	vunpack.i.l.bf16.f32 v16;
	v43 =	vld [tilespmem:s9+$0xFFFFFFC0]  }
0x22b: {  	v26 =	vunpack.i.u.bf16.f32 v32;
	v42 =	vunpack.i.l.bf16.f32 v32;
	v27 =	vunpack.i.u.bf16.f32 v39  }
0x22c: {  	v45 =	vunpack.i.l.bf16.f32 v39;
	v31 =	vunpack.i.l.bf16.f32 v20;
	v32 =	vunpack.i.u.bf16.f32 v46;
	v44 =	vld [tilespmem:s10+$0xFFFFFFC0]  }
0x22d: {  	s12 =	sadd.s32 $0x1, s12;
	v46 =	vunpack.i.l.bf16.f32 v46;
	v47 =	vunpack.i.l.bf16.f32 v24;
	v39 =	vunpack.i.u.bf16.f32 v33  }
0x22e: {  	v48 =	vunpack.i.u.bf16.f32 v41;
	v28 =	vmul.f32 v29, v28  }
0x22f: {  	v63 =	vunpack.i.l.bf16.f32 v41;
	v36 =	vmul.f32 v38, v36;
	v30 =	vmul.f32 v35, v30  }
0x230: {  	v50 =	vunpack.i.u.bf16.f32 v34;
	v53 =	vmul.f32 v45, v42;
	v37 =	vmul.f32 v40, v37  }
0x231: {  	v55 =	vmul.f32 v47, v46;
	v56 =	vunpack.i.l.bf16.f32 v34;
	v49 =	vunpack.i.u.bf16.f32 v43  }
0x232: {  	v29 =	vunpack.i.l.bf16.f32 v43;
	v52 =	vunpack.i.u.bf16.f32 v44;
	v54 =	vunpack.i.l.bf16.f32 v44  }
0x233: {  	v33 =	vunpack.i.l.bf16.f32 v33;
	v29 =	vmul.f32 v54, v29;
	v35 =	vmul.f32 v52, v49  }
0x234: {  	v24 =	vunpack.i.u.bf16.f32 v24;
	v34 =	vmul.f32 v56, v63;
	v57 =	vmul.f32 v50, v48  }
0x235: {  	v20 =	vunpack.i.u.bf16.f32 v20;
	v29 =	vmul.f32 v33, v29;
	v58 =	vmul.f32 v39, v35  }
0x236: {  	v16 =	vunpack.i.u.bf16.f32 v16;
	v24 =	vmul.f32 v24, v32;
	v31 =	vmul.f32 v31, v34  }
0x237: {  	v20 =	vmul.f32 v20, v57;
	v29 =	vadd.f32 $0.0e+00, v29;
	v59 =	vadd.f32 $0.0e+00, v58  }
0x238: {  	v26 =	vmul.f32 v27, v26;
	v10 =	vunpack.i.u.bf16.f32 v10;
	v25 =	vmul.f32 v25, v55  }
0x239: {  	v16 =	vmul.f32 v16, v24;
	v27 =	vadd.f32 v31, v29;
	v20 =	vadd.f32 v20, v59  }
0x23a: {  	v22 =	vmul.f32 v23, v22;
	v7 =	vunpack.i.u.bf16.f32 v7;
	v21 =	vmul.f32 v21, v53  }
0x23b: {  	v10 =	vmul.f32 v10, v26;
	v23 =	vadd.f32 v25, v27;
	v16 =	vadd.f32 v16, v20  }
0x23c: {  	v18 =	vmul.f32 v19, v18;
	v5 =	vunpack.i.u.bf16.f32 v5;
	v17 =	vmul.f32 v17, v37  }
0x23d: {  	v7 =	vmul.f32 v7, v22;
	v19 =	vadd.f32 v21, v23;
	v10 =	vadd.f32 v10, v16  }
0x23e: {  	v14 =	vmul.f32 v15, v14;
	v4 =	vunpack.i.u.bf16.f32 v4;
	v13 =	vmul.f32 v13, v36  }
0x23f: {  	v5 =	vmul.f32 v5, v18;
	v15 =	vadd.f32 v17, v19;
	v7 =	vadd.f32 v7, v10  }
0x240: {  	v9 =	vmul.f32 v9, v30;
	v4 =	vmul.f32 v4, v14  }
0x241: {  	v10 =	vmul.f32 v12, v11;
	v11 =	vadd.f32 v13, v15;
	v5 =	vadd.f32 v5, v7  }
0x242: {  	v3 =	vunpack.i.u.bf16.f32 v3;
	v7 =	vmul.f32 v8, v28  }
0x243: {  	v3 =	vmul.f32 v3, v10;
	v8 =	vadd.f32 v9, v11;
	v4 =	vadd.f32 v4, v5;
	_ =	sdelay $0x1  }
0x244: {  	v5 =	vadd.f32 v7, v8;
	v3 =	vadd.f32 v3, v4;
	_ =	sdelay $0x1  }
0x245: {  	v3 =	vadd.f32 v5, v3;
	_ =	sdelay $0x1  }
0x246: {  	(xrf2) =	vadd.scan.msk.f32 $0xffff, v3;
	_ =	sdelay $0x8  }
0x247: {  	v3, _, _ =	vpop (xrf2)  }
0x248: {  	v3 =	vbroadcast v3, $0xF;
	v4, _, _ =	vpop (xrf2)  }
0x249: {  	v5 =	vmov s11;
	v4 =	vbroadcast v4, $0xF  }
0x24a: {  	v3 =	vsel vm9, v3, v6;
	vm9 =	veq.s32 v5, v1  }
0x24b: {  	v3 =	vsel vm9, v4, v3  }
0x24c: {  	s0 =	simm.s32 $0x93F0;
	[tilespmem:$0x3B60] =	vst v3  }
0x24d: {  	s1 =	simm.s32 $0x53F0;
	v8 =	vld [tilespmem:s0+$0xFFFFFFF0]  }
0x24e: {  	s2 =	simm.s32 $0x73F0;
	v3 =	vld [tilespmem:s1+$0x0]  }
0x24f: {  	v4 =	vld [tilespmem:s2+$0x0]  }
0x250: {  	v9 =	vld [tilespmem:s0+$0xFFFFFFE0]  }
0x251: {  	v5 =	vld [tilespmem:s1+$0xFFFFFFF0]  }
0x252: {  	v7 =	vld [tilespmem:s2+$0xFFFFFFF0]  }
0x253: {  	v10 =	vld [tilespmem:s0+$0xFFFFFFD0]  }
0x254: {  	v11 =	vld [tilespmem:s1+$0xFFFFFFE0]  }
0x255: {  	v12 =	vld [tilespmem:s2+$0xFFFFFFE0]  }
0x256: {  	v13 =	vld [tilespmem:s0+$0xFFFFFFC0]  }
0x257: {  	v14 =	vld [tilespmem:s1+$0xFFFFFFD0]  }
0x258: {  	v15 =	vld [tilespmem:s2+$0xFFFFFFD0]  }
0x259: {  	v16 =	vld [tilespmem:s0+$0xFFFFFFB0]  }
0x25a: {  	v17 =	vld [tilespmem:s1+$0xFFFFFFC0]  }
0x25b: {  	v18 =	vld [tilespmem:s2+$0xFFFFFFC0]  }
0x25c: {  	v21 =	vld [tilespmem:s0+$0xFFFFFFA0];
	v20 =	vunpack.i.l.bf16.f32 v8  }
0x25d: {  	v24 =	vld [tilespmem:s1+$0xFFFFFFB0];
	v22 =	vunpack.i.u.bf16.f32 v3;
	v3 =	vunpack.i.l.bf16.f32 v3;
	v23 =	vunpack.i.u.bf16.f32 v4  }
0x25e: {  	v26 =	vld [tilespmem:s2+$0xFFFFFFB0];
	v25 =	vunpack.i.l.bf16.f32 v9;
	v4 =	vunpack.i.l.bf16.f32 v4;
	v27 =	vunpack.i.u.bf16.f32 v5  }
0x25f: {  	v29 =	vld [tilespmem:s0+$0xFFFFFF90];
	v5 =	vunpack.i.l.bf16.f32 v5;
	v28 =	vunpack.i.u.bf16.f32 v7;
	v30 =	vunpack.i.l.bf16.f32 v10  }
0x260: {  	v60 =	vld [tilespmem:s1+$0xFFFFFFA0];
	v31 =	vunpack.i.u.bf16.f32 v11;
	v7 =	vunpack.i.l.bf16.f32 v7;
	v11 =	vunpack.i.l.bf16.f32 v11  }
0x261: {  	v34 =	vld [tilespmem:s2+$0xFFFFFFA0];
	v33 =	vunpack.i.u.bf16.f32 v12;
	v12 =	vunpack.i.l.bf16.f32 v12;
	v35 =	vunpack.i.l.bf16.f32 v13  }
0x262: {  	v37 =	vld [tilespmem:s1+$0xFFFFFF90];
	v36 =	vunpack.i.u.bf16.f32 v14;
	v14 =	vunpack.i.l.bf16.f32 v14;
	v38 =	vunpack.i.l.bf16.f32 v16  }
0x263: {  	v61 =	vunpack.i.u.bf16.f32 v15;
	v15 =	vunpack.i.l.bf16.f32 v15;
	v62 =	vunpack.i.u.bf16.f32 v17  }
0x264: {  	v52 =	vld [tilespmem:s2+$0xFFFFFF90];
	v17 =	vunpack.i.l.bf16.f32 v17;
	v63 =	vunpack.i.u.bf16.f32 v18;
	v53 =	vunpack.i.l.bf16.f32 v21  }
0x265: {  	v54 =	vunpack.i.u.bf16.f32 v24;
	v18 =	vunpack.i.l.bf16.f32 v18;
	v55 =	vunpack.i.u.bf16.f32 v29  }
0x266: {  	v24 =	vunpack.i.l.bf16.f32 v24;
	v56 =	vunpack.i.l.bf16.f32 v26;
	v57 =	vunpack.i.u.bf16.f32 v60  }
0x267: {  	v32 =	vunpack.i.l.bf16.f32 v60;
	v58 =	vunpack.i.u.bf16.f32 v37;
	v59 =	vunpack.i.u.bf16.f32 v34  }
0x268: {  	v60 =	vmul.f32 v4, v3;
	v3 =	vunpack.i.l.bf16.f32 v37;
	v11 =	vmul.f32 v12, v11  }
0x269: {  	v12 =	vmul.f32 v7, v5;
	v4 =	vunpack.i.u.bf16.f32 v52;
	v5 =	vmul.f32 v18, v17  }
0x26a: {  	v7 =	vmul.f32 v15, v14;
	v14 =	vunpack.i.l.bf16.f32 v52;
	v15 =	vmul.f32 v56, v24  }
0x26b: {  	v18 =	vmul.f32 v59, v57;
	v3 =	vmul.f32 v14, v3;
	v14 =	vunpack.i.l.bf16.f32 v34  }
0x26c: {  	v21 =	vunpack.i.u.bf16.f32 v21;
	v4 =	vmul.f32 v4, v58;
	v14 =	vmul.f32 v14, v32  }
0x26d: {  	v17 =	vunpack.i.l.bf16.f32 v29;
	v18 =	vmul.f32 v21, v18;
	v15 =	vmul.f32 v38, v15  }
0x26e: {  	s9 =	simm.s32 $0x5470;
	v6 =	vld [tilespmem:s0+$0x0];
	v16 =	vunpack.i.u.bf16.f32 v16;
	v17 =	vmul.f32 v17, v3;
	v4 =	vmul.f32 v55, v4  }
0x26f: {  	v41 =	vld [tilespmem:s9+$0xFFFFFFA0];
	v21 =	vmul.f32 v63, v62;
	v3 =	vunpack.i.u.bf16.f32 v26;
	v14 =	vmul.f32 v53, v14  }
0x270: {  	v29 =	vld [tilespmem:s9+$0x0];
	v24 =	vmul.f32 v3, v54;
	v17 =	vadd.f32 $0.0e+00, v17;
	v26 =	vadd.f32 $0.0e+00, v4  }
0x271: {  	s8 =	simm.s32 $0x9470;
	v13 =	vunpack.i.u.bf16.f32 v13;
	v11 =	vmul.f32 v25, v11;
	v25 =	vld [tilespmem:s9+$0xFFFFFFE0];
	v12 =	vmul.f32 v20, v12  }
0x272: {  	v20 =	vld [tilespmem:s8+$0xFFFFFFA0];
	v16 =	vmul.f32 v16, v24;
	v14 =	vadd.f32 v14, v17;
	v17 =	vadd.f32 v18, v26  }
0x273: {  	v10 =	vunpack.i.u.bf16.f32 v10;
	v63 =	vld [tilespmem:s9+$0xFFFFFFB0];
	v13 =	vmul.f32 v13, v21;
	v24 =	vmul.f32 v35, v5  }
0x274: {  	s10 =	simm.s32 $0x7470;
	v3 =	vld [tilespmem:s8+$0x0];
	v26 =	vmul.f32 v61, v36;
	v14 =	vadd.f32 v15, v14;
	v15 =	vadd.f32 v16, v17  }
0x275: {  	v9 =	vunpack.i.u.bf16.f32 v9;
	v21 =	vmul.f32 v33, v31;
	v31 =	vld [tilespmem:s10+$0xFFFFFFF0];
	v16 =	vmul.f32 v30, v7  }
0x276: {  	v33 =	vld [tilespmem:s8+$0xFFFFFF90];
	v10 =	vmul.f32 v10, v26;
	v14 =	vadd.f32 v24, v14;
	v13 =	vadd.f32 v13, v15  }
0x277: {  	v4 =	vld [tilespmem:s8+$0xFFFFFFF0];
	v9 =	vmul.f32 v9, v21  }
0x278: {  	v21 =	vld [tilespmem:s10+$0xFFFFFFE0];
	v15 =	vmul.f32 v28, v27;
	v14 =	vadd.f32 v16, v14;
	v13 =	vadd.f32 v10, v13  }
0x279: {  	v19 =	vunpack.i.l.bf16.f32 v6;
	v8 =	vunpack.i.u.bf16.f32 v8;
	v61 =	vld [tilespmem:s10+$0xFFFFFFC0];
	v16 =	vmul.f32 v23, v22  }
0x27a: {  	v17 =	vld [tilespmem:s9+$0xFFFFFFF0];
	v8 =	vmul.f32 v8, v15;
	v11 =	vadd.f32 v11, v14;
	v9 =	vadd.f32 v9, v13  }
0x27b: {  	v6 =	vunpack.i.u.bf16.f32 v6;
	v36 =	vunpack.i.l.bf16.f32 v25;
	v26 =	vld [tilespmem:s10+$0xFFFFFFD0];
	v13 =	vmul.f32 v19, v60  }
0x27c: {  	s16 =	simm.s32 $0x0;
	v27 =	vld [tilespmem:s9+$0xFFFFFFC0];
	v15 =	vmul.f32 v6, v16;
	v11 =	vadd.f32 v12, v11;
	v12 =	vadd.f32 v8, v9  }
0x27d: {  	v32 =	vunpack.i.u.bf16.f32 v63;
	v46 =	vunpack.i.l.bf16.f32 v63;
	v24 =	vld [tilespmem:s10+$0xFFFFFFB0];
	v14 =	vmov s16  }
0x27e: {  	v10 =	vld [tilespmem:s8+$0xFFFFFFC0];
	vm9 =	veq.s32 v14, v1;
	v14 =	vadd.f32 v13, v11;
	v15 =	vadd.f32 v15, v12  }
0x27f: {  	v35 =	vunpack.i.l.bf16.f32 v31;
	v39 =	vunpack.i.u.bf16.f32 v33;
	v28 =	vunpack.i.l.bf16.f32 v29;
	v23 =	vld [tilespmem:s9+$0xFFFFFFD0]  }
0x280: {  	v5 =	vld [tilespmem:s8+$0xFFFFFFE0];
	v38 =	vunpack.i.l.bf16.f32 v21;
	v45 =	vunpack.i.l.bf16.f32 v61;
	v62 =	vadd.f32 v14, v15  }
0x281: {  	v18 =	vld [tilespmem:s10+$0x0];
	v30 =	vunpack.i.l.bf16.f32 v17;
	v40 =	vunpack.i.l.bf16.f32 v26;
	v6 =	vimm.f32 $0.0e+00  }
0x282: {  	v16 =	vld [tilespmem:s8+$0xFFFFFFB0];
	v19 =	vunpack.i.u.bf16.f32 v21;
	v42 =	vunpack.i.l.bf16.f32 v27;
	v47 =	vunpack.i.l.bf16.f32 v24;
	(xrf2) =	vadd.scan.msk.f32 $0xffff, v62  }
0x283: {  	v7 =	vld [tilespmem:s8+$0xFFFFFFD0];
	v8 =	vunpack.i.l.bf16.f32 v3;
	v9 =	vunpack.i.l.bf16.f32 v4;
	v21 =	vunpack.i.l.bf16.f32 v10  }
0x284: {  	v43 =	vld [tilespmem:s9+$0xFFFFFF90];
	v22 =	vunpack.i.u.bf16.f32 v23;
	v37 =	vunpack.i.l.bf16.f32 v23;
	v23 =	vunpack.i.u.bf16.f32 v26  }
0x285: {  	v34 =	vld [tilespmem:s10+$0xFFFFFFA0];
	v26 =	vunpack.i.u.bf16.f32 v27;
	v27 =	vunpack.i.u.bf16.f32 v61;
	v11 =	vunpack.i.u.bf16.f32 v29  }
0x286: {  	v12 =	vunpack.i.u.bf16.f32 v18;
	v13 =	vunpack.i.l.bf16.f32 v5;
	v29 =	vunpack.i.l.bf16.f32 v18  }
0x287: {  	v44 =	vld [tilespmem:s10+$0xFFFFFF90];
	v18 =	vunpack.i.u.bf16.f32 v25;
	v25 =	vunpack.i.l.bf16.f32 v16;
	v14 =	vunpack.i.u.bf16.f32 v17  }
0x288: {  	s12 =	simm.s32 $0x2;
	s11 =	simm.s32 $0x1;
	v15 =	vunpack.i.u.bf16.f32 v31;
	v17 =	vunpack.i.l.bf16.f32 v7;
	v31 =	vunpack.i.l.bf16.f32 v20  }
.LBB2_11:
0x289: {  	p1 =	sne.s32 s12, $0xF;
	v33 =	vunpack.i.l.bf16.f32 v33;
	v48 =	vunpack.i.u.bf16.f32 v41;
	v41 =	vunpack.i.l.bf16.f32 v41  }
0x28a: {  	v50 =	vunpack.i.u.bf16.f32 v34;
	v28 =	vmul.f32 v29, v28;
	v49 =	vunpack.i.u.bf16.f32 v43  }
0x28b: {  	v36 =	vmul.f32 v38, v36;
	v30 =	vmul.f32 v35, v30;
	v29 =	vunpack.i.l.bf16.f32 v43  }
0x28c: {  	v38 =	vmul.f32 v45, v42;
	v37 =	vmul.f32 v40, v37;
	v35 =	vunpack.i.u.bf16.f32 v44;
	v40, _, _ =	vpop (xrf2)  }
0x28d: {  	v43 =	vmul.f32 v47, v46;
	v42 =	vunpack.i.l.bf16.f32 v44;
	v40 =	vbroadcast v40, $0xF  }
0x28e: {  	v34 =	vunpack.i.l.bf16.f32 v34;
	v29 =	vmul.f32 v42, v29;
	v35 =	vmul.f32 v35, v49  }
0x28f: {  	v34 =	vmul.f32 v34, v41;
	v41 =	vmul.f32 v50, v48;
	v6 =	vsel vm9, v40, v6  }
0x290: {  	v24 =	vunpack.i.u.bf16.f32 v24;
	s8 =	sadd.s32 $0x80, s8;
	v29 =	vmul.f32 v33, v29;
	v33 =	vmul.f32 v39, v35  }
0x291: {  	v20 =	vunpack.i.u.bf16.f32 v20;
	v24 =	vmul.f32 v24, v32;
	v31 =	vmul.f32 v31, v34;
	v35 =	vld [tilespmem:s8+$0x0]  }
0x292: {  	s9 =	sadd.s32 $0x80, s9;
	v20 =	vmul.f32 v20, v41;
	v29 =	vadd.f32 $0.0e+00, v29;
	v33 =	vadd.f32 $0.0e+00, v33;
	v32 =	vld [tilespmem:s8+$0xFFFFFFF0]  }
0x293: {  	v16 =	vunpack.i.u.bf16.f32 v16;
	v26 =	vmul.f32 v27, v26;
	s10 =	sadd.s32 $0x80, s10;
	v25 =	vmul.f32 v25, v43;
	v34 =	vld [tilespmem:s9+$0x0]  }
0x294: {  	v16 =	vmul.f32 v16, v24;
	v29 =	vadd.f32 v31, v29;
	v20 =	vadd.f32 v20, v33;
	v27 =	vld [tilespmem:s10+$0x0]  }
0x295: {  	v10 =	vunpack.i.u.bf16.f32 v10;
	v22 =	vmul.f32 v23, v22;
	v21 =	vmul.f32 v21, v38;
	v24 =	vld [tilespmem:s8+$0xFFFFFFE0]  }
0x296: {  	v10 =	vmul.f32 v10, v26;
	v25 =	vadd.f32 v25, v29;
	v16 =	vadd.f32 v16, v20;
	v23 =	vld [tilespmem:s9+$0xFFFFFFF0]  }
0x297: {  	v18 =	vmul.f32 v19, v18;
	v17 =	vmul.f32 v17, v37;
	v20 =	vunpack.i.u.bf16.f32 v7;
	v26 =	vld [tilespmem:s10+$0xFFFFFFF0]  }
0x298: {  	v19 =	vadd.f32 v21, v25;
	v10 =	vadd.f32 v10, v16;
	v16 =	vmul.f32 v20, v22;
	v7 =	vld [tilespmem:s8+$0xFFFFFFD0]  }
0x299: {  	v14 =	vmul.f32 v15, v14;
	v13 =	vmul.f32 v13, v36;
	v20 =	vunpack.i.u.bf16.f32 v5;
	v21 =	vld [tilespmem:s9+$0xFFFFFFE0]  }
0x29a: {  	v15 =	vadd.f32 v17, v19;
	v16 =	vadd.f32 v16, v10;
	v17 =	vmul.f32 v20, v18;
	v22 =	vld [tilespmem:s10+$0xFFFFFFE0];
	v5 =	vmovc v24  }
0x29b: {  	v11 =	vmul.f32 v12, v11;
	v9 =	vmul.f32 v9, v30;
	v18 =	vunpack.i.u.bf16.f32 v4;
	v4 =	vmovc v32;
	v10 =	vld [tilespmem:s8+$0xFFFFFFC0]  }
0x29c: {  	v14 =	vmul.f32 v18, v14;
	v12 =	vadd.f32 v13, v15;
	v13 =	vadd.f32 v17, v16;
	v25 =	vld [tilespmem:s9+$0xFFFFFFD0]  }
0x29d: {  	v18 =	vmov s11;
	s11 =	smov.u32 s12;
	v15 =	vunpack.i.u.bf16.f32 v3;
	v17 =	vmul.f32 v8, v28;
	v3 =	vmovc v35;
	v31 =	vld [tilespmem:s10+$0xFFFFFFD0]  }
0x29e: {  	v11 =	vmul.f32 v15, v11;
	v12 =	vadd.f32 v9, v12;
	v13 =	vadd.f32 v14, v13;
	v16 =	vld [tilespmem:s8+$0xFFFFFFB0]  }
0x29f: {  	vm9 =	veq.s32 v18, v1;
	v8 =	vunpack.i.l.bf16.f32 v3;
	v32 =	vld [tilespmem:s9+$0xFFFFFFC0]  }
0x2a0: {  	v9 =	vunpack.i.l.bf16.f32 v4;
	v14 =	vadd.f32 v17, v12;
	v15 =	vadd.f32 v11, v13;
	v39 =	vld [tilespmem:s10+$0xFFFFFFC0]  }
0x2a1: {  	v28 =	vunpack.i.l.bf16.f32 v34;
	v11 =	vunpack.i.u.bf16.f32 v34;
	v12 =	vunpack.i.u.bf16.f32 v27;
	v20 =	vld [tilespmem:s8+$0xFFFFFFA0]  }
0x2a2: {  	v29 =	vunpack.i.l.bf16.f32 v27;
	v13 =	vunpack.i.l.bf16.f32 v5;
	v19 =	vadd.f32 v14, v15;
	v46 =	vld [tilespmem:s9+$0xFFFFFFB0]  }
0x2a3: {  	v30 =	vunpack.i.l.bf16.f32 v23;
	v14 =	vunpack.i.u.bf16.f32 v23;
	v15 =	vunpack.i.u.bf16.f32 v26;
	v24 =	vld [tilespmem:s10+$0xFFFFFFB0]  }
0x2a4: {  	v35 =	vunpack.i.l.bf16.f32 v26;
	v18 =	vunpack.i.u.bf16.f32 v21;
	v17 =	vunpack.i.l.bf16.f32 v7;
	v33 =	vld [tilespmem:s8+$0xFFFFFF90];
	(xrf2) =	vadd.scan.msk.f32 $0xffff, v19  }
0x2a5: {  	v36 =	vunpack.i.l.bf16.f32 v21;
	v38 =	vunpack.i.l.bf16.f32 v22;
	v19 =	vunpack.i.u.bf16.f32 v22;
	v41 =	vld [tilespmem:s9+$0xFFFFFFA0]  }
.Ltmp4:
0x2a6: {  	v21 =	vunpack.i.l.bf16.f32 v10;
	v37 =	vunpack.i.l.bf16.f32 v25;
	v22 =	vunpack.i.u.bf16.f32 v25;
	v34 =	vld [tilespmem:s10+$0xFFFFFFA0];
	(pc) =	sbr.rel @p1 .LBB2_11-.Ltmp4, $4  }
0x2a7: {  	v23 =	vunpack.i.u.bf16.f32 v31;
	v40 =	vunpack.i.l.bf16.f32 v31;
	v25 =	vunpack.i.l.bf16.f32 v16;
	v43 =	vld [tilespmem:s9+$0xFFFFFF90]  }
0x2a8: {  	v26 =	vunpack.i.u.bf16.f32 v32;
	v42 =	vunpack.i.l.bf16.f32 v32;
	v27 =	vunpack.i.u.bf16.f32 v39  }
0x2a9: {  	v45 =	vunpack.i.l.bf16.f32 v39;
	v31 =	vunpack.i.l.bf16.f32 v20;
	v32 =	vunpack.i.u.bf16.f32 v46;
	v44 =	vld [tilespmem:s10+$0xFFFFFF90]  }
0x2aa: {  	s12 =	sadd.s32 $0x1, s12;
	v46 =	vunpack.i.l.bf16.f32 v46;
	v47 =	vunpack.i.l.bf16.f32 v24;
	v39 =	vunpack.i.u.bf16.f32 v33  }
0x2ab: {  	v48 =	vunpack.i.u.bf16.f32 v41;
	v28 =	vmul.f32 v29, v28  }
0x2ac: {  	v60 =	vunpack.i.l.bf16.f32 v41;
	v36 =	vmul.f32 v38, v36;
	v30 =	vmul.f32 v35, v30  }
0x2ad: {  	v50 =	vunpack.i.u.bf16.f32 v34;
	v63 =	vmul.f32 v45, v42;
	v37 =	vmul.f32 v40, v37  }
0x2ae: {  	v47 =	vmul.f32 v47, v46;
	v33 =	vunpack.i.l.bf16.f32 v33;
	v49 =	vunpack.i.u.bf16.f32 v43  }
0x2af: {  	v61 =	vunpack.i.l.bf16.f32 v43;
	v62 =	vunpack.i.u.bf16.f32 v44;
	v45 =	vunpack.i.l.bf16.f32 v44  }
0x2b0: {  	v29 =	vmul.f32 v45, v61;
	v35 =	vmul.f32 v62, v49;
	v49 =	vunpack.i.l.bf16.f32 v34  }
0x2b1: {  	v24 =	vunpack.i.u.bf16.f32 v24;
	v50 =	vmul.f32 v50, v48;
	v34 =	vmul.f32 v49, v60  }
0x2b2: {  	v20 =	vunpack.i.u.bf16.f32 v20;
	v29 =	vmul.f32 v33, v29;
	v51 =	vmul.f32 v39, v35  }
0x2b3: {  	v24 =	vmul.f32 v24, v32;
	v20 =	vmul.f32 v20, v50  }
0x2b4: {  	v31 =	vmul.f32 v31, v34;
	v29 =	vadd.f32 $0.0e+00, v29;
	v52 =	vadd.f32 $0.0e+00, v51  }
0x2b5: {  	v16 =	vunpack.i.u.bf16.f32 v16;
	v26 =	vmul.f32 v27, v26;
	v25 =	vmul.f32 v25, v47  }
0x2b6: {  	v16 =	vmul.f32 v16, v24;
	v53 =	vadd.f32 v31, v29;
	v20 =	vadd.f32 v20, v52  }
0x2b7: {  	v10 =	vunpack.i.u.bf16.f32 v10;
	v22 =	vmul.f32 v23, v22;
	v21 =	vmul.f32 v21, v63  }
0x2b8: {  	v10 =	vmul.f32 v10, v26;
	v54 =	vadd.f32 v25, v53;
	v16 =	vadd.f32 v16, v20  }
0x2b9: {  	v7 =	vunpack.i.u.bf16.f32 v7;
	v18 =	vmul.f32 v19, v18;
	v17 =	vmul.f32 v17, v37  }
0x2ba: {  	v7 =	vmul.f32 v7, v22;
	v55 =	vadd.f32 v21, v54;
	v10 =	vadd.f32 v10, v16  }
0x2bb: {  	v5 =	vunpack.i.u.bf16.f32 v5;
	v14 =	vmul.f32 v15, v14;
	v13 =	vmul.f32 v13, v36  }
0x2bc: {  	v5 =	vmul.f32 v5, v18;
	v56 =	vadd.f32 v17, v55;
	v7 =	vadd.f32 v7, v10  }
0x2bd: {  	v4 =	vunpack.i.u.bf16.f32 v4;
	v57 =	vmul.f32 v12, v11;
	v9 =	vmul.f32 v9, v30  }
0x2be: {  	v4 =	vmul.f32 v4, v14;
	v58 =	vadd.f32 v13, v56;
	v5 =	vadd.f32 v5, v7  }
0x2bf: {  	v3 =	vunpack.i.u.bf16.f32 v3;
	v59 =	vmul.f32 v8, v28  }
0x2c0: {  	v3 =	vmul.f32 v3, v57;
	v60 =	vadd.f32 v9, v58;
	v4 =	vadd.f32 v4, v5;
	_ =	sdelay $0x1  }
0x2c1: {  	v61 =	vadd.f32 v59, v60;
	v3 =	vadd.f32 v3, v4;
	_ =	sdelay $0x1  }
0x2c2: {  	v3 =	vadd.f32 v61, v3;
	_ =	sdelay $0x1  }
0x2c3: {  	(xrf2) =	vadd.scan.msk.f32 $0xffff, v3;
	_ =	sdelay $0x8  }
0x2c4: {  	s20 =	sadd.s32 $0x1, s20;
	v3, _, _ =	vpop (xrf2)  }
0x2c5: {  	p1 =	sne.s32 s20, $0x4F;
	v3 =	vbroadcast v3, $0xF;
	v62, _, _ =	vpop (xrf2)  }
.Ltmp5:
0x2c6: {  	v63 =	vmov s11;
	v4 =	vbroadcast v62, $0xF;
	(pc) =	sbr.rel @p1 .LBB2_4-.Ltmp5, $4  }
0x2c7: {  	s0 =	sadd.s32 s13, s15;
	v3 =	vsel vm9, v3, v6;
	vm9 =	veq.s32 v63, v1  }
0x2c8: {  	s0 =	sshrl.u32 s0, $0x3;
	v3 =	vsel vm9, v4, v3  }
0x2c9: {  	s0 =	sadd.s32 s3, s0;
	[tilespmem:$0x3B70] =	vst v3  }
0x2ca: {  	[hbm4b:s0+s14] =	stream.linear.scatter [tilespmem:s31], [sflag:$0x8], $0x20, $0x38;
	[tilespmem:$0x1DA40] =	vst v63  }
0x2cb: {  	s0 =	simm.s32 $0x7  }
0x2cc: {  	_ =	swait.ge [sflag:s0], $0x20  }
0x2cd: {  	[sflag:s0] =	ssyncset.done $0x0  }
0x2ce: {  	s1 =	simm.s32 $0x8;
	[sflag:s0] =	ssyncadd.s32 $0xFFFFFFE0  }
0x2cf: {  	_ =	swait.ge [sflag:s1], $0x20  }
0x2d0: {  	s2 =	rddreg [dreg:$0x11]  }
0x2d1: {  	s31 =	rddreg [dreg:$0xe];
	s2 =	sadd.s32 $0x1, s2  }
0x2d2: {  	p1 =	sne.s32 s2, s31  }
.Ltmp6:
0x2d3: {  	_ = 	snop;
	(pc) =	sbr.rel @p1 .LBB2_1-.Ltmp6, $3  }
0x2d4: {  	_ =	sdelay $0x1  }
0x2d5: {  	[sflag:s1] =	ssyncset.done $0x0  }
0x2d6: {  	vm9 =	vcmask $0x704;
	[sflag:s1] =	ssyncadd.s32 $0xFFFFFFE0  }
0x2d7: {  	_ =	sfence.sel $0x180000  }
0x2d8: {  	[bflag:$0x0] =	sbarrier.arrive $0xFFFF  }
0x2d9: {  	_ =	strace $0x90000047  }
0x2da: {  	[bflag:$0x2] =	sbarrier.arrive $0xFFFF  }
0x2db: {  	s0 =	rddreg [dreg:$0x8]  }
0x2dc: {  	s0 =	sadd.s32 @!p0 $0x100000, s0  }
0x2dd: {  	[sflag:s0] =	ssyncadd.tile.s32 @!p0 $0x1;
	_ =	shalt  }
.Lfunc_end2:
_tile_overlayer_lowered:
.L_overlay_start_2:
0x2de: {  	(tag) =	ssettag $0x2  }
0x2df: {  	s0 =	rddreg [dreg:$0x0];
	s2 =	stileid.u32  }
0x2e0: {  	s1 =	rddreg [dreg:$0x1];
	p0 =	sne.s32 s2, $0x0  }
0x2e1: {  	s3 =	rddreg [dreg:$0x2];
	[bflag:$0x3] =	sbarrier.arrive $0xFFFF;
	s2 =	simm.s32 @!p0 $0x1C09  }
0x2e2: {  	[timem:s3], [sflag:s2] =	dma.local @!p0 [hbm:s0], s1  }
0x2e3: {  	s0 =	simm.s32 @!p0 $0x9  }
0x2e4: {  	_ =	swait.ge @!p0 [sflag:s0], s1  }
0x2e5: {  	s1 =	ssub.s32 @!p0 $0x0, s1;
	[sflag:s0] =	ssyncset.done @!p0 $0x0  }
0x2e6: {  	[sflag:s0] =	ssyncadd.s32 @!p0 s1  }
0x2e7: {  	[bflag:$0x3] =	sbarrier.arrive $0xFFFF  }
0x2e8: {  	_ =	shalt  }

</sc_bundles>
